<compile_context>
chip_gen: v7x
topology: tpu7x:2x2x1
jax: 0.10.2.dev20260603
libtpu: 0.0.44.dev20260713+nightly
codegen_flags: <defaults>
</compile_context>

<pallas_src>
import dataclasses

import jax
import jax.numpy as jnp
from jax import lax
from jax.experimental import pallas as pl
from jax.experimental.pallas import tpu as pltpu
from jax.experimental.pallas import tpu_sc as plsc

N = 10000
E = 160000
D = 256
H = 512
T = 4

R = 2600
NP = 4
NACC = 2688
PADDST = 10240
E2 = 163840
CH = 128
RPS = NACC // 16
RB = 200
NBLK = N // RB
RB2 = 400
NBLK2 = N // RB2

EPS_SUB = E2 // 16
PBUF = EPS_SUB + CH
TRASH = PBUF
PBUFF = PBUF + 16


def _table_body(x_ref, emb_ref, out_ref):
    xb = x_ref[...]
    for t in range(T):
        e = emb_ref[t:t + 1, :]
        v = jnp.maximum(xb + e, 0.0)

        @pl.when(pl.program_id(0) == 0)
        def _():
            out_ref[t] = v[:, :128]

        @pl.when(pl.program_id(0) == 1)
        def _():
            out_ref[t] = v[:, 128:]


def _build_table(x, emb8):
    out = pl.pallas_call(
        _table_body,
        grid=(2, NBLK2),
        in_specs=[
            pl.BlockSpec((RB2, D), lambda c, i: (i, 0)),
            pl.BlockSpec((T, D), lambda c, i: (0, 0)),
        ],
        out_specs=pl.BlockSpec((T, RB2, 128), lambda c, i: (c, i, 0)),
        out_shape=jax.ShapeDtypeStruct((2 * T, N, 128), jnp.float32),
    )(x, emb8)
    return out.reshape(2 * T * N, 128)


POOL = EPS_SUB + (NP + 1) * CH


def _sc_body(tabf, gidx_hbm, dst_hbm, out_hbm,
             gidx_v, dst_v, gbp, dbp, rows_a, rows_b, zbuf, acc_sh,
             sem_a, sem_b, sem_z, sem_sa, sem_sb):
    c = lax.axis_index("c")
    s = lax.axis_index("s")
    sl = pl.ds(s * RPS, RPS)

    pltpu.sync_copy(gidx_hbm.at[s], gidx_v)
    pltpu.sync_copy(dst_hbm.at[s], dst_v)

    z16 = jnp.zeros((16,), jnp.float32)

    @pl.loop(0, CH)
    def _(r):
        for k in range(128 // 16):
            zbuf[r, pl.ds(k * 16, 16)] = z16

    def count_body(i, carry):
        d = dst_v[pl.ds(i * 16, 16)]
        out = []
        for b in range(NP):
            lo, hi = b * R, min((b + 1) * R, N)
            m = jnp.logical_and(d >= lo, d < hi)
            out.append(carry[b] + jnp.sum(m.astype(jnp.int32), axis=0))
        return tuple(out)

    cnt = lax.fori_loop(0, EPS_SUB // 16, count_body, (0,) * NP)

    bases = [0]
    for b in range(NP - 1):
        bases.append(bases[b] + ((cnt[b] + CH - 1) // CH) * CH)

    iota16 = lax.iota(jnp.int32, 16)
    gfill = jnp.full((16,), c * T * N, jnp.int32)
    dfill = jnp.full((16,), R, jnp.int32)
    for b in range(NP):
        start = bases[b] + cnt[b]
        for k in range(CH // 16):
            pos = jnp.full((16,), start + k * 16, jnp.int32) + iota16
            plsc.store_scatter(gbp, [pos], gfill)
            plsc.store_scatter(dbp, [pos], dfill)

    coff = jnp.full((16,), c * T * N, jnp.int32)

    def part_body(i, carry):
        offs = carry
        d = dst_v[pl.ds(i * 16, 16)]
        g = gidx_v[pl.ds(i * 16, 16)] + coff
        trash = jnp.full((16,), POOL - 16, jnp.int32)
        new_offs = []
        for b in range(NP):
            lo, hi = b * R, min((b + 1) * R, N)
            m = jnp.logical_and(d >= lo, d < hi)
            cs = plsc.cumsum(m.astype(jnp.int32))
            pos = jnp.where(m, jnp.full((16,), offs[b] - 1, jnp.int32) + cs,
                            trash)
            plsc.store_scatter(gbp, [pos], g)
            plsc.store_scatter(dbp, [pos], d - lo)
            new_offs.append(offs[b] + jnp.sum(m.astype(jnp.int32), axis=0))
        return tuple(new_offs)

    lax.fori_loop(0, EPS_SUB // 16, part_body, tuple(bases))

    @pl.loop(0, NP)
    def _(p):
        nedges = cnt[NP - 1]
        base = bases[NP - 1]
        for b in range(NP - 1):
            nedges = jnp.where(p == b, cnt[b], nedges)
            base = jnp.where(p == b, bases[b], base)
        nch = jnp.maximum((nedges + CH - 1) // CH, 1)

        pltpu.async_copy(zbuf, acc_sh.at[pl.ds(s * RPS, CH)], sem_z).wait()
        pltpu.async_copy(zbuf.at[pl.ds(0, RPS - CH)],
                         acc_sh.at[pl.ds(s * RPS + CH, RPS - CH)],
                         sem_z).wait()
        plsc.subcore_barrier()

        def scatter(rows, j):
            for k in range(CH // 16):
                d16 = dbp[pl.ds(base + j * CH + k * 16, 16)]
                pltpu.sync_copy(rows.at[pl.ds(k * 16, 16)], acc_sh.at[d16],
                                add=True)

        def gather(j, buf, sem):
            return pltpu.make_async_copy(
                tabf.at[gbp.at[pl.ds(base + j * CH, CH)]], buf, sem)

        gather(0, rows_a, sem_a).start()

        @pl.loop(0, nch, step=2)
        def _(j):
            gather(j, rows_a, sem_a).wait()

            @pl.when(j + 1 < nch)
            def _():
                gather(j + 1, rows_b, sem_b).start()

            scatter(rows_a, j)

            @pl.when(j + 2 < nch)
            def _():
                gather(j + 2, rows_a, sem_a).start()

            @pl.when(j + 1 < nch)
            def _():
                gather(j + 1, rows_b, sem_b).wait()
                scatter(rows_b, j + 1)

        plsc.subcore_barrier()
        pltpu.sync_copy(acc_sh.at[sl], out_hbm.at[c, p, sl])
        plsc.subcore_barrier()


def _sc_aggregate(tabf, gidx, dst):
    mesh = plsc.VectorSubcoreMesh(core_axis_name="c", subcore_axis_name="s")
    cp = pltpu.CompilerParams()
    if "needs_layout_passes" in pltpu.CompilerParams.__dataclass_fields__:
        cp = dataclasses.replace(cp, needs_layout_passes=False)
    f = pl.kernel(
        _sc_body,
        out_type=jax.ShapeDtypeStruct((2, NP, NACC, 128), jnp.float32),
        compiler_params=cp,
        mesh=mesh,
        scratch_types=[
            pltpu.VMEM((EPS_SUB,), jnp.int32),
            pltpu.VMEM((EPS_SUB,), jnp.int32),
            pltpu.VMEM((POOL,), jnp.int32),
            pltpu.VMEM((POOL,), jnp.int32),
            pltpu.VMEM((CH, 128), jnp.float32),
            pltpu.VMEM((CH, 128), jnp.float32),
            pltpu.VMEM((CH, 128), jnp.float32),
            pltpu.VMEM_SHARED((NACC, 128), jnp.float32),
            pltpu.SemaphoreType.DMA,
            pltpu.SemaphoreType.DMA,
            pltpu.SemaphoreType.DMA,
            pltpu.SemaphoreType.DMA,
            pltpu.SemaphoreType.DMA,
        ],
    )
    return f(tabf, gidx, dst)


def _mlp1_body(x_ref, a0_ref, a1_ref, eps_ref, w1_ref, h1_ref, s_ref, q_ref):
    agg = jnp.concatenate([a0_ref[0, 0], a1_ref[0, 0]], axis=1)
    h = x_ref[...] * (1.0 + eps_ref[0, 0]) + agg
    h1 = jnp.dot(h.astype(jnp.bfloat16), w1_ref[...].astype(jnp.bfloat16),
                 preferred_element_type=jnp.float32)
    h1_ref[...] = h1.astype(jnp.bfloat16)
    s8 = jnp.sum(h1.reshape(RB // 8, 8, H), axis=0)
    q8 = jnp.sum((h1 * h1).reshape(RB // 8, 8, H), axis=0)

    @pl.when(pl.program_id(0) == 0)
    def _():
        s_ref[...] = s8
        q_ref[...] = q8

    @pl.when(pl.program_id(0) > 0)
    def _():
        s_ref[...] += s8
        q_ref[...] += q8


def _mlp1(x, aggr, epsr, W1):
    nb = R // RB
    return pl.pallas_call(
        _mlp1_body,
        grid=(NBLK,),
        in_specs=[
            pl.BlockSpec((RB, D), lambda i: (i, 0)),
            pl.BlockSpec((1, 1, RB, 128), lambda i: (0, i // nb, i % nb, 0)),
            pl.BlockSpec((1, 1, RB, 128), lambda i: (1, i // nb, i % nb, 0)),
            pl.BlockSpec(memory_space=pltpu.SMEM),
            pl.BlockSpec((D, H), lambda i: (0, 0)),
        ],
        out_specs=[
            pl.BlockSpec((RB, H), lambda i: (i, 0)),
            pl.BlockSpec((8, H), lambda i: (0, 0)),
            pl.BlockSpec((8, H), lambda i: (0, 0)),
        ],
        out_shape=[
            jax.ShapeDtypeStruct((N, H), jnp.bfloat16),
            jax.ShapeDtypeStruct((8, H), jnp.float32),
            jax.ShapeDtypeStruct((8, H), jnp.float32),
        ],
    )(x, aggr, aggr, epsr, W1)


def _mlp2_body(h1_ref, s_ref, q_ref, p_ref, w2_ref, h2_ref, s2_ref, q2_ref):
    ssum = jnp.sum(s_ref[...], axis=0, keepdims=True)
    mean = ssum / N
    var = jnp.sum(q_ref[...], axis=0, keepdims=True) / N - mean * mean
    a = p_ref[0:1, :] * lax.rsqrt(var + 1e-5)
    cb = p_ref[1:2, :] - mean * a
    u = jnp.maximum(h1_ref[...] * a + cb, 0.0)
    h2 = jnp.dot(u.astype(jnp.bfloat16), w2_ref[...].astype(jnp.bfloat16),
                 preferred_element_type=jnp.float32)
    h2_ref[...] = h2.astype(jnp.bfloat16)
    s8 = jnp.sum(h2.reshape(RB2 // 8, 8, H), axis=0)
    q8 = jnp.sum((h2 * h2).reshape(RB2 // 8, 8, H), axis=0)

    @pl.when(pl.program_id(0) == 0)
    def _():
        s2_ref[...] = s8
        q2_ref[...] = q8

    @pl.when(pl.program_id(0) > 0)
    def _():
        s2_ref[...] += s8
        q2_ref[...] += q8


def _mlp2(h1, s1, q1, P1, W2):
    return pl.pallas_call(
        _mlp2_body,
        grid=(NBLK2,),
        in_specs=[
            pl.BlockSpec((RB2, H), lambda i: (i, 0)),
            pl.BlockSpec((8, H), lambda i: (0, 0)),
            pl.BlockSpec((8, H), lambda i: (0, 0)),
            pl.BlockSpec((8, H), lambda i: (0, 0)),
            pl.BlockSpec((H, H), lambda i: (0, 0)),
        ],
        out_specs=[
            pl.BlockSpec((RB2, H), lambda i: (i, 0)),
            pl.BlockSpec((8, H), lambda i: (0, 0)),
            pl.BlockSpec((8, H), lambda i: (0, 0)),
        ],
        out_shape=[
            jax.ShapeDtypeStruct((N, H), jnp.bfloat16),
            jax.ShapeDtypeStruct((8, H), jnp.float32),
            jax.ShapeDtypeStruct((8, H), jnp.float32),
        ],
    )(h1, s1, q1, P1, W2)


def _mlp3_body(h2_ref, s_ref, q_ref, p_ref, w3_ref, b3_ref, x_ref, y_ref):
    ssum = jnp.sum(s_ref[...], axis=0, keepdims=True)
    mean = ssum / N
    var = jnp.sum(q_ref[...], axis=0, keepdims=True) / N - mean * mean
    a = p_ref[0:1, :] * lax.rsqrt(var + 1e-5)
    cb = p_ref[1:2, :] - mean * a
    u = jnp.maximum(h2_ref[...] * a + cb, 0.0)
    y = jnp.dot(u.astype(jnp.bfloat16), w3_ref[...].astype(jnp.bfloat16),
                 preferred_element_type=jnp.float32)
    y_ref[...] = y + b3_ref[0:1, :] + x_ref[...]


def _mlp3(h2, s2, q2, P2, W3, b3r, x):
    return pl.pallas_call(
        _mlp3_body,
        grid=(NBLK2,),
        in_specs=[
            pl.BlockSpec((RB2, H), lambda i: (i, 0)),
            pl.BlockSpec((8, H), lambda i: (0, 0)),
            pl.BlockSpec((8, H), lambda i: (0, 0)),
            pl.BlockSpec((8, H), lambda i: (0, 0)),
            pl.BlockSpec((H, D), lambda i: (0, 0)),
            pl.BlockSpec((8, D), lambda i: (0, 0)),
            pl.BlockSpec((RB2, D), lambda i: (i, 0)),
        ],
        out_specs=pl.BlockSpec((RB2, D), lambda i: (i, 0)),
        out_shape=jax.ShapeDtypeStruct((N, D), jnp.float32),
    )(h2, s2, q2, P2, W3, b3r, x)


def kernel(x, edge_index, edge_attr, edge_emb, eps, W1, g1, b1, W2, g2, b2,
           W3, b3):
    src = edge_index[0]
    dst = edge_index[1]

    tabf = _build_table(x, edge_emb)

    gidx = edge_attr * N + src
    gidx = jnp.concatenate([gidx, jnp.zeros((E2 - E,), jnp.int32)])
    dstp = jnp.concatenate([dst, jnp.full((E2 - E,), PADDST, jnp.int32)])
    gidx = gidx.reshape(16, EPS_SUB)
    dstp = dstp.reshape(16, EPS_SUB)
    aggr = _sc_aggregate(tabf, gidx, dstp)

    epsr = eps.reshape(1, 1)
    P1 = jnp.zeros((8, H), jnp.float32).at[0].set(g1).at[1].set(b1)
    P2 = jnp.zeros((8, H), jnp.float32).at[0].set(g2).at[1].set(b2)
    b3r = jnp.zeros((8, D), jnp.float32).at[0].set(b3)

    h1, s1, q1 = _mlp1(x, aggr, epsr, W1)
    h2, s2, q2 = _mlp2(h1, s1, q1, P1, W2)
    y = _mlp3(h2, s2, q2, P2, W3, b3r, x)
    return y

# --- scband reference (transcript-rebuilt; emitter-appended) ---
"""Pipeline reference for scband-model-layer-31928786878539 (READ-ONLY COPY).

The authoritative reference and input builder live on the scoring server;
editing this copy changes nothing except your own understanding.
"""

import jax, jax.numpy as jnp
import numpy as np

N = 10000
E = 160000
D = 256
H = 512
NUM_EDGE_TYPES = 4


def _batchnorm(h, gamma, beta, eps=1e-5):
    # torch BatchNorm1d in training mode: normalize with biased batch stats
    mean = jnp.mean(h, axis=0)
    var = jnp.var(h, axis=0)
    return (h - mean) / jnp.sqrt(var + eps) * gamma + beta


def setup_inputs(seed: int = 0) -> dict:
    key = jax.random.key(seed)
    ks = jax.random.split(key, 14)
    x = jax.random.normal(ks[0], (N, D), dtype=jnp.float32)
    edge_index = jax.random.randint(ks[1], (2, E), 0, N, dtype=jnp.int32)
    edge_attr = jax.random.randint(ks[2], (E,), 0, NUM_EDGE_TYPES, dtype=jnp.int32)
    # learned params
    edge_emb = jax.random.normal(ks[3], (NUM_EDGE_TYPES, D), dtype=jnp.float32) * 0.1
    eps = jnp.zeros((), dtype=jnp.float32)  # GINEConv eps, train_eps=True, init 0
    s1 = 1.0 / np.sqrt(D)
    s2 = 1.0 / np.sqrt(H)
    W1 = jax.random.uniform(ks[4], (D, H), minval=-s1, maxval=s1, dtype=jnp.float32)
    g1 = jnp.ones((H,), dtype=jnp.float32)
    b1 = jnp.zeros((H,), dtype=jnp.float32)
    W2 = jax.random.uniform(ks[5], (H, H), minval=-s2, maxval=s2, dtype=jnp.float32)
    g2 = jnp.ones((H,), dtype=jnp.float32)
    b2 = jnp.zeros((H,), dtype=jnp.float32)
    W3 = jax.random.uniform(ks[6], (H, D), minval=-s2, maxval=s2, dtype=jnp.float32)
    b3 = jax.random.uniform(ks[7], (D,), minval=-s2, maxval=s2, dtype=jnp.float32)
    return {"x": x, "edge_index": edge_index, "edge_attr": edge_attr,
            "edge_emb": edge_emb, "eps": eps,
            "W1": W1, "g1": g1, "b1": b1,
            "W2": W2, "g2": g2, "b2": b2,
            "W3": W3, "b3": b3}


def reference(x, edge_index, edge_attr, edge_emb, eps, W1, g1, b1, W2, g2, b2, W3, b3):
    src = edge_index[0]
    dst = edge_index[1]
    # edge encoder: Embedding(4, D)
    e = jnp.take(edge_emb, edge_attr, axis=0)
    # GINEConv message: ReLU(x_j + edge_emb), aggregated by sum at dst
    msg = jax.nn.relu(jnp.take(x, src, axis=0) + e)
    aggr = jnp.zeros_like(x).at[dst].add(msg)
    h = (1.0 + eps) * x + aggr
    # MLP: Linear(D,H,no bias) -> BN -> ReLU -> Linear(H,H,no bias) -> BN -> ReLU -> Linear(H,D,bias)
    h = h @ W1
    h = jax.nn.relu(_batchnorm(h, g1, b1))
    h = h @ W2
    h = jax.nn.relu(_batchnorm(h, g2, b2))
    h = h @ W3 + b3
    # residual
    y = h + x
    return y

if __name__ == "__main__":
    import jax
    _d = setup_inputs()
    print(jax.jit(kernel)(*tuple(_d.values())))

</pallas_src>

<mosaic_0001>
#map = affine_map<(d0, d1) -> (0, 0)>
#map1 = affine_map<(d0, d1) -> (0, 0, 0, 0)>
module attributes {stable_mosaic.version = 14 : i64} {
  func.func @_sc_body(%arg0: i32, %arg1: i32, %arg2: memref<80000x128xf32, #tpu.memory_space<hbm>>, %arg3: memref<16x10240xi32, #tpu.memory_space<hbm>>, %arg4: memref<16x10240xi32, #tpu.memory_space<hbm>>, %arg5: memref<2x4x2688x128xf32, #tpu.memory_space<hbm>>, %arg6: memref<10240xi32, #tpu.memory_space<vmem>>, %arg7: memref<10240xi32, #tpu.memory_space<vmem>>, %arg8: memref<10880xi32, #tpu.memory_space<vmem>>, %arg9: memref<10880xi32, #tpu.memory_space<vmem>>, %arg10: memref<128x128xf32, #tpu.memory_space<vmem>>, %arg11: memref<128x128xf32, #tpu.memory_space<vmem>>, %arg12: memref<128x128xf32, #tpu.memory_space<vmem>>, %arg13: memref<2688x128xf32, #tpu.memory_space<vmem_shared>>, %arg14: memref<!tpu.dma_semaphore, #tpu.memory_space<semaphore_mem>>, %arg15: memref<!tpu.dma_semaphore, #tpu.memory_space<semaphore_mem>>, %arg16: memref<!tpu.dma_semaphore, #tpu.memory_space<semaphore_mem>>, %arg17: memref<!tpu.dma_semaphore, #tpu.memory_space<semaphore_mem>>, %arg18: memref<!tpu.dma_semaphore, #tpu.memory_space<semaphore_mem>>) attributes {dimension_semantics = [#tpu.dimension_semantics<core_parallel>, #tpu.dimension_semantics<subcore_parallel>], iteration_bounds = array<i64: 2, 16>, scalar_prefetch = 0 : i64, scratch_operands = 13 : i64, tpu.core_type = #tpu.core_type<sc_vector_subcore>, window_params = [{transform_indices = #map}, {transform_indices = #map}, {transform_indices = #map}, {transform_indices = #map1}]} {
    %mul3A = arith.constant 168 : i32
    %mul3A_0 = arith.muli %arg1, %mul3A : i32
    "tpu.region"() ({
      %run_scoped3A = tpu.sem_alloc : memref<!tpu.dma_semaphore, #tpu.memory_space<semaphore_mem>>
      %dma_start3A = arith.constant 0 : i32
      %dma_start3A_258 = tpu.memref_slice %arg3[%arg1, %dma_start3A] : memref<16x10240xi32, #tpu.memory_space<hbm>> -> memref<1x10240xi32, #tpu.memory_space<hbm>>
      %dma_start3A_259 = tpu.memref_squeeze %dma_start3A_258 : memref<1x10240xi32, #tpu.memory_space<hbm>> -> memref<10240xi32, #tpu.memory_space<hbm>>
      %dma_start3A_260 = arith.constant 0 : i32
      %dma_start3A_261 = tpu.memref_slice %arg3[%arg1, %dma_start3A_260] : memref<16x10240xi32, #tpu.memory_space<hbm>> -> memref<1x10240xi32, #tpu.memory_space<hbm>>
      %dma_start3A_262 = tpu.memref_squeeze %dma_start3A_261 : memref<1x10240xi32, #tpu.memory_space<hbm>> -> memref<10240xi32, #tpu.memory_space<hbm>>
      tpu.enqueue_dma source(%dma_start3A_262 : memref<10240xi32, #tpu.memory_space<hbm>>) target(%arg6 : memref<10240xi32, #tpu.memory_space<vmem>>) target_semaphore(%run_scoped3A : memref<!tpu.dma_semaphore, #tpu.memory_space<semaphore_mem>>)
      %dma_wait3A = arith.constant 0 : i32
      %dma_wait3A_263 = tpu.memref_slice %arg3[%arg1, %dma_wait3A] : memref<16x10240xi32, #tpu.memory_space<hbm>> -> memref<1x10240xi32, #tpu.memory_space<hbm>>
      %dma_wait3A_264 = tpu.memref_squeeze %dma_wait3A_263 : memref<1x10240xi32, #tpu.memory_space<hbm>> -> memref<10240xi32, #tpu.memory_space<hbm>>
      %dma_wait3A_265 = arith.constant 0 : i32
      %dma_wait3A_266 = tpu.memref_slice %arg3[%arg1, %dma_wait3A_265] : memref<16x10240xi32, #tpu.memory_space<hbm>> -> memref<1x10240xi32, #tpu.memory_space<hbm>>
      %dma_wait3A_267 = tpu.memref_squeeze %dma_wait3A_266 : memref<1x10240xi32, #tpu.memory_space<hbm>> -> memref<10240xi32, #tpu.memory_space<hbm>>
      tpu.wait_dma2 semaphore(%run_scoped3A : memref<!tpu.dma_semaphore, #tpu.memory_space<semaphore_mem>>) src(%dma_wait3A_267 : memref<10240xi32, #tpu.memory_space<hbm>>) dst(%arg6 : memref<10240xi32, #tpu.memory_space<vmem>>)
      tpu.yield
    }) : () -> ()
    "tpu.region"() ({
      %run_scoped3A = tpu.sem_alloc : memref<!tpu.dma_semaphore, #tpu.memory_space<semaphore_mem>>
      %dma_start3A = arith.constant 0 : i32
      %dma_start3A_258 = tpu.memref_slice %arg4[%arg1, %dma_start3A] : memref<16x10240xi32, #tpu.memory_space<hbm>> -> memref<1x10240xi32, #tpu.memory_space<hbm>>
      %dma_start3A_259 = tpu.memref_squeeze %dma_start3A_258 : memref<1x10240xi32, #tpu.memory_space<hbm>> -> memref<10240xi32, #tpu.memory_space<hbm>>
      %dma_start3A_260 = arith.constant 0 : i32
      %dma_start3A_261 = tpu.memref_slice %arg4[%arg1, %dma_start3A_260] : memref<16x10240xi32, #tpu.memory_space<hbm>> -> memref<1x10240xi32, #tpu.memory_space<hbm>>
      %dma_start3A_262 = tpu.memref_squeeze %dma_start3A_261 : memref<1x10240xi32, #tpu.memory_space<hbm>> -> memref<10240xi32, #tpu.memory_space<hbm>>
      tpu.enqueue_dma source(%dma_start3A_262 : memref<10240xi32, #tpu.memory_space<hbm>>) target(%arg7 : memref<10240xi32, #tpu.memory_space<vmem>>) target_semaphore(%run_scoped3A : memref<!tpu.dma_semaphore, #tpu.memory_space<semaphore_mem>>)
      %dma_wait3A = arith.constant 0 : i32
      %dma_wait3A_263 = tpu.memref_slice %arg4[%arg1, %dma_wait3A] : memref<16x10240xi32, #tpu.memory_space<hbm>> -> memref<1x10240xi32, #tpu.memory_space<hbm>>
      %dma_wait3A_264 = tpu.memref_squeeze %dma_wait3A_263 : memref<1x10240xi32, #tpu.memory_space<hbm>> -> memref<10240xi32, #tpu.memory_space<hbm>>
      %dma_wait3A_265 = arith.constant 0 : i32
      %dma_wait3A_266 = tpu.memref_slice %arg4[%arg1, %dma_wait3A_265] : memref<16x10240xi32, #tpu.memory_space<hbm>> -> memref<1x10240xi32, #tpu.memory_space<hbm>>
      %dma_wait3A_267 = tpu.memref_squeeze %dma_wait3A_266 : memref<1x10240xi32, #tpu.memory_space<hbm>> -> memref<10240xi32, #tpu.memory_space<hbm>>
      tpu.wait_dma2 semaphore(%run_scoped3A : memref<!tpu.dma_semaphore, #tpu.memory_space<semaphore_mem>>) src(%dma_wait3A_267 : memref<10240xi32, #tpu.memory_space<hbm>>) dst(%arg7 : memref<10240xi32, #tpu.memory_space<vmem>>)
      tpu.yield
    }) : () -> ()
    %broadcast_in_dim3A = arith.constant 0.000000e+00 : f32
    %broadcast_in_dim3A_1 = vector.broadcast %broadcast_in_dim3A : f32 to vector<16xf32>
    %scan3A = arith.constant 0 : i32
    %scan3A_2 = arith.constant 128 : i32
    %scan3A_3 = arith.addi %scan3A, %scan3A_2 : i32
    %scan3A_4 = arith.constant 1 : i32
    scf.for %scan3A_258 = %scan3A to %scan3A_3 step %scan3A_4  : i32 {
      %mul3A_259 = arith.constant 1 : i32
      %mul3A_260 = arith.muli %scan3A_258, %mul3A_259 : i32
      %add3A_261 = arith.constant 0 : i32
      %add3A_262 = arith.addi %add3A_261, %mul3A_260 : i32
      %swap3A = arith.index_cast %add3A_262 : i32 to index
      %swap3A_263 = arith.constant 0 : index
      %swap3A_264 = tpu.vector_load %arg12[%swap3A, %swap3A_263] {strides = array<i32>} : memref<128x128xf32, #tpu.memory_space<vmem>>, vector<16xf32>,
      tpu.vector_store %arg12[%swap3A, %swap3A_263], %broadcast_in_dim3A_1 {strides = array<i32>} : memref<128x128xf32, #tpu.memory_space<vmem>>, vector<16xf32>,
      %swap3A_265 = arith.index_cast %add3A_262 : i32 to index
      %swap3A_266 = arith.constant 16 : index
      %swap3A_267 = tpu.vector_load %arg12[%swap3A_265, %swap3A_266] {strides = array<i32>} : memref<128x128xf32, #tpu.memory_space<vmem>>, vector<16xf32>,
      tpu.vector_store %arg12[%swap3A_265, %swap3A_266], %broadcast_in_dim3A_1 {strides = array<i32>} : memref<128x128xf32, #tpu.memory_space<vmem>>, vector<16xf32>,
      %swap3A_268 = arith.index_cast %add3A_262 : i32 to index
      %swap3A_269 = arith.constant 32 : index
      %swap3A_270 = tpu.vector_load %arg12[%swap3A_268, %swap3A_269] {strides = array<i32>} : memref<128x128xf32, #tpu.memory_space<vmem>>, vector<16xf32>,
      tpu.vector_store %arg12[%swap3A_268, %swap3A_269], %broadcast_in_dim3A_1 {strides = array<i32>} : memref<128x128xf32, #tpu.memory_space<vmem>>, vector<16xf32>,
      %swap3A_271 = arith.index_cast %add3A_262 : i32 to index
      %swap3A_272 = arith.constant 48 : index
      %swap3A_273 = tpu.vector_load %arg12[%swap3A_271, %swap3A_272] {strides = array<i32>} : memref<128x128xf32, #tpu.memory_space<vmem>>, vector<16xf32>,
      tpu.vector_store %arg12[%swap3A_271, %swap3A_272], %broadcast_in_dim3A_1 {strides = array<i32>} : memref<128x128xf32, #tpu.memory_space<vmem>>, vector<16xf32>,
      %swap3A_274 = arith.index_cast %add3A_262 : i32 to index
      %swap3A_275 = arith.constant 64 : index
      %swap3A_276 = tpu.vector_load %arg12[%swap3A_274, %swap3A_275] {strides = array<i32>} : memref<128x128xf32, #tpu.memory_space<vmem>>, vector<16xf32>,
      tpu.vector_store %arg12[%swap3A_274, %swap3A_275], %broadcast_in_dim3A_1 {strides = array<i32>} : memref<128x128xf32, #tpu.memory_space<vmem>>, vector<16xf32>,
      %swap3A_277 = arith.index_cast %add3A_262 : i32 to index
      %swap3A_278 = arith.constant 80 : index
      %swap3A_279 = tpu.vector_load %arg12[%swap3A_277, %swap3A_278] {strides = array<i32>} : memref<128x128xf32, #tpu.memory_space<vmem>>, vector<16xf32>,
      tpu.vector_store %arg12[%swap3A_277, %swap3A_278], %broadcast_in_dim3A_1 {strides = array<i32>} : memref<128x128xf32, #tpu.memory_space<vmem>>, vector<16xf32>,
      %swap3A_280 = arith.index_cast %add3A_262 : i32 to index
      %swap3A_281 = arith.constant 96 : index
      %swap3A_282 = tpu.vector_load %arg12[%swap3A_280, %swap3A_281] {strides = array<i32>} : memref<128x128xf32, #tpu.memory_space<vmem>>, vector<16xf32>,
      tpu.vector_store %arg12[%swap3A_280, %swap3A_281], %broadcast_in_dim3A_1 {strides = array<i32>} : memref<128x128xf32, #tpu.memory_space<vmem>>, vector<16xf32>,
      %swap3A_283 = arith.index_cast %add3A_262 : i32 to index
      %swap3A_284 = arith.constant 112 : index
      %swap3A_285 = tpu.vector_load %arg12[%swap3A_283, %swap3A_284] {strides = array<i32>} : memref<128x128xf32, #tpu.memory_space<vmem>>, vector<16xf32>,
      tpu.vector_store %arg12[%swap3A_283, %swap3A_284], %broadcast_in_dim3A_1 {strides = array<i32>} : memref<128x128xf32, #tpu.memory_space<vmem>>, vector<16xf32>,
    }
    %scan3A_5 = arith.constant 128 : i32
    %scan3A_6 = arith.constant 0 : i32
    %scan3A_7 = arith.constant 0 : i32
    %scan3A_8 = arith.constant 0 : i32
    %scan3A_9 = arith.constant 0 : i32
    %scan3A_10 = arith.constant 0 : i32
    %scan3A_11 = arith.constant 640 : i32
    %scan3A_12 = arith.addi %scan3A_10, %scan3A_11 : i32
    %scan3A_13 = arith.constant 1 : i32
    %scan3A_14:4 = scf.for %scan3A_258 = %scan3A_10 to %scan3A_12 step %scan3A_13 iter_args(%scan3A_259 = %scan3A_6, %scan3A_260 = %scan3A_7, %scan3A_261 = %scan3A_8, %scan3A_262 = %scan3A_9) -> (i32, i32, i32, i32)  : i32 {
      %mul3A_263 = arith.constant 16 : i32
      %mul3A_264 = arith.muli %scan3A_258, %mul3A_263 : i32
      %get3A = arith.index_cast %mul3A_264 : i32 to index
      %get3A_265 = tpu.vector_load %arg7[%get3A] {strides = array<i32>} : memref<10240xi32, #tpu.memory_space<vmem>>, vector<16xi32>,
      %ge3A = arith.constant 0 : i32
      %ge3A_266 = vector.broadcast %ge3A : i32 to vector<16xi32>
      %ge3A_267 = arith.cmpi sge, %get3A_265, %ge3A_266 : vector<16xi32>
      %lt3A = arith.constant 2600 : i32
      %lt3A_268 = vector.broadcast %lt3A : i32 to vector<16xi32>
      %lt3A_269 = arith.cmpi slt, %get3A_265, %lt3A_268 : vector<16xi32>
      %and3A_270 = arith.andi %ge3A_267, %lt3A_269 : vector<16xi1>
      %convert_element_type3A = arith.extui %and3A_270 : vector<16xi1> to vector<16xi32>
      %reduce_sum3A = arith.constant true
      %reduce_sum3A_271 = vector.broadcast %reduce_sum3A : i1 to vector<16xi1>
      %reduce_sum3A_272 = tpu.scan <sum>, %convert_element_type3A masked %reduce_sum3A_271 : vector<16xi32>, vector<16xi1> -> vector<16xi32>
      %reduce_sum3A_273 = vector.extract %reduce_sum3A_272[15] : i32 from vector<16xi32>
      %add3A_274 = arith.addi %scan3A_259, %reduce_sum3A_273 : i32
      %ge3A_275 = arith.constant 2600 : i32
      %ge3A_276 = vector.broadcast %ge3A_275 : i32 to vector<16xi32>
      %ge3A_277 = arith.cmpi sge, %get3A_265, %ge3A_276 : vector<16xi32>
      %lt3A_278 = arith.constant 5200 : i32
      %lt3A_279 = vector.broadcast %lt3A_278 : i32 to vector<16xi32>
      %lt3A_280 = arith.cmpi slt, %get3A_265, %lt3A_279 : vector<16xi32>
      %and3A_281 = arith.andi %ge3A_277, %lt3A_280 : vector<16xi1>
      %convert_element_type3A_282 = arith.extui %and3A_281 : vector<16xi1> to vector<16xi32>
      %reduce_sum3A_283 = arith.constant true
      %reduce_sum3A_284 = vector.broadcast %reduce_sum3A_283 : i1 to vector<16xi1>
      %reduce_sum3A_285 = tpu.scan <sum>, %convert_element_type3A_282 masked %reduce_sum3A_284 : vector<16xi32>, vector<16xi1> -> vector<16xi32>
      %reduce_sum3A_286 = vector.extract %reduce_sum3A_285[15] : i32 from vector<16xi32>
      %add3A_287 = arith.addi %scan3A_260, %reduce_sum3A_286 : i32
      %ge3A_288 = arith.constant 5200 : i32
      %ge3A_289 = vector.broadcast %ge3A_288 : i32 to vector<16xi32>
      %ge3A_290 = arith.cmpi sge, %get3A_265, %ge3A_289 : vector<16xi32>
      %lt3A_291 = arith.constant 7800 : i32
      %lt3A_292 = vector.broadcast %lt3A_291 : i32 to vector<16xi32>
      %lt3A_293 = arith.cmpi slt, %get3A_265, %lt3A_292 : vector<16xi32>
      %and3A_294 = arith.andi %ge3A_290, %lt3A_293 : vector<16xi1>
      %convert_element_type3A_295 = arith.extui %and3A_294 : vector<16xi1> to vector<16xi32>
      %reduce_sum3A_296 = arith.constant true
      %reduce_sum3A_297 = vector.broadcast %reduce_sum3A_296 : i1 to vector<16xi1>
      %reduce_sum3A_298 = tpu.scan <sum>, %convert_element_type3A_295 masked %reduce_sum3A_297 : vector<16xi32>, vector<16xi1> -> vector<16xi32>
      %reduce_sum3A_299 = vector.extract %reduce_sum3A_298[15] : i32 from vector<16xi32>
      %add3A_300 = arith.addi %scan3A_261, %reduce_sum3A_299 : i32
      %ge3A_301 = arith.constant 7800 : i32
      %ge3A_302 = vector.broadcast %ge3A_301 : i32 to vector<16xi32>
      %ge3A_303 = arith.cmpi sge, %get3A_265, %ge3A_302 : vector<16xi32>
      %lt3A_304 = arith.constant 10000 : i32
      %lt3A_305 = vector.broadcast %lt3A_304 : i32 to vector<16xi32>
      %lt3A_306 = arith.cmpi slt, %get3A_265, %lt3A_305 : vector<16xi32>
      %and3A_307 = arith.andi %ge3A_303, %lt3A_306 : vector<16xi1>
      %convert_element_type3A_308 = arith.extui %and3A_307 : vector<16xi1> to vector<16xi32>
      %reduce_sum3A_309 = arith.constant true
      %reduce_sum3A_310 = vector.broadcast %reduce_sum3A_309 : i1 to vector<16xi1>
      %reduce_sum3A_311 = tpu.scan <sum>, %convert_element_type3A_308 masked %reduce_sum3A_310 : vector<16xi32>, vector<16xi1> -> vector<16xi32>
      %reduce_sum3A_312 = vector.extract %reduce_sum3A_311[15] : i32 from vector<16xi32>
      %add3A_313 = arith.addi %scan3A_262, %reduce_sum3A_312 : i32
      scf.yield %add3A_274, %add3A_287, %add3A_300, %add3A_313 : i32, i32, i32, i32
    }
    %scan3A_15 = arith.constant 640 : i32
    %add3A = arith.constant 128 : i32
    %add3A_16 = arith.addi %scan3A_14#0, %add3A : i32
    %sub3A = arith.constant 1 : i32
    %sub3A_17 = arith.subi %add3A_16, %sub3A : i32
    %jit3A = arith.constant 128 : i32
    %div3A = arith.divsi %sub3A_17, %jit3A : i32
    %sign3A = arith.constant 0 : i32
    %sign3A_18 = arith.cmpi sgt, %sub3A_17, %sign3A : i32
    %sign3A_19 = arith.extui %sign3A_18 : i1 to i32
    %sign3A_20 = arith.constant 0 : i32
    %sign3A_21 = arith.cmpi slt, %sub3A_17, %sign3A_20 : i32
    %sign3A_22 = arith.extui %sign3A_21 : i1 to i32
    %sign3A_23 = arith.subi %sign3A_19, %sign3A_22 : i32
    %sign3A_24 = arith.constant 0 : i32
    %sign3A_25 = arith.cmpi sgt, %jit3A, %sign3A_24 : i32
    %sign3A_26 = arith.extui %sign3A_25 : i1 to i32
    %sign3A_27 = arith.constant 0 : i32
    %sign3A_28 = arith.cmpi slt, %jit3A, %sign3A_27 : i32
    %sign3A_29 = arith.extui %sign3A_28 : i1 to i32
    %sign3A_30 = arith.subi %sign3A_26, %sign3A_29 : i32
    %ne3A = arith.cmpi ne, %sign3A_23, %sign3A_30 : i32
    %rem3A = arith.remsi %sub3A_17, %jit3A : i32
    %ne3A_31 = arith.constant 0 : i32
    %ne3A_32 = arith.cmpi ne, %rem3A, %ne3A_31 : i32
    %and3A = arith.andi %ne3A, %ne3A_32 : i1
    %sub3A_33 = arith.constant 1 : i32
    %sub3A_34 = arith.subi %div3A, %sub3A_33 : i32
    %select_n3A = arith.select %and3A, %sub3A_34, %div3A : i32
    %mul3A_35 = arith.constant 128 : i32
    %mul3A_36 = arith.muli %select_n3A, %mul3A_35 : i32
    %add3A_37 = arith.constant 0 : i32
    %add3A_38 = arith.addi %add3A_37, %mul3A_36 : i32
    %add3A_39 = arith.constant 128 : i32
    %add3A_40 = arith.addi %scan3A_14#1, %add3A_39 : i32
    %sub3A_41 = arith.constant 1 : i32
    %sub3A_42 = arith.subi %add3A_40, %sub3A_41 : i32
    %jit3A_43 = arith.constant 128 : i32
    %div3A_44 = arith.divsi %sub3A_42, %jit3A_43 : i32
    %sign3A_45 = arith.constant 0 : i32
    %sign3A_46 = arith.cmpi sgt, %sub3A_42, %sign3A_45 : i32
    %sign3A_47 = arith.extui %sign3A_46 : i1 to i32
    %sign3A_48 = arith.constant 0 : i32
    %sign3A_49 = arith.cmpi slt, %sub3A_42, %sign3A_48 : i32
    %sign3A_50 = arith.extui %sign3A_49 : i1 to i32
    %sign3A_51 = arith.subi %sign3A_47, %sign3A_50 : i32
    %sign3A_52 = arith.constant 0 : i32
    %sign3A_53 = arith.cmpi sgt, %jit3A_43, %sign3A_52 : i32
    %sign3A_54 = arith.extui %sign3A_53 : i1 to i32
    %sign3A_55 = arith.constant 0 : i32
    %sign3A_56 = arith.cmpi slt, %jit3A_43, %sign3A_55 : i32
    %sign3A_57 = arith.extui %sign3A_56 : i1 to i32
    %sign3A_58 = arith.subi %sign3A_54, %sign3A_57 : i32
    %ne3A_59 = arith.cmpi ne, %sign3A_51, %sign3A_58 : i32
    %rem3A_60 = arith.remsi %sub3A_42, %jit3A_43 : i32
    %ne3A_61 = arith.constant 0 : i32
    %ne3A_62 = arith.cmpi ne, %rem3A_60, %ne3A_61 : i32
    %and3A_63 = arith.andi %ne3A_59, %ne3A_62 : i1
    %sub3A_64 = arith.constant 1 : i32
    %sub3A_65 = arith.subi %div3A_44, %sub3A_64 : i32
    %select_n3A_66 = arith.select %and3A_63, %sub3A_65, %div3A_44 : i32
    %mul3A_67 = arith.constant 128 : i32
    %mul3A_68 = arith.muli %select_n3A_66, %mul3A_67 : i32
    %add3A_69 = arith.addi %add3A_38, %mul3A_68 : i32
    %add3A_70 = arith.constant 128 : i32
    %add3A_71 = arith.addi %scan3A_14#2, %add3A_70 : i32
    %sub3A_72 = arith.constant 1 : i32
    %sub3A_73 = arith.subi %add3A_71, %sub3A_72 : i32
    %jit3A_74 = arith.constant 128 : i32
    %div3A_75 = arith.divsi %sub3A_73, %jit3A_74 : i32
    %sign3A_76 = arith.constant 0 : i32
    %sign3A_77 = arith.cmpi sgt, %sub3A_73, %sign3A_76 : i32
    %sign3A_78 = arith.extui %sign3A_77 : i1 to i32
    %sign3A_79 = arith.constant 0 : i32
    %sign3A_80 = arith.cmpi slt, %sub3A_73, %sign3A_79 : i32
    %sign3A_81 = arith.extui %sign3A_80 : i1 to i32
    %sign3A_82 = arith.subi %sign3A_78, %sign3A_81 : i32
    %sign3A_83 = arith.constant 0 : i32
    %sign3A_84 = arith.cmpi sgt, %jit3A_74, %sign3A_83 : i32
    %sign3A_85 = arith.extui %sign3A_84 : i1 to i32
    %sign3A_86 = arith.constant 0 : i32
    %sign3A_87 = arith.cmpi slt, %jit3A_74, %sign3A_86 : i32
    %sign3A_88 = arith.extui %sign3A_87 : i1 to i32
    %sign3A_89 = arith.subi %sign3A_85, %sign3A_88 : i32
    %ne3A_90 = arith.cmpi ne, %sign3A_82, %sign3A_89 : i32
    %rem3A_91 = arith.remsi %sub3A_73, %jit3A_74 : i32
    %ne3A_92 = arith.constant 0 : i32
    %ne3A_93 = arith.cmpi ne, %rem3A_91, %ne3A_92 : i32
    %and3A_94 = arith.andi %ne3A_90, %ne3A_93 : i1
    %sub3A_95 = arith.constant 1 : i32
    %sub3A_96 = arith.subi %div3A_75, %sub3A_95 : i32
    %select_n3A_97 = arith.select %and3A_94, %sub3A_96, %div3A_75 : i32
    %mul3A_98 = arith.constant 128 : i32
    %mul3A_99 = arith.muli %select_n3A_97, %mul3A_98 : i32
    %add3A_100 = arith.addi %add3A_69, %mul3A_99 : i32
    %iota3A = tpu.iota {dimensions = array<i32: 0>} : vector<16xi32>
    %mul3A_101 = arith.constant 4 : i32
    %mul3A_102 = arith.muli %arg0, %mul3A_101 : i32
    %mul3A_103 = arith.constant 10000 : i32
    %mul3A_104 = arith.muli %mul3A_102, %mul3A_103 : i32
    %broadcast_in_dim3A_105 = vector.broadcast %mul3A_104 : i32 to vector<16xi32>
    %broadcast_in_dim3A_106 = arith.constant 2600 : i32
    %broadcast_in_dim3A_107 = vector.broadcast %broadcast_in_dim3A_106 : i32 to vector<16xi32>
    %add3A_108 = arith.constant 0 : i32
    %add3A_109 = arith.addi %add3A_108, %scan3A_14#0 : i32
    %add3A_110 = arith.constant 0 : i32
    %add3A_111 = arith.addi %add3A_109, %add3A_110 : i32
    %broadcast_in_dim3A_112 = vector.broadcast %add3A_111 : i32 to vector<16xi32>
    %add3A_113 = arith.addi %broadcast_in_dim3A_112, %iota3A : vector<16xi32>
    tpu.vector_store_idx %arg8[%add3A_113], %broadcast_in_dim3A_105 : memref<10880xi32, #tpu.memory_space<vmem>>[vector<16xi32>], vector<16xi32>,
    tpu.vector_store_idx %arg9[%add3A_113], %broadcast_in_dim3A_107 : memref<10880xi32, #tpu.memory_space<vmem>>[vector<16xi32>], vector<16xi32>,
    %add3A_114 = arith.constant 16 : i32
    %add3A_115 = arith.addi %add3A_109, %add3A_114 : i32
    %broadcast_in_dim3A_116 = vector.broadcast %add3A_115 : i32 to vector<16xi32>
    %add3A_117 = arith.addi %broadcast_in_dim3A_116, %iota3A : vector<16xi32>
    tpu.vector_store_idx %arg8[%add3A_117], %broadcast_in_dim3A_105 : memref<10880xi32, #tpu.memory_space<vmem>>[vector<16xi32>], vector<16xi32>,
    tpu.vector_store_idx %arg9[%add3A_117], %broadcast_in_dim3A_107 : memref<10880xi32, #tpu.memory_space<vmem>>[vector<16xi32>], vector<16xi32>,
    %add3A_118 = arith.constant 32 : i32
    %add3A_119 = arith.addi %add3A_109, %add3A_118 : i32
    %broadcast_in_dim3A_120 = vector.broadcast %add3A_119 : i32 to vector<16xi32>
    %add3A_121 = arith.addi %broadcast_in_dim3A_120, %iota3A : vector<16xi32>
    tpu.vector_store_idx %arg8[%add3A_121], %broadcast_in_dim3A_105 : memref<10880xi32, #tpu.memory_space<vmem>>[vector<16xi32>], vector<16xi32>,
    tpu.vector_store_idx %arg9[%add3A_121], %broadcast_in_dim3A_107 : memref<10880xi32, #tpu.memory_space<vmem>>[vector<16xi32>], vector<16xi32>,
    %add3A_122 = arith.constant 48 : i32
    %add3A_123 = arith.addi %add3A_109, %add3A_122 : i32
    %broadcast_in_dim3A_124 = vector.broadcast %add3A_123 : i32 to vector<16xi32>
    %add3A_125 = arith.addi %broadcast_in_dim3A_124, %iota3A : vector<16xi32>
    tpu.vector_store_idx %arg8[%add3A_125], %broadcast_in_dim3A_105 : memref<10880xi32, #tpu.memory_space<vmem>>[vector<16xi32>], vector<16xi32>,
    tpu.vector_store_idx %arg9[%add3A_125], %broadcast_in_dim3A_107 : memref<10880xi32, #tpu.memory_space<vmem>>[vector<16xi32>], vector<16xi32>,
    %add3A_126 = arith.constant 64 : i32
    %add3A_127 = arith.addi %add3A_109, %add3A_126 : i32
    %broadcast_in_dim3A_128 = vector.broadcast %add3A_127 : i32 to vector<16xi32>
    %add3A_129 = arith.addi %broadcast_in_dim3A_128, %iota3A : vector<16xi32>
    tpu.vector_store_idx %arg8[%add3A_129], %broadcast_in_dim3A_105 : memref<10880xi32, #tpu.memory_space<vmem>>[vector<16xi32>], vector<16xi32>,
    tpu.vector_store_idx %arg9[%add3A_129], %broadcast_in_dim3A_107 : memref<10880xi32, #tpu.memory_space<vmem>>[vector<16xi32>], vector<16xi32>,
    %add3A_130 = arith.constant 80 : i32
    %add3A_131 = arith.addi %add3A_109, %add3A_130 : i32
    %broadcast_in_dim3A_132 = vector.broadcast %add3A_131 : i32 to vector<16xi32>
    %add3A_133 = arith.addi %broadcast_in_dim3A_132, %iota3A : vector<16xi32>
    tpu.vector_store_idx %arg8[%add3A_133], %broadcast_in_dim3A_105 : memref<10880xi32, #tpu.memory_space<vmem>>[vector<16xi32>], vector<16xi32>,
    tpu.vector_store_idx %arg9[%add3A_133], %broadcast_in_dim3A_107 : memref<10880xi32, #tpu.memory_space<vmem>>[vector<16xi32>], vector<16xi32>,
    %add3A_134 = arith.constant 96 : i32
    %add3A_135 = arith.addi %add3A_109, %add3A_134 : i32
    %broadcast_in_dim3A_136 = vector.broadcast %add3A_135 : i32 to vector<16xi32>
    %add3A_137 = arith.addi %broadcast_in_dim3A_136, %iota3A : vector<16xi32>
    tpu.vector_store_idx %arg8[%add3A_137], %broadcast_in_dim3A_105 : memref<10880xi32, #tpu.memory_space<vmem>>[vector<16xi32>], vector<16xi32>,
    tpu.vector_store_idx %arg9[%add3A_137], %broadcast_in_dim3A_107 : memref<10880xi32, #tpu.memory_space<vmem>>[vector<16xi32>], vector<16xi32>,
    %add3A_138 = arith.constant 112 : i32
    %add3A_139 = arith.addi %add3A_109, %add3A_138 : i32
    %broadcast_in_dim3A_140 = vector.broadcast %add3A_139 : i32 to vector<16xi32>
    %add3A_141 = arith.addi %broadcast_in_dim3A_140, %iota3A : vector<16xi32>
    tpu.vector_store_idx %arg8[%add3A_141], %broadcast_in_dim3A_105 : memref<10880xi32, #tpu.memory_space<vmem>>[vector<16xi32>], vector<16xi32>,
    tpu.vector_store_idx %arg9[%add3A_141], %broadcast_in_dim3A_107 : memref<10880xi32, #tpu.memory_space<vmem>>[vector<16xi32>], vector<16xi32>,
    %add3A_142 = arith.addi %add3A_38, %scan3A_14#1 : i32
    %add3A_143 = arith.constant 0 : i32
    %add3A_144 = arith.addi %add3A_142, %add3A_143 : i32
    %broadcast_in_dim3A_145 = vector.broadcast %add3A_144 : i32 to vector<16xi32>
    %add3A_146 = arith.addi %broadcast_in_dim3A_145, %iota3A : vector<16xi32>
    tpu.vector_store_idx %arg8[%add3A_146], %broadcast_in_dim3A_105 : memref<10880xi32, #tpu.memory_space<vmem>>[vector<16xi32>], vector<16xi32>,
    tpu.vector_store_idx %arg9[%add3A_146], %broadcast_in_dim3A_107 : memref<10880xi32, #tpu.memory_space<vmem>>[vector<16xi32>], vector<16xi32>,
    %add3A_147 = arith.constant 16 : i32
    %add3A_148 = arith.addi %add3A_142, %add3A_147 : i32
    %broadcast_in_dim3A_149 = vector.broadcast %add3A_148 : i32 to vector<16xi32>
    %add3A_150 = arith.addi %broadcast_in_dim3A_149, %iota3A : vector<16xi32>
    tpu.vector_store_idx %arg8[%add3A_150], %broadcast_in_dim3A_105 : memref<10880xi32, #tpu.memory_space<vmem>>[vector<16xi32>], vector<16xi32>,
    tpu.vector_store_idx %arg9[%add3A_150], %broadcast_in_dim3A_107 : memref<10880xi32, #tpu.memory_space<vmem>>[vector<16xi32>], vector<16xi32>,
    %add3A_151 = arith.constant 32 : i32
    %add3A_152 = arith.addi %add3A_142, %add3A_151 : i32
    %broadcast_in_dim3A_153 = vector.broadcast %add3A_152 : i32 to vector<16xi32>
    %add3A_154 = arith.addi %broadcast_in_dim3A_153, %iota3A : vector<16xi32>
    tpu.vector_store_idx %arg8[%add3A_154], %broadcast_in_dim3A_105 : memref<10880xi32, #tpu.memory_space<vmem>>[vector<16xi32>], vector<16xi32>,
    tpu.vector_store_idx %arg9[%add3A_154], %broadcast_in_dim3A_107 : memref<10880xi32, #tpu.memory_space<vmem>>[vector<16xi32>], vector<16xi32>,
    %add3A_155 = arith.constant 48 : i32
    %add3A_156 = arith.addi %add3A_142, %add3A_155 : i32
    %broadcast_in_dim3A_157 = vector.broadcast %add3A_156 : i32 to vector<16xi32>
    %add3A_158 = arith.addi %broadcast_in_dim3A_157, %iota3A : vector<16xi32>
    tpu.vector_store_idx %arg8[%add3A_158], %broadcast_in_dim3A_105 : memref<10880xi32, #tpu.memory_space<vmem>>[vector<16xi32>], vector<16xi32>,
    tpu.vector_store_idx %arg9[%add3A_158], %broadcast_in_dim3A_107 : memref<10880xi32, #tpu.memory_space<vmem>>[vector<16xi32>], vector<16xi32>,
    %add3A_159 = arith.constant 64 : i32
    %add3A_160 = arith.addi %add3A_142, %add3A_159 : i32
    %broadcast_in_dim3A_161 = vector.broadcast %add3A_160 : i32 to vector<16xi32>
    %add3A_162 = arith.addi %broadcast_in_dim3A_161, %iota3A : vector<16xi32>
    tpu.vector_store_idx %arg8[%add3A_162], %broadcast_in_dim3A_105 : memref<10880xi32, #tpu.memory_space<vmem>>[vector<16xi32>], vector<16xi32>,
    tpu.vector_store_idx %arg9[%add3A_162], %broadcast_in_dim3A_107 : memref<10880xi32, #tpu.memory_space<vmem>>[vector<16xi32>], vector<16xi32>,
    %add3A_163 = arith.constant 80 : i32
    %add3A_164 = arith.addi %add3A_142, %add3A_163 : i32
    %broadcast_in_dim3A_165 = vector.broadcast %add3A_164 : i32 to vector<16xi32>
    %add3A_166 = arith.addi %broadcast_in_dim3A_165, %iota3A : vector<16xi32>
    tpu.vector_store_idx %arg8[%add3A_166], %broadcast_in_dim3A_105 : memref<10880xi32, #tpu.memory_space<vmem>>[vector<16xi32>], vector<16xi32>,
    tpu.vector_store_idx %arg9[%add3A_166], %broadcast_in_dim3A_107 : memref<10880xi32, #tpu.memory_space<vmem>>[vector<16xi32>], vector<16xi32>,
    %add3A_167 = arith.constant 96 : i32
    %add3A_168 = arith.addi %add3A_142, %add3A_167 : i32
    %broadcast_in_dim3A_169 = vector.broadcast %add3A_168 : i32 to vector<16xi32>
    %add3A_170 = arith.addi %broadcast_in_dim3A_169, %iota3A : vector<16xi32>
    tpu.vector_store_idx %arg8[%add3A_170], %broadcast_in_dim3A_105 : memref<10880xi32, #tpu.memory_space<vmem>>[vector<16xi32>], vector<16xi32>,
    tpu.vector_store_idx %arg9[%add3A_170], %broadcast_in_dim3A_107 : memref<10880xi32, #tpu.memory_space<vmem>>[vector<16xi32>], vector<16xi32>,
    %add3A_171 = arith.constant 112 : i32
    %add3A_172 = arith.addi %add3A_142, %add3A_171 : i32
    %broadcast_in_dim3A_173 = vector.broadcast %add3A_172 : i32 to vector<16xi32>
    %add3A_174 = arith.addi %broadcast_in_dim3A_173, %iota3A : vector<16xi32>
    tpu.vector_store_idx %arg8[%add3A_174], %broadcast_in_dim3A_105 : memref<10880xi32, #tpu.memory_space<vmem>>[vector<16xi32>], vector<16xi32>,
    tpu.vector_store_idx %arg9[%add3A_174], %broadcast_in_dim3A_107 : memref<10880xi32, #tpu.memory_space<vmem>>[vector<16xi32>], vector<16xi32>,
    %add3A_175 = arith.addi %add3A_69, %scan3A_14#2 : i32
    %add3A_176 = arith.constant 0 : i32
    %add3A_177 = arith.addi %add3A_175, %add3A_176 : i32
    %broadcast_in_dim3A_178 = vector.broadcast %add3A_177 : i32 to vector<16xi32>
    %add3A_179 = arith.addi %broadcast_in_dim3A_178, %iota3A : vector<16xi32>
    tpu.vector_store_idx %arg8[%add3A_179], %broadcast_in_dim3A_105 : memref<10880xi32, #tpu.memory_space<vmem>>[vector<16xi32>], vector<16xi32>,
    tpu.vector_store_idx %arg9[%add3A_179], %broadcast_in_dim3A_107 : memref<10880xi32, #tpu.memory_space<vmem>>[vector<16xi32>], vector<16xi32>,
    %add3A_180 = arith.constant 16 : i32
    %add3A_181 = arith.addi %add3A_175, %add3A_180 : i32
    %broadcast_in_dim3A_182 = vector.broadcast %add3A_181 : i32 to vector<16xi32>
    %add3A_183 = arith.addi %broadcast_in_dim3A_182, %iota3A : vector<16xi32>
    tpu.vector_store_idx %arg8[%add3A_183], %broadcast_in_dim3A_105 : memref<10880xi32, #tpu.memory_space<vmem>>[vector<16xi32>], vector<16xi32>,
    tpu.vector_store_idx %arg9[%add3A_183], %broadcast_in_dim3A_107 : memref<10880xi32, #tpu.memory_space<vmem>>[vector<16xi32>], vector<16xi32>,
    %add3A_184 = arith.constant 32 : i32
    %add3A_185 = arith.addi %add3A_175, %add3A_184 : i32
    %broadcast_in_dim3A_186 = vector.broadcast %add3A_185 : i32 to vector<16xi32>
    %add3A_187 = arith.addi %broadcast_in_dim3A_186, %iota3A : vector<16xi32>
    tpu.vector_store_idx %arg8[%add3A_187], %broadcast_in_dim3A_105 : memref<10880xi32, #tpu.memory_space<vmem>>[vector<16xi32>], vector<16xi32>,
    tpu.vector_store_idx %arg9[%add3A_187], %broadcast_in_dim3A_107 : memref<10880xi32, #tpu.memory_space<vmem>>[vector<16xi32>], vector<16xi32>,
    %add3A_188 = arith.constant 48 : i32
    %add3A_189 = arith.addi %add3A_175, %add3A_188 : i32
    %broadcast_in_dim3A_190 = vector.broadcast %add3A_189 : i32 to vector<16xi32>
    %add3A_191 = arith.addi %broadcast_in_dim3A_190, %iota3A : vector<16xi32>
    tpu.vector_store_idx %arg8[%add3A_191], %broadcast_in_dim3A_105 : memref<10880xi32, #tpu.memory_space<vmem>>[vector<16xi32>], vector<16xi32>,
    tpu.vector_store_idx %arg9[%add3A_191], %broadcast_in_dim3A_107 : memref<10880xi32, #tpu.memory_space<vmem>>[vector<16xi32>], vector<16xi32>,
    %add3A_192 = arith.constant 64 : i32
    %add3A_193 = arith.addi %add3A_175, %add3A_192 : i32
    %broadcast_in_dim3A_194 = vector.broadcast %add3A_193 : i32 to vector<16xi32>
    %add3A_195 = arith.addi %broadcast_in_dim3A_194, %iota3A : vector<16xi32>
    tpu.vector_store_idx %arg8[%add3A_195], %broadcast_in_dim3A_105 : memref<10880xi32, #tpu.memory_space<vmem>>[vector<16xi32>], vector<16xi32>,
    tpu.vector_store_idx %arg9[%add3A_195], %broadcast_in_dim3A_107 : memref<10880xi32, #tpu.memory_space<vmem>>[vector<16xi32>], vector<16xi32>,
    %add3A_196 = arith.constant 80 : i32
    %add3A_197 = arith.addi %add3A_175, %add3A_196 : i32
    %broadcast_in_dim3A_198 = vector.broadcast %add3A_197 : i32 to vector<16xi32>
    %add3A_199 = arith.addi %broadcast_in_dim3A_198, %iota3A : vector<16xi32>
    tpu.vector_store_idx %arg8[%add3A_199], %broadcast_in_dim3A_105 : memref<10880xi32, #tpu.memory_space<vmem>>[vector<16xi32>], vector<16xi32>,
    tpu.vector_store_idx %arg9[%add3A_199], %broadcast_in_dim3A_107 : memref<10880xi32, #tpu.memory_space<vmem>>[vector<16xi32>], vector<16xi32>,
    %add3A_200 = arith.constant 96 : i32
    %add3A_201 = arith.addi %add3A_175, %add3A_200 : i32
    %broadcast_in_dim3A_202 = vector.broadcast %add3A_201 : i32 to vector<16xi32>
    %add3A_203 = arith.addi %broadcast_in_dim3A_202, %iota3A : vector<16xi32>
    tpu.vector_store_idx %arg8[%add3A_203], %broadcast_in_dim3A_105 : memref<10880xi32, #tpu.memory_space<vmem>>[vector<16xi32>], vector<16xi32>,
    tpu.vector_store_idx %arg9[%add3A_203], %broadcast_in_dim3A_107 : memref<10880xi32, #tpu.memory_space<vmem>>[vector<16xi32>], vector<16xi32>,
    %add3A_204 = arith.constant 112 : i32
    %add3A_205 = arith.addi %add3A_175, %add3A_204 : i32
    %broadcast_in_dim3A_206 = vector.broadcast %add3A_205 : i32 to vector<16xi32>
    %add3A_207 = arith.addi %broadcast_in_dim3A_206, %iota3A : vector<16xi32>
    tpu.vector_store_idx %arg8[%add3A_207], %broadcast_in_dim3A_105 : memref<10880xi32, #tpu.memory_space<vmem>>[vector<16xi32>], vector<16xi32>,
    tpu.vector_store_idx %arg9[%add3A_207], %broadcast_in_dim3A_107 : memref<10880xi32, #tpu.memory_space<vmem>>[vector<16xi32>], vector<16xi32>,
    %add3A_208 = arith.addi %add3A_100, %scan3A_14#3 : i32
    %add3A_209 = arith.constant 0 : i32
    %add3A_210 = arith.addi %add3A_208, %add3A_209 : i32
    %broadcast_in_dim3A_211 = vector.broadcast %add3A_210 : i32 to vector<16xi32>
    %add3A_212 = arith.addi %broadcast_in_dim3A_211, %iota3A : vector<16xi32>
    tpu.vector_store_idx %arg8[%add3A_212], %broadcast_in_dim3A_105 : memref<10880xi32, #tpu.memory_space<vmem>>[vector<16xi32>], vector<16xi32>,
    tpu.vector_store_idx %arg9[%add3A_212], %broadcast_in_dim3A_107 : memref<10880xi32, #tpu.memory_space<vmem>>[vector<16xi32>], vector<16xi32>,
    %add3A_213 = arith.constant 16 : i32
    %add3A_214 = arith.addi %add3A_208, %add3A_213 : i32
    %broadcast_in_dim3A_215 = vector.broadcast %add3A_214 : i32 to vector<16xi32>
    %add3A_216 = arith.addi %broadcast_in_dim3A_215, %iota3A : vector<16xi32>
    tpu.vector_store_idx %arg8[%add3A_216], %broadcast_in_dim3A_105 : memref<10880xi32, #tpu.memory_space<vmem>>[vector<16xi32>], vector<16xi32>,
    tpu.vector_store_idx %arg9[%add3A_216], %broadcast_in_dim3A_107 : memref<10880xi32, #tpu.memory_space<vmem>>[vector<16xi32>], vector<16xi32>,
    %add3A_217 = arith.constant 32 : i32
    %add3A_218 = arith.addi %add3A_208, %add3A_217 : i32
    %broadcast_in_dim3A_219 = vector.broadcast %add3A_218 : i32 to vector<16xi32>
    %add3A_220 = arith.addi %broadcast_in_dim3A_219, %iota3A : vector<16xi32>
    tpu.vector_store_idx %arg8[%add3A_220], %broadcast_in_dim3A_105 : memref<10880xi32, #tpu.memory_space<vmem>>[vector<16xi32>], vector<16xi32>,
    tpu.vector_store_idx %arg9[%add3A_220], %broadcast_in_dim3A_107 : memref<10880xi32, #tpu.memory_space<vmem>>[vector<16xi32>], vector<16xi32>,
    %add3A_221 = arith.constant 48 : i32
    %add3A_222 = arith.addi %add3A_208, %add3A_221 : i32
    %broadcast_in_dim3A_223 = vector.broadcast %add3A_222 : i32 to vector<16xi32>
    %add3A_224 = arith.addi %broadcast_in_dim3A_223, %iota3A : vector<16xi32>
    tpu.vector_store_idx %arg8[%add3A_224], %broadcast_in_dim3A_105 : memref<10880xi32, #tpu.memory_space<vmem>>[vector<16xi32>], vector<16xi32>,
    tpu.vector_store_idx %arg9[%add3A_224], %broadcast_in_dim3A_107 : memref<10880xi32, #tpu.memory_space<vmem>>[vector<16xi32>], vector<16xi32>,
    %add3A_225 = arith.constant 64 : i32
    %add3A_226 = arith.addi %add3A_208, %add3A_225 : i32
    %broadcast_in_dim3A_227 = vector.broadcast %add3A_226 : i32 to vector<16xi32>
    %add3A_228 = arith.addi %broadcast_in_dim3A_227, %iota3A : vector<16xi32>
    tpu.vector_store_idx %arg8[%add3A_228], %broadcast_in_dim3A_105 : memref<10880xi32, #tpu.memory_space<vmem>>[vector<16xi32>], vector<16xi32>,
    tpu.vector_store_idx %arg9[%add3A_228], %broadcast_in_dim3A_107 : memref<10880xi32, #tpu.memory_space<vmem>>[vector<16xi32>], vector<16xi32>,
    %add3A_229 = arith.constant 80 : i32
    %add3A_230 = arith.addi %add3A_208, %add3A_229 : i32
    %broadcast_in_dim3A_231 = vector.broadcast %add3A_230 : i32 to vector<16xi32>
    %add3A_232 = arith.addi %broadcast_in_dim3A_231, %iota3A : vector<16xi32>
    tpu.vector_store_idx %arg8[%add3A_232], %broadcast_in_dim3A_105 : memref<10880xi32, #tpu.memory_space<vmem>>[vector<16xi32>], vector<16xi32>,
    tpu.vector_store_idx %arg9[%add3A_232], %broadcast_in_dim3A_107 : memref<10880xi32, #tpu.memory_space<vmem>>[vector<16xi32>], vector<16xi32>,
    %add3A_233 = arith.constant 96 : i32
    %add3A_234 = arith.addi %add3A_208, %add3A_233 : i32
    %broadcast_in_dim3A_235 = vector.broadcast %add3A_234 : i32 to vector<16xi32>
    %add3A_236 = arith.addi %broadcast_in_dim3A_235, %iota3A : vector<16xi32>
    tpu.vector_store_idx %arg8[%add3A_236], %broadcast_in_dim3A_105 : memref<10880xi32, #tpu.memory_space<vmem>>[vector<16xi32>], vector<16xi32>,
    tpu.vector_store_idx %arg9[%add3A_236], %broadcast_in_dim3A_107 : memref<10880xi32, #tpu.memory_space<vmem>>[vector<16xi32>], vector<16xi32>,
    %add3A_237 = arith.constant 112 : i32
    %add3A_238 = arith.addi %add3A_208, %add3A_237 : i32
    %broadcast_in_dim3A_239 = vector.broadcast %add3A_238 : i32 to vector<16xi32>
    %add3A_240 = arith.addi %broadcast_in_dim3A_239, %iota3A : vector<16xi32>
    tpu.vector_store_idx %arg8[%add3A_240], %broadcast_in_dim3A_105 : memref<10880xi32, #tpu.memory_space<vmem>>[vector<16xi32>], vector<16xi32>,
    tpu.vector_store_idx %arg9[%add3A_240], %broadcast_in_dim3A_107 : memref<10880xi32, #tpu.memory_space<vmem>>[vector<16xi32>], vector<16xi32>,
    %mul3A_241 = arith.constant 4 : i32
    %mul3A_242 = arith.muli %arg0, %mul3A_241 : i32
    %mul3A_243 = arith.constant 10000 : i32
    %mul3A_244 = arith.muli %mul3A_242, %mul3A_243 : i32
    %broadcast_in_dim3A_245 = vector.broadcast %mul3A_244 : i32 to vector<16xi32>
    %scan3A_246 = arith.constant 0 : i32
    %scan3A_247 = arith.constant 0 : i32
    %scan3A_248 = arith.constant 640 : i32
    %scan3A_249 = arith.addi %scan3A_247, %scan3A_248 : i32
    %scan3A_250 = arith.constant 1 : i32
    %scan3A_251:4 = scf.for %scan3A_258 = %scan3A_247 to %scan3A_249 step %scan3A_250 iter_args(%scan3A_259 = %scan3A_246, %scan3A_260 = %add3A_38, %scan3A_261 = %add3A_69, %scan3A_262 = %add3A_100) -> (i32, i32, i32, i32)  : i32 {
      %mul3A_263 = arith.constant 16 : i32
      %mul3A_264 = arith.muli %scan3A_258, %mul3A_263 : i32
      %get3A = arith.index_cast %mul3A_264 : i32 to index
      %get3A_265 = tpu.vector_load %arg7[%get3A] {strides = array<i32>} : memref<10240xi32, #tpu.memory_space<vmem>>, vector<16xi32>,
      %mul3A_266 = arith.constant 16 : i32
      %mul3A_267 = arith.muli %scan3A_258, %mul3A_266 : i32
      %get3A_268 = arith.index_cast %mul3A_267 : i32 to index
      %get3A_269 = tpu.vector_load %arg6[%get3A_268] {strides = array<i32>} : memref<10240xi32, #tpu.memory_space<vmem>>, vector<16xi32>,
      %add3A_270 = arith.addi %get3A_269, %broadcast_in_dim3A_245 : vector<16xi32>
      %broadcast_in_dim3A_271 = arith.constant 10864 : i32
      %broadcast_in_dim3A_272 = vector.broadcast %broadcast_in_dim3A_271 : i32 to vector<16xi32>
      %ge3A = arith.constant 0 : i32
      %ge3A_273 = vector.broadcast %ge3A : i32 to vector<16xi32>
      %ge3A_274 = arith.cmpi sge, %get3A_265, %ge3A_273 : vector<16xi32>
      %lt3A = arith.constant 2600 : i32
      %lt3A_275 = vector.broadcast %lt3A : i32 to vector<16xi32>
      %lt3A_276 = arith.cmpi slt, %get3A_265, %lt3A_275 : vector<16xi32>
      %and3A_277 = arith.andi %ge3A_274, %lt3A_276 : vector<16xi1>
      %convert_element_type3A = arith.extui %and3A_277 : vector<16xi1> to vector<16xi32>
      %broadcast_in_dim3A_278 = arith.constant true
      %broadcast_in_dim3A_279 = vector.broadcast %broadcast_in_dim3A_278 : i1 to vector<16xi1>
      %masked_cumsum3A = tpu.scan <sum>, %convert_element_type3A masked %broadcast_in_dim3A_279 : vector<16xi32>, vector<16xi1> -> vector<16xi32>
      %sub3A_280 = arith.constant 1 : i32
      %sub3A_281 = arith.subi %scan3A_259, %sub3A_280 : i32
      %broadcast_in_dim3A_282 = vector.broadcast %sub3A_281 : i32 to vector<16xi32>
      %add3A_283 = arith.addi %broadcast_in_dim3A_282, %masked_cumsum3A : vector<16xi32>
      %select_n3A_284 = arith.select %and3A_277, %add3A_283, %broadcast_in_dim3A_272 : vector<16xi1>, vector<16xi32>
      tpu.vector_store_idx %arg8[%select_n3A_284], %add3A_270 : memref<10880xi32, #tpu.memory_space<vmem>>[vector<16xi32>], vector<16xi32>,
      %sub3A_285 = arith.constant 0 : i32
      %sub3A_286 = vector.broadcast %sub3A_285 : i32 to vector<16xi32>
      %sub3A_287 = arith.subi %get3A_265, %sub3A_286 : vector<16xi32>
      tpu.vector_store_idx %arg9[%select_n3A_284], %sub3A_287 : memref<10880xi32, #tpu.memory_space<vmem>>[vector<16xi32>], vector<16xi32>,
      %convert_element_type3A_288 = arith.extui %and3A_277 : vector<16xi1> to vector<16xi32>
      %reduce_sum3A = arith.constant true
      %reduce_sum3A_289 = vector.broadcast %reduce_sum3A : i1 to vector<16xi1>
      %reduce_sum3A_290 = tpu.scan <sum>, %convert_element_type3A_288 masked %reduce_sum3A_289 : vector<16xi32>, vector<16xi1> -> vector<16xi32>
      %reduce_sum3A_291 = vector.extract %reduce_sum3A_290[15] : i32 from vector<16xi32>
      %add3A_292 = arith.addi %scan3A_259, %reduce_sum3A_291 : i32
      %ge3A_293 = arith.constant 2600 : i32
      %ge3A_294 = vector.broadcast %ge3A_293 : i32 to vector<16xi32>
      %ge3A_295 = arith.cmpi sge, %get3A_265, %ge3A_294 : vector<16xi32>
      %lt3A_296 = arith.constant 5200 : i32
      %lt3A_297 = vector.broadcast %lt3A_296 : i32 to vector<16xi32>
      %lt3A_298 = arith.cmpi slt, %get3A_265, %lt3A_297 : vector<16xi32>
      %and3A_299 = arith.andi %ge3A_295, %lt3A_298 : vector<16xi1>
      %convert_element_type3A_300 = arith.extui %and3A_299 : vector<16xi1> to vector<16xi32>
      %broadcast_in_dim3A_301 = arith.constant true
      %broadcast_in_dim3A_302 = vector.broadcast %broadcast_in_dim3A_301 : i1 to vector<16xi1>
      %masked_cumsum3A_303 = tpu.scan <sum>, %convert_element_type3A_300 masked %broadcast_in_dim3A_302 : vector<16xi32>, vector<16xi1> -> vector<16xi32>
      %sub3A_304 = arith.constant 1 : i32
      %sub3A_305 = arith.subi %scan3A_260, %sub3A_304 : i32
      %broadcast_in_dim3A_306 = vector.broadcast %sub3A_305 : i32 to vector<16xi32>
      %add3A_307 = arith.addi %broadcast_in_dim3A_306, %masked_cumsum3A_303 : vector<16xi32>
      %select_n3A_308 = arith.select %and3A_299, %add3A_307, %broadcast_in_dim3A_272 : vector<16xi1>, vector<16xi32>
      tpu.vector_store_idx %arg8[%select_n3A_308], %add3A_270 : memref<10880xi32, #tpu.memory_space<vmem>>[vector<16xi32>], vector<16xi32>,
      %sub3A_309 = arith.constant 2600 : i32
      %sub3A_310 = vector.broadcast %sub3A_309 : i32 to vector<16xi32>
      %sub3A_311 = arith.subi %get3A_265, %sub3A_310 : vector<16xi32>
      tpu.vector_store_idx %arg9[%select_n3A_308], %sub3A_311 : memref<10880xi32, #tpu.memory_space<vmem>>[vector<16xi32>], vector<16xi32>,
      %convert_element_type3A_312 = arith.extui %and3A_299 : vector<16xi1> to vector<16xi32>
      %reduce_sum3A_313 = arith.constant true
      %reduce_sum3A_314 = vector.broadcast %reduce_sum3A_313 : i1 to vector<16xi1>
      %reduce_sum3A_315 = tpu.scan <sum>, %convert_element_type3A_312 masked %reduce_sum3A_314 : vector<16xi32>, vector<16xi1> -> vector<16xi32>
      %reduce_sum3A_316 = vector.extract %reduce_sum3A_315[15] : i32 from vector<16xi32>
      %add3A_317 = arith.addi %scan3A_260, %reduce_sum3A_316 : i32
      %ge3A_318 = arith.constant 5200 : i32
      %ge3A_319 = vector.broadcast %ge3A_318 : i32 to vector<16xi32>
      %ge3A_320 = arith.cmpi sge, %get3A_265, %ge3A_319 : vector<16xi32>
      %lt3A_321 = arith.constant 7800 : i32
      %lt3A_322 = vector.broadcast %lt3A_321 : i32 to vector<16xi32>
      %lt3A_323 = arith.cmpi slt, %get3A_265, %lt3A_322 : vector<16xi32>
      %and3A_324 = arith.andi %ge3A_320, %lt3A_323 : vector<16xi1>
      %convert_element_type3A_325 = arith.extui %and3A_324 : vector<16xi1> to vector<16xi32>
      %broadcast_in_dim3A_326 = arith.constant true
      %broadcast_in_dim3A_327 = vector.broadcast %broadcast_in_dim3A_326 : i1 to vector<16xi1>
      %masked_cumsum3A_328 = tpu.scan <sum>, %convert_element_type3A_325 masked %broadcast_in_dim3A_327 : vector<16xi32>, vector<16xi1> -> vector<16xi32>
      %sub3A_329 = arith.constant 1 : i32
      %sub3A_330 = arith.subi %scan3A_261, %sub3A_329 : i32
      %broadcast_in_dim3A_331 = vector.broadcast %sub3A_330 : i32 to vector<16xi32>
      %add3A_332 = arith.addi %broadcast_in_dim3A_331, %masked_cumsum3A_328 : vector<16xi32>
      %select_n3A_333 = arith.select %and3A_324, %add3A_332, %broadcast_in_dim3A_272 : vector<16xi1>, vector<16xi32>
      tpu.vector_store_idx %arg8[%select_n3A_333], %add3A_270 : memref<10880xi32, #tpu.memory_space<vmem>>[vector<16xi32>], vector<16xi32>,
      %sub3A_334 = arith.constant 5200 : i32
      %sub3A_335 = vector.broadcast %sub3A_334 : i32 to vector<16xi32>
      %sub3A_336 = arith.subi %get3A_265, %sub3A_335 : vector<16xi32>
      tpu.vector_store_idx %arg9[%select_n3A_333], %sub3A_336 : memref<10880xi32, #tpu.memory_space<vmem>>[vector<16xi32>], vector<16xi32>,
      %convert_element_type3A_337 = arith.extui %and3A_324 : vector<16xi1> to vector<16xi32>
      %reduce_sum3A_338 = arith.constant true
      %reduce_sum3A_339 = vector.broadcast %reduce_sum3A_338 : i1 to vector<16xi1>
      %reduce_sum3A_340 = tpu.scan <sum>, %convert_element_type3A_337 masked %reduce_sum3A_339 : vector<16xi32>, vector<16xi1> -> vector<16xi32>
      %reduce_sum3A_341 = vector.extract %reduce_sum3A_340[15] : i32 from vector<16xi32>
      %add3A_342 = arith.addi %scan3A_261, %reduce_sum3A_341 : i32
      %ge3A_343 = arith.constant 7800 : i32
      %ge3A_344 = vector.broadcast %ge3A_343 : i32 to vector<16xi32>
      %ge3A_345 = arith.cmpi sge, %get3A_265, %ge3A_344 : vector<16xi32>
      %lt3A_346 = arith.constant 10000 : i32
      %lt3A_347 = vector.broadcast %lt3A_346 : i32 to vector<16xi32>
      %lt3A_348 = arith.cmpi slt, %get3A_265, %lt3A_347 : vector<16xi32>
      %and3A_349 = arith.andi %ge3A_345, %lt3A_348 : vector<16xi1>
      %convert_element_type3A_350 = arith.extui %and3A_349 : vector<16xi1> to vector<16xi32>
      %broadcast_in_dim3A_351 = arith.constant true
      %broadcast_in_dim3A_352 = vector.broadcast %broadcast_in_dim3A_351 : i1 to vector<16xi1>
      %masked_cumsum3A_353 = tpu.scan <sum>, %convert_element_type3A_350 masked %broadcast_in_dim3A_352 : vector<16xi32>, vector<16xi1> -> vector<16xi32>
      %sub3A_354 = arith.constant 1 : i32
      %sub3A_355 = arith.subi %scan3A_262, %sub3A_354 : i32
      %broadcast_in_dim3A_356 = vector.broadcast %sub3A_355 : i32 to vector<16xi32>
      %add3A_357 = arith.addi %broadcast_in_dim3A_356, %masked_cumsum3A_353 : vector<16xi32>
      %select_n3A_358 = arith.select %and3A_349, %add3A_357, %broadcast_in_dim3A_272 : vector<16xi1>, vector<16xi32>
      tpu.vector_store_idx %arg8[%select_n3A_358], %add3A_270 : memref<10880xi32, #tpu.memory_space<vmem>>[vector<16xi32>], vector<16xi32>,
      %sub3A_359 = arith.constant 7800 : i32
      %sub3A_360 = vector.broadcast %sub3A_359 : i32 to vector<16xi32>
      %sub3A_361 = arith.subi %get3A_265, %sub3A_360 : vector<16xi32>
      tpu.vector_store_idx %arg9[%select_n3A_358], %sub3A_361 : memref<10880xi32, #tpu.memory_space<vmem>>[vector<16xi32>], vector<16xi32>,
      %convert_element_type3A_362 = arith.extui %and3A_349 : vector<16xi1> to vector<16xi32>
      %reduce_sum3A_363 = arith.constant true
      %reduce_sum3A_364 = vector.broadcast %reduce_sum3A_363 : i1 to vector<16xi1>
      %reduce_sum3A_365 = tpu.scan <sum>, %convert_element_type3A_362 masked %reduce_sum3A_364 : vector<16xi32>, vector<16xi1> -> vector<16xi32>
      %reduce_sum3A_366 = vector.extract %reduce_sum3A_365[15] : i32 from vector<16xi32>
      %add3A_367 = arith.addi %scan3A_262, %reduce_sum3A_366 : i32
      scf.yield %add3A_292, %add3A_317, %add3A_342, %add3A_367 : i32, i32, i32, i32
    }
    %scan3A_252 = arith.constant 640 : i32
    %scan3A_253 = arith.constant 0 : i32
    %scan3A_254 = arith.constant 4 : i32
    %scan3A_255 = arith.addi %scan3A_253, %scan3A_254 : i32
    %scan3A_256 = arith.constant 1 : i32
    scf.for %scan3A_258 = %scan3A_253 to %scan3A_255 step %scan3A_256  : i32 {
      %mul3A_259 = arith.constant 1 : i32
      %mul3A_260 = arith.muli %scan3A_258, %mul3A_259 : i32
      %add3A_261 = arith.constant 0 : i32
      %add3A_262 = arith.addi %add3A_261, %mul3A_260 : i32
      %eq3A = arith.constant 0 : i32
      %eq3A_263 = arith.cmpi eq, %add3A_262, %eq3A : i32
      %select_n3A_264 = arith.select %eq3A_263, %scan3A_14#0, %scan3A_14#3 : i32
      %eq3A_265 = arith.constant 0 : i32
      %eq3A_266 = arith.cmpi eq, %add3A_262, %eq3A_265 : i32
      %jit3A_267 = arith.constant 0 : i32
      %select_n3A_268 = arith.select %eq3A_266, %jit3A_267, %add3A_100 : i32
      %eq3A_269 = arith.constant 1 : i32
      %eq3A_270 = arith.cmpi eq, %add3A_262, %eq3A_269 : i32
      %select_n3A_271 = arith.select %eq3A_270, %scan3A_14#1, %select_n3A_264 : i32
      %eq3A_272 = arith.constant 1 : i32
      %eq3A_273 = arith.cmpi eq, %add3A_262, %eq3A_272 : i32
      %select_n3A_274 = arith.select %eq3A_273, %add3A_38, %select_n3A_268 : i32
      %eq3A_275 = arith.constant 2 : i32
      %eq3A_276 = arith.cmpi eq, %add3A_262, %eq3A_275 : i32
      %select_n3A_277 = arith.select %eq3A_276, %scan3A_14#2, %select_n3A_271 : i32
      %eq3A_278 = arith.constant 2 : i32
      %eq3A_279 = arith.cmpi eq, %add3A_262, %eq3A_278 : i32
      %select_n3A_280 = arith.select %eq3A_279, %add3A_69, %select_n3A_274 : i32
      %add3A_281 = arith.constant 128 : i32
      %add3A_282 = arith.addi %select_n3A_277, %add3A_281 : i32
      %sub3A_283 = arith.constant 1 : i32
      %sub3A_284 = arith.subi %add3A_282, %sub3A_283 : i32
      %jit3A_285 = arith.constant 128 : i32
      %div3A_286 = arith.divsi %sub3A_284, %jit3A_285 : i32
      %sign3A_287 = arith.constant 0 : i32
      %sign3A_288 = arith.cmpi sgt, %sub3A_284, %sign3A_287 : i32
      %sign3A_289 = arith.extui %sign3A_288 : i1 to i32
      %sign3A_290 = arith.constant 0 : i32
      %sign3A_291 = arith.cmpi slt, %sub3A_284, %sign3A_290 : i32
      %sign3A_292 = arith.extui %sign3A_291 : i1 to i32
      %sign3A_293 = arith.subi %sign3A_289, %sign3A_292 : i32
      %sign3A_294 = arith.constant 0 : i32
      %sign3A_295 = arith.cmpi sgt, %jit3A_285, %sign3A_294 : i32
      %sign3A_296 = arith.extui %sign3A_295 : i1 to i32
      %sign3A_297 = arith.constant 0 : i32
      %sign3A_298 = arith.cmpi slt, %jit3A_285, %sign3A_297 : i32
      %sign3A_299 = arith.extui %sign3A_298 : i1 to i32
      %sign3A_300 = arith.subi %sign3A_296, %sign3A_299 : i32
      %ne3A_301 = arith.cmpi ne, %sign3A_293, %sign3A_300 : i32
      %rem3A_302 = arith.remsi %sub3A_284, %jit3A_285 : i32
      %ne3A_303 = arith.constant 0 : i32
      %ne3A_304 = arith.cmpi ne, %rem3A_302, %ne3A_303 : i32
      %and3A_305 = arith.andi %ne3A_301, %ne3A_304 : i1
      %sub3A_306 = arith.constant 1 : i32
      %sub3A_307 = arith.subi %div3A_286, %sub3A_306 : i32
      %select_n3A_308 = arith.select %and3A_305, %sub3A_307, %div3A_286 : i32
      %max3A = arith.constant 1 : i32
      %max3A_309 = arith.maxsi %select_n3A_308, %max3A : i32
      %mul3A_310 = arith.constant 168 : i32
      %mul3A_311 = arith.muli %arg1, %mul3A_310 : i32
      %dma_start3A = arith.constant 0 : i32
      %dma_start3A_312 = tpu.memref_slice %arg13[%mul3A_311, %dma_start3A] : memref<2688x128xf32, #tpu.memory_space<vmem_shared>> -> memref<128x128xf32, #tpu.memory_space<vmem_shared>>
      %dma_start3A_313 = arith.constant 0 : i32
      %dma_start3A_314 = tpu.memref_slice %arg13[%mul3A_311, %dma_start3A_313] : memref<2688x128xf32, #tpu.memory_space<vmem_shared>> -> memref<128x128xf32, #tpu.memory_space<vmem_shared>>
      tpu.enqueue_dma source(%arg12 : memref<128x128xf32, #tpu.memory_space<vmem>>) target(%dma_start3A_314 : memref<128x128xf32, #tpu.memory_space<vmem_shared>>) target_semaphore(%arg16 : memref<!tpu.dma_semaphore, #tpu.memory_space<semaphore_mem>>)
      %dma_wait3A = arith.constant 0 : i32
      %dma_wait3A_315 = tpu.memref_slice %arg13[%mul3A_311, %dma_wait3A] : memref<2688x128xf32, #tpu.memory_space<vmem_shared>> -> memref<128x128xf32, #tpu.memory_space<vmem_shared>>
      %dma_wait3A_316 = arith.constant 0 : i32
      %dma_wait3A_317 = tpu.memref_slice %arg13[%mul3A_311, %dma_wait3A_316] : memref<2688x128xf32, #tpu.memory_space<vmem_shared>> -> memref<128x128xf32, #tpu.memory_space<vmem_shared>>
      tpu.wait_dma2 semaphore(%arg16 : memref<!tpu.dma_semaphore, #tpu.memory_space<semaphore_mem>>) src(%arg12 : memref<128x128xf32, #tpu.memory_space<vmem>>) dst(%dma_wait3A_317 : memref<128x128xf32, #tpu.memory_space<vmem_shared>>)
      %mul3A_318 = arith.constant 168 : i32
      %mul3A_319 = arith.muli %arg1, %mul3A_318 : i32
      %add3A_320 = arith.constant 128 : i32
      %add3A_321 = arith.addi %mul3A_319, %add3A_320 : i32
      %dma_start3A_322 = arith.constant 0 : i32
      %dma_start3A_323 = arith.constant 0 : i32
      %dma_start3A_324 = tpu.memref_slice %arg12[%dma_start3A_322, %dma_start3A_323] : memref<128x128xf32, #tpu.memory_space<vmem>> -> memref<40x128xf32, #tpu.memory_space<vmem>>
      %dma_start3A_325 = arith.constant 0 : i32
      %dma_start3A_326 = tpu.memref_slice %arg13[%add3A_321, %dma_start3A_325] : memref<2688x128xf32, #tpu.memory_space<vmem_shared>> -> memref<40x128xf32, #tpu.memory_space<vmem_shared>>
      %dma_start3A_327 = arith.constant 0 : i32
      %dma_start3A_328 = tpu.memref_slice %arg13[%add3A_321, %dma_start3A_327] : memref<2688x128xf32, #tpu.memory_space<vmem_shared>> -> memref<40x128xf32, #tpu.memory_space<vmem_shared>>
      %dma_start3A_329 = arith.constant 0 : i32
      %dma_start3A_330 = arith.constant 0 : i32
      %dma_start3A_331 = tpu.memref_slice %arg12[%dma_start3A_329, %dma_start3A_330] : memref<128x128xf32, #tpu.memory_space<vmem>> -> memref<40x128xf32, #tpu.memory_space<vmem>>
      tpu.enqueue_dma source(%dma_start3A_331 : memref<40x128xf32, #tpu.memory_space<vmem>>) target(%dma_start3A_328 : memref<40x128xf32, #tpu.memory_space<vmem_shared>>) target_semaphore(%arg16 : memref<!tpu.dma_semaphore, #tpu.memory_space<semaphore_mem>>)
      %dma_wait3A_332 = arith.constant 0 : i32
      %dma_wait3A_333 = arith.constant 0 : i32
      %dma_wait3A_334 = tpu.memref_slice %arg12[%dma_wait3A_332, %dma_wait3A_333] : memref<128x128xf32, #tpu.memory_space<vmem>> -> memref<40x128xf32, #tpu.memory_space<vmem>>
      %dma_wait3A_335 = arith.constant 0 : i32
      %dma_wait3A_336 = tpu.memref_slice %arg13[%add3A_321, %dma_wait3A_335] : memref<2688x128xf32, #tpu.memory_space<vmem_shared>> -> memref<40x128xf32, #tpu.memory_space<vmem_shared>>
      %dma_wait3A_337 = arith.constant 0 : i32
      %dma_wait3A_338 = tpu.memref_slice %arg13[%add3A_321, %dma_wait3A_337] : memref<2688x128xf32, #tpu.memory_space<vmem_shared>> -> memref<40x128xf32, #tpu.memory_space<vmem_shared>>
      %dma_wait3A_339 = arith.constant 0 : i32
      %dma_wait3A_340 = arith.constant 0 : i32
      %dma_wait3A_341 = tpu.memref_slice %arg12[%dma_wait3A_339, %dma_wait3A_340] : memref<128x128xf32, #tpu.memory_space<vmem>> -> memref<40x128xf32, #tpu.memory_space<vmem>>
      tpu.wait_dma2 semaphore(%arg16 : memref<!tpu.dma_semaphore, #tpu.memory_space<semaphore_mem>>) src(%dma_wait3A_341 : memref<40x128xf32, #tpu.memory_space<vmem>>) dst(%dma_wait3A_338 : memref<40x128xf32, #tpu.memory_space<vmem_shared>>)
      %barrier3A = arith.constant 0 : index
      tpu.barrier barrier_id(%barrier3A)
      %add3A_342 = arith.constant 0 : i32
      %add3A_343 = arith.addi %select_n3A_280, %add3A_342 : i32
      %dma_start3A_344 = tpu.memref_slice %arg8[%add3A_343] : memref<10880xi32, #tpu.memory_space<vmem>> -> memref<128xi32, #tpu.memory_space<vmem>>
      %dma_start3A_345 = arith.constant 0 : i32
      %dma_start3A_346 = arith.constant 0 : i32
      %dma_start3A_347 = tpu.memref_slice %arg2[%dma_start3A_345, %dma_start3A_346] : memref<80000x128xf32, #tpu.memory_space<hbm>> -> memref<80000x128xf32, #tpu.memory_space<hbm>>
      tpu.enqueue_indirect_dma source(%dma_start3A_347 : memref<80000x128xf32, #tpu.memory_space<hbm>>) target(%arg10 : memref<128x128xf32, #tpu.memory_space<vmem>>) offsets(%dma_start3A_344 : memref<128xi32, #tpu.memory_space<vmem>>) semaphore(%arg14 : memref<!tpu.dma_semaphore, #tpu.memory_space<semaphore_mem>>)
      %sub3A_348 = arith.constant 0 : i32
      %sub3A_349 = arith.subi %max3A_309, %sub3A_348 : i32
      %sub3A_350 = arith.constant 2 : i32
      %sub3A_351 = arith.constant 1 : i32
      %sub3A_352 = arith.subi %sub3A_350, %sub3A_351 : i32
      %add3A_353 = arith.addi %sub3A_349, %sub3A_352 : i32
      %div3A_354 = arith.constant 2 : i32
      %div3A_355 = arith.divsi %add3A_353, %div3A_354 : i32
      %while3A = arith.constant 2 : i32
      %while3A_356 = arith.constant 0 : i32
      %while3A_357 = arith.constant 0 : i32
      %while3A_358 = arith.subi %div3A_355, %while3A_357 : i32
      %while3A_359 = arith.addi %while3A_357, %while3A_358 : i32
      %while3A_360 = arith.constant 1 : i32
      %while3A_361 = arith.divsi %while3A_358, %while3A_360 : i32
      %while3A_362 = arith.muli %while3A_361, %while3A_360 : i32
      %while3A_363 = arith.addi %while3A_357, %while3A_362 : i32
      %while3A_364 = arith.constant 1 : i32
      scf.for %while3A_368 = %while3A_357 to %while3A_363 step %while3A_364  : i32 {
        %mul3A_369 = arith.muli %while3A_368, %while3A : i32
        %add3A_370 = arith.addi %while3A_356, %mul3A_369 : i32
        %mul3A_371 = arith.constant 128 : i32
        %mul3A_372 = arith.muli %add3A_370, %mul3A_371 : i32
        %add3A_373 = arith.addi %select_n3A_280, %mul3A_372 : i32
        %dma_wait3A_374 = tpu.memref_slice %arg8[%add3A_373] : memref<10880xi32, #tpu.memory_space<vmem>> -> memref<128xi32, #tpu.memory_space<vmem>>
        %dma_wait3A_375 = arith.constant 0 : i32
        %dma_wait3A_376 = arith.constant 0 : i32
        %dma_wait3A_377 = tpu.memref_slice %arg2[%dma_wait3A_375, %dma_wait3A_376] : memref<80000x128xf32, #tpu.memory_space<hbm>> -> memref<80000x128xf32, #tpu.memory_space<hbm>>
        tpu.wait_indirect_dma semaphore(%arg14 : memref<!tpu.dma_semaphore, #tpu.memory_space<semaphore_mem>>) src(%dma_wait3A_377 : memref<80000x128xf32, #tpu.memory_space<hbm>>) dst(%arg10 : memref<128x128xf32, #tpu.memory_space<vmem>>)
        %add3A_378 = arith.constant 1 : i32
        %add3A_379 = arith.addi %add3A_370, %add3A_378 : i32
        %lt3A = arith.cmpi slt, %add3A_379, %max3A_309 : i32
        %convert_element_type3A = arith.extui %lt3A : i1 to i32
        %cond3A = arith.constant 0 : i32
        %cond3A_380 = arith.cmpi ne, %convert_element_type3A, %cond3A : i32
        scf.if %cond3A_380 {
          %add3A_448 = arith.constant 1 : i32
          %add3A_449 = arith.addi %add3A_370, %add3A_448 : i32
          %mul3A_450 = arith.constant 128 : i32
          %mul3A_451 = arith.muli %add3A_449, %mul3A_450 : i32
          %add3A_452 = arith.addi %select_n3A_280, %mul3A_451 : i32
          %dma_start3A_453 = tpu.memref_slice %arg8[%add3A_452] : memref<10880xi32, #tpu.memory_space<vmem>> -> memref<128xi32, #tpu.memory_space<vmem>>
          %dma_start3A_454 = arith.constant 0 : i32
          %dma_start3A_455 = arith.constant 0 : i32
          %dma_start3A_456 = tpu.memref_slice %arg2[%dma_start3A_454, %dma_start3A_455] : memref<80000x128xf32, #tpu.memory_space<hbm>> -> memref<80000x128xf32, #tpu.memory_space<hbm>>
          tpu.enqueue_indirect_dma source(%dma_start3A_456 : memref<80000x128xf32, #tpu.memory_space<hbm>>) target(%arg11 : memref<128x128xf32, #tpu.memory_space<vmem>>) offsets(%dma_start3A_453 : memref<128xi32, #tpu.memory_space<vmem>>) semaphore(%arg15 : memref<!tpu.dma_semaphore, #tpu.memory_space<semaphore_mem>>)
        } else {
        }
        %mul3A_381 = arith.constant 128 : i32
        %mul3A_382 = arith.muli %add3A_370, %mul3A_381 : i32
        %add3A_383 = arith.addi %select_n3A_280, %mul3A_382 : i32
        %add3A_384 = arith.constant 0 : i32
        %add3A_385 = arith.addi %add3A_383, %add3A_384 : i32
        %get3A = arith.index_cast %add3A_385 : i32 to index
        %get3A_386 = tpu.vector_load %arg9[%get3A] {strides = array<i32>} : memref<10880xi32, #tpu.memory_space<vmem>>, vector<16xi32>,
        "tpu.region"() ({
          %run_scoped3A = tpu.sem_alloc : memref<!tpu.dma_semaphore, #tpu.memory_space<semaphore_mem>>
          %dma_start3A_448 = arith.constant 0 : i32
          %dma_start3A_449 = arith.constant 0 : i32
          %dma_start3A_450 = tpu.memref_slice %arg10[%dma_start3A_448, %dma_start3A_449] : memref<128x128xf32, #tpu.memory_space<vmem>> -> memref<16x128xf32, #tpu.memory_space<vmem>>
          %dma_start3A_451 = arith.constant 0 : i32
          %dma_start3A_452 = arith.constant 0 : i32
          %dma_start3A_453 = tpu.memref_slice %arg13[%dma_start3A_451, %dma_start3A_452] : memref<2688x128xf32, #tpu.memory_space<vmem_shared>> -> memref<2688x128xf32, #tpu.memory_space<vmem_shared>>
          tpu.enqueue_indirect_dma source(%dma_start3A_450 : memref<16x128xf32, #tpu.memory_space<vmem>>) target(%dma_start3A_453 : memref<2688x128xf32, #tpu.memory_space<vmem_shared>>) offsets(%get3A_386 : vector<16xi32>) semaphore(%run_scoped3A : memref<!tpu.dma_semaphore, #tpu.memory_space<semaphore_mem>>) {add = true}
          %dma_wait3A_454 = arith.constant 0 : i32
          %dma_wait3A_455 = arith.constant 0 : i32
          %dma_wait3A_456 = tpu.memref_slice %arg10[%dma_wait3A_454, %dma_wait3A_455] : memref<128x128xf32, #tpu.memory_space<vmem>> -> memref<16x128xf32, #tpu.memory_space<vmem>>
          %dma_wait3A_457 = arith.constant 0 : i32
          %dma_wait3A_458 = arith.constant 0 : i32
          %dma_wait3A_459 = tpu.memref_slice %arg13[%dma_wait3A_457, %dma_wait3A_458] : memref<2688x128xf32, #tpu.memory_space<vmem_shared>> -> memref<2688x128xf32, #tpu.memory_space<vmem_shared>>
          tpu.wait_indirect_dma semaphore(%run_scoped3A : memref<!tpu.dma_semaphore, #tpu.memory_space<semaphore_mem>>) src(%dma_wait3A_456 : memref<16x128xf32, #tpu.memory_space<vmem>>) dst(%dma_wait3A_459 : memref<2688x128xf32, #tpu.memory_space<vmem_shared>>)
          tpu.yield
        }) : () -> ()
        %mul3A_387 = arith.constant 128 : i32
        %mul3A_388 = arith.muli %add3A_370, %mul3A_387 : i32
        %add3A_389 = arith.addi %select_n3A_280, %mul3A_388 : i32
        %add3A_390 = arith.constant 16 : i32
        %add3A_391 = arith.addi %add3A_389, %add3A_390 : i32
        %get3A_392 = arith.index_cast %add3A_391 : i32 to index
        %get3A_393 = tpu.vector_load %arg9[%get3A_392] {strides = array<i32>} : memref<10880xi32, #tpu.memory_space<vmem>>, vector<16xi32>,
        "tpu.region"() ({
          %run_scoped3A = tpu.sem_alloc : memref<!tpu.dma_semaphore, #tpu.memory_space<semaphore_mem>>
          %dma_start3A_448 = arith.constant 16 : i32
          %dma_start3A_449 = arith.constant 0 : i32
          %dma_start3A_450 = tpu.memref_slice %arg10[%dma_start3A_448, %dma_start3A_449] : memref<128x128xf32, #tpu.memory_space<vmem>> -> memref<16x128xf32, #tpu.memory_space<vmem>>
          %dma_start3A_451 = arith.constant 0 : i32
          %dma_start3A_452 = arith.constant 0 : i32
          %dma_start3A_453 = tpu.memref_slice %arg13[%dma_start3A_451, %dma_start3A_452] : memref<2688x128xf32, #tpu.memory_space<vmem_shared>> -> memref<2688x128xf32, #tpu.memory_space<vmem_shared>>
          tpu.enqueue_indirect_dma source(%dma_start3A_450 : memref<16x128xf32, #tpu.memory_space<vmem>>) target(%dma_start3A_453 : memref<2688x128xf32, #tpu.memory_space<vmem_shared>>) offsets(%get3A_393 : vector<16xi32>) semaphore(%run_scoped3A : memref<!tpu.dma_semaphore, #tpu.memory_space<semaphore_mem>>) {add = true}
          %dma_wait3A_454 = arith.constant 16 : i32
          %dma_wait3A_455 = arith.constant 0 : i32
          %dma_wait3A_456 = tpu.memref_slice %arg10[%dma_wait3A_454, %dma_wait3A_455] : memref<128x128xf32, #tpu.memory_space<vmem>> -> memref<16x128xf32, #tpu.memory_space<vmem>>
          %dma_wait3A_457 = arith.constant 0 : i32
          %dma_wait3A_458 = arith.constant 0 : i32
          %dma_wait3A_459 = tpu.memref_slice %arg13[%dma_wait3A_457, %dma_wait3A_458] : memref<2688x128xf32, #tpu.memory_space<vmem_shared>> -> memref<2688x128xf32, #tpu.memory_space<vmem_shared>>
          tpu.wait_indirect_dma semaphore(%run_scoped3A : memref<!tpu.dma_semaphore, #tpu.memory_space<semaphore_mem>>) src(%dma_wait3A_456 : memref<16x128xf32, #tpu.memory_space<vmem>>) dst(%dma_wait3A_459 : memref<2688x128xf32, #tpu.memory_space<vmem_shared>>)
          tpu.yield
        }) : () -> ()
        %mul3A_394 = arith.constant 128 : i32
        %mul3A_395 = arith.muli %add3A_370, %mul3A_394 : i32
        %add3A_396 = arith.addi %select_n3A_280, %mul3A_395 : i32
        %add3A_397 = arith.constant 32 : i32
        %add3A_398 = arith.addi %add3A_396, %add3A_397 : i32
        %get3A_399 = arith.index_cast %add3A_398 : i32 to index
        %get3A_400 = tpu.vector_load %arg9[%get3A_399] {strides = array<i32>} : memref<10880xi32, #tpu.memory_space<vmem>>, vector<16xi32>,
        "tpu.region"() ({
          %run_scoped3A = tpu.sem_alloc : memref<!tpu.dma_semaphore, #tpu.memory_space<semaphore_mem>>
          %dma_start3A_448 = arith.constant 32 : i32
          %dma_start3A_449 = arith.constant 0 : i32
          %dma_start3A_450 = tpu.memref_slice %arg10[%dma_start3A_448, %dma_start3A_449] : memref<128x128xf32, #tpu.memory_space<vmem>> -> memref<16x128xf32, #tpu.memory_space<vmem>>
          %dma_start3A_451 = arith.constant 0 : i32
          %dma_start3A_452 = arith.constant 0 : i32
          %dma_start3A_453 = tpu.memref_slice %arg13[%dma_start3A_451, %dma_start3A_452] : memref<2688x128xf32, #tpu.memory_space<vmem_shared>> -> memref<2688x128xf32, #tpu.memory_space<vmem_shared>>
          tpu.enqueue_indirect_dma source(%dma_start3A_450 : memref<16x128xf32, #tpu.memory_space<vmem>>) target(%dma_start3A_453 : memref<2688x128xf32, #tpu.memory_space<vmem_shared>>) offsets(%get3A_400 : vector<16xi32>) semaphore(%run_scoped3A : memref<!tpu.dma_semaphore, #tpu.memory_space<semaphore_mem>>) {add = true}
          %dma_wait3A_454 = arith.constant 32 : i32
          %dma_wait3A_455 = arith.constant 0 : i32
          %dma_wait3A_456 = tpu.memref_slice %arg10[%dma_wait3A_454, %dma_wait3A_455] : memref<128x128xf32, #tpu.memory_space<vmem>> -> memref<16x128xf32, #tpu.memory_space<vmem>>
          %dma_wait3A_457 = arith.constant 0 : i32
          %dma_wait3A_458 = arith.constant 0 : i32
          %dma_wait3A_459 = tpu.memref_slice %arg13[%dma_wait3A_457, %dma_wait3A_458] : memref<2688x128xf32, #tpu.memory_space<vmem_shared>> -> memref<2688x128xf32, #tpu.memory_space<vmem_shared>>
          tpu.wait_indirect_dma semaphore(%run_scoped3A : memref<!tpu.dma_semaphore, #tpu.memory_space<semaphore_mem>>) src(%dma_wait3A_456 : memref<16x128xf32, #tpu.memory_space<vmem>>) dst(%dma_wait3A_459 : memref<2688x128xf32, #tpu.memory_space<vmem_shared>>)
          tpu.yield
        }) : () -> ()
        %mul3A_401 = arith.constant 128 : i32
        %mul3A_402 = arith.muli %add3A_370, %mul3A_401 : i32
        %add3A_403 = arith.addi %select_n3A_280, %mul3A_402 : i32
        %add3A_404 = arith.constant 48 : i32
        %add3A_405 = arith.addi %add3A_403, %add3A_404 : i32
        %get3A_406 = arith.index_cast %add3A_405 : i32 to index
        %get3A_407 = tpu.vector_load %arg9[%get3A_406] {strides = array<i32>} : memref<10880xi32, #tpu.memory_space<vmem>>, vector<16xi32>,
        "tpu.region"() ({
          %run_scoped3A = tpu.sem_alloc : memref<!tpu.dma_semaphore, #tpu.memory_space<semaphore_mem>>
          %dma_start3A_448 = arith.constant 48 : i32
          %dma_start3A_449 = arith.constant 0 : i32
          %dma_start3A_450 = tpu.memref_slice %arg10[%dma_start3A_448, %dma_start3A_449] : memref<128x128xf32, #tpu.memory_space<vmem>> -> memref<16x128xf32, #tpu.memory_space<vmem>>
          %dma_start3A_451 = arith.constant 0 : i32
          %dma_start3A_452 = arith.constant 0 : i32
          %dma_start3A_453 = tpu.memref_slice %arg13[%dma_start3A_451, %dma_start3A_452] : memref<2688x128xf32, #tpu.memory_space<vmem_shared>> -> memref<2688x128xf32, #tpu.memory_space<vmem_shared>>
          tpu.enqueue_indirect_dma source(%dma_start3A_450 : memref<16x128xf32, #tpu.memory_space<vmem>>) target(%dma_start3A_453 : memref<2688x128xf32, #tpu.memory_space<vmem_shared>>) offsets(%get3A_407 : vector<16xi32>) semaphore(%run_scoped3A : memref<!tpu.dma_semaphore, #tpu.memory_space<semaphore_mem>>) {add = true}
          %dma_wait3A_454 = arith.constant 48 : i32
          %dma_wait3A_455 = arith.constant 0 : i32
          %dma_wait3A_456 = tpu.memref_slice %arg10[%dma_wait3A_454, %dma_wait3A_455] : memref<128x128xf32, #tpu.memory_space<vmem>> -> memref<16x128xf32, #tpu.memory_space<vmem>>
          %dma_wait3A_457 = arith.constant 0 : i32
          %dma_wait3A_458 = arith.constant 0 : i32
          %dma_wait3A_459 = tpu.memref_slice %arg13[%dma_wait3A_457, %dma_wait3A_458] : memref<2688x128xf32, #tpu.memory_space<vmem_shared>> -> memref<2688x128xf32, #tpu.memory_space<vmem_shared>>
          tpu.wait_indirect_dma semaphore(%run_scoped3A : memref<!tpu.dma_semaphore, #tpu.memory_space<semaphore_mem>>) src(%dma_wait3A_456 : memref<16x128xf32, #tpu.memory_space<vmem>>) dst(%dma_wait3A_459 : memref<2688x128xf32, #tpu.memory_space<vmem_shared>>)
          tpu.yield
        }) : () -> ()
        %mul3A_408 = arith.constant 128 : i32
        %mul3A_409 = arith.muli %add3A_370, %mul3A_408 : i32
        %add3A_410 = arith.addi %select_n3A_280, %mul3A_409 : i32
        %add3A_411 = arith.constant 64 : i32
        %add3A_412 = arith.addi %add3A_410, %add3A_411 : i32
        %get3A_413 = arith.index_cast %add3A_412 : i32 to index
        %get3A_414 = tpu.vector_load %arg9[%get3A_413] {strides = array<i32>} : memref<10880xi32, #tpu.memory_space<vmem>>, vector<16xi32>,
        "tpu.region"() ({
          %run_scoped3A = tpu.sem_alloc : memref<!tpu.dma_semaphore, #tpu.memory_space<semaphore_mem>>
          %dma_start3A_448 = arith.constant 64 : i32
          %dma_start3A_449 = arith.constant 0 : i32
          %dma_start3A_450 = tpu.memref_slice %arg10[%dma_start3A_448, %dma_start3A_449] : memref<128x128xf32, #tpu.memory_space<vmem>> -> memref<16x128xf32, #tpu.memory_space<vmem>>
          %dma_start3A_451 = arith.constant 0 : i32
          %dma_start3A_452 = arith.constant 0 : i32
          %dma_start3A_453 = tpu.memref_slice %arg13[%dma_start3A_451, %dma_start3A_452] : memref<2688x128xf32, #tpu.memory_space<vmem_shared>> -> memref<2688x128xf32, #tpu.memory_space<vmem_shared>>
          tpu.enqueue_indirect_dma source(%dma_start3A_450 : memref<16x128xf32, #tpu.memory_space<vmem>>) target(%dma_start3A_453 : memref<2688x128xf32, #tpu.memory_space<vmem_shared>>) offsets(%get3A_414 : vector<16xi32>) semaphore(%run_scoped3A : memref<!tpu.dma_semaphore, #tpu.memory_space<semaphore_mem>>) {add = true}
          %dma_wait3A_454 = arith.constant 64 : i32
          %dma_wait3A_455 = arith.constant 0 : i32
          %dma_wait3A_456 = tpu.memref_slice %arg10[%dma_wait3A_454, %dma_wait3A_455] : memref<128x128xf32, #tpu.memory_space<vmem>> -> memref<16x128xf32, #tpu.memory_space<vmem>>
          %dma_wait3A_457 = arith.constant 0 : i32
          %dma_wait3A_458 = arith.constant 0 : i32
          %dma_wait3A_459 = tpu.memref_slice %arg13[%dma_wait3A_457, %dma_wait3A_458] : memref<2688x128xf32, #tpu.memory_space<vmem_shared>> -> memref<2688x128xf32, #tpu.memory_space<vmem_shared>>
          tpu.wait_indirect_dma semaphore(%run_scoped3A : memref<!tpu.dma_semaphore, #tpu.memory_space<semaphore_mem>>) src(%dma_wait3A_456 : memref<16x128xf32, #tpu.memory_space<vmem>>) dst(%dma_wait3A_459 : memref<2688x128xf32, #tpu.memory_space<vmem_shared>>)
          tpu.yield
        }) : () -> ()
        %mul3A_415 = arith.constant 128 : i32
        %mul3A_416 = arith.muli %add3A_370, %mul3A_415 : i32
        %add3A_417 = arith.addi %select_n3A_280, %mul3A_416 : i32
        %add3A_418 = arith.constant 80 : i32
        %add3A_419 = arith.addi %add3A_417, %add3A_418 : i32
        %get3A_420 = arith.index_cast %add3A_419 : i32 to index
        %get3A_421 = tpu.vector_load %arg9[%get3A_420] {strides = array<i32>} : memref<10880xi32, #tpu.memory_space<vmem>>, vector<16xi32>,
        "tpu.region"() ({
          %run_scoped3A = tpu.sem_alloc : memref<!tpu.dma_semaphore, #tpu.memory_space<semaphore_mem>>
          %dma_start3A_448 = arith.constant 80 : i32
          %dma_start3A_449 = arith.constant 0 : i32
          %dma_start3A_450 = tpu.memref_slice %arg10[%dma_start3A_448, %dma_start3A_449] : memref<128x128xf32, #tpu.memory_space<vmem>> -> memref<16x128xf32, #tpu.memory_space<vmem>>
          %dma_start3A_451 = arith.constant 0 : i32
          %dma_start3A_452 = arith.constant 0 : i32
          %dma_start3A_453 = tpu.memref_slice %arg13[%dma_start3A_451, %dma_start3A_452] : memref<2688x128xf32, #tpu.memory_space<vmem_shared>> -> memref<2688x128xf32, #tpu.memory_space<vmem_shared>>
          tpu.enqueue_indirect_dma source(%dma_start3A_450 : memref<16x128xf32, #tpu.memory_space<vmem>>) target(%dma_start3A_453 : memref<2688x128xf32, #tpu.memory_space<vmem_shared>>) offsets(%get3A_421 : vector<16xi32>) semaphore(%run_scoped3A : memref<!tpu.dma_semaphore, #tpu.memory_space<semaphore_mem>>) {add = true}
          %dma_wait3A_454 = arith.constant 80 : i32
          %dma_wait3A_455 = arith.constant 0 : i32
          %dma_wait3A_456 = tpu.memref_slice %arg10[%dma_wait3A_454, %dma_wait3A_455] : memref<128x128xf32, #tpu.memory_space<vmem>> -> memref<16x128xf32, #tpu.memory_space<vmem>>
          %dma_wait3A_457 = arith.constant 0 : i32
          %dma_wait3A_458 = arith.constant 0 : i32
          %dma_wait3A_459 = tpu.memref_slice %arg13[%dma_wait3A_457, %dma_wait3A_458] : memref<2688x128xf32, #tpu.memory_space<vmem_shared>> -> memref<2688x128xf32, #tpu.memory_space<vmem_shared>>
          tpu.wait_indirect_dma semaphore(%run_scoped3A : memref<!tpu.dma_semaphore, #tpu.memory_space<semaphore_mem>>) src(%dma_wait3A_456 : memref<16x128xf32, #tpu.memory_space<vmem>>) dst(%dma_wait3A_459 : memref<2688x128xf32, #tpu.memory_space<vmem_shared>>)
          tpu.yield
        }) : () -> ()
        %mul3A_422 = arith.constant 128 : i32
        %mul3A_423 = arith.muli %add3A_370, %mul3A_422 : i32
        %add3A_424 = arith.addi %select_n3A_280, %mul3A_423 : i32
        %add3A_425 = arith.constant 96 : i32
        %add3A_426 = arith.addi %add3A_424, %add3A_425 : i32
        %get3A_427 = arith.index_cast %add3A_426 : i32 to index
        %get3A_428 = tpu.vector_load %arg9[%get3A_427] {strides = array<i32>} : memref<10880xi32, #tpu.memory_space<vmem>>, vector<16xi32>,
        "tpu.region"() ({
          %run_scoped3A = tpu.sem_alloc : memref<!tpu.dma_semaphore, #tpu.memory_space<semaphore_mem>>
          %dma_start3A_448 = arith.constant 96 : i32
          %dma_start3A_449 = arith.constant 0 : i32
          %dma_start3A_450 = tpu.memref_slice %arg10[%dma_start3A_448, %dma_start3A_449] : memref<128x128xf32, #tpu.memory_space<vmem>> -> memref<16x128xf32, #tpu.memory_space<vmem>>
          %dma_start3A_451 = arith.constant 0 : i32
          %dma_start3A_452 = arith.constant 0 : i32
          %dma_start3A_453 = tpu.memref_slice %arg13[%dma_start3A_451, %dma_start3A_452] : memref<2688x128xf32, #tpu.memory_space<vmem_shared>> -> memref<2688x128xf32, #tpu.memory_space<vmem_shared>>
          tpu.enqueue_indirect_dma source(%dma_start3A_450 : memref<16x128xf32, #tpu.memory_space<vmem>>) target(%dma_start3A_453 : memref<2688x128xf32, #tpu.memory_space<vmem_shared>>) offsets(%get3A_428 : vector<16xi32>) semaphore(%run_scoped3A : memref<!tpu.dma_semaphore, #tpu.memory_space<semaphore_mem>>) {add = true}
          %dma_wait3A_454 = arith.constant 96 : i32
          %dma_wait3A_455 = arith.constant 0 : i32
          %dma_wait3A_456 = tpu.memref_slice %arg10[%dma_wait3A_454, %dma_wait3A_455] : memref<128x128xf32, #tpu.memory_space<vmem>> -> memref<16x128xf32, #tpu.memory_space<vmem>>
          %dma_wait3A_457 = arith.constant 0 : i32
          %dma_wait3A_458 = arith.constant 0 : i32
          %dma_wait3A_459 = tpu.memref_slice %arg13[%dma_wait3A_457, %dma_wait3A_458] : memref<2688x128xf32, #tpu.memory_space<vmem_shared>> -> memref<2688x128xf32, #tpu.memory_space<vmem_shared>>
          tpu.wait_indirect_dma semaphore(%run_scoped3A : memref<!tpu.dma_semaphore, #tpu.memory_space<semaphore_mem>>) src(%dma_wait3A_456 : memref<16x128xf32, #tpu.memory_space<vmem>>) dst(%dma_wait3A_459 : memref<2688x128xf32, #tpu.memory_space<vmem_shared>>)
          tpu.yield
        }) : () -> ()
        %mul3A_429 = arith.constant 128 : i32
        %mul3A_430 = arith.muli %add3A_370, %mul3A_429 : i32
        %add3A_431 = arith.addi %select_n3A_280, %mul3A_430 : i32
        %add3A_432 = arith.constant 112 : i32
        %add3A_433 = arith.addi %add3A_431, %add3A_432 : i32
        %get3A_434 = arith.index_cast %add3A_433 : i32 to index
        %get3A_435 = tpu.vector_load %arg9[%get3A_434] {strides = array<i32>} : memref<10880xi32, #tpu.memory_space<vmem>>, vector<16xi32>,
        "tpu.region"() ({
          %run_scoped3A = tpu.sem_alloc : memref<!tpu.dma_semaphore, #tpu.memory_space<semaphore_mem>>
          %dma_start3A_448 = arith.constant 112 : i32
          %dma_start3A_449 = arith.constant 0 : i32
          %dma_start3A_450 = tpu.memref_slice %arg10[%dma_start3A_448, %dma_start3A_449] : memref<128x128xf32, #tpu.memory_space<vmem>> -> memref<16x128xf32, #tpu.memory_space<vmem>>
          %dma_start3A_451 = arith.constant 0 : i32
          %dma_start3A_452 = arith.constant 0 : i32
          %dma_start3A_453 = tpu.memref_slice %arg13[%dma_start3A_451, %dma_start3A_452] : memref<2688x128xf32, #tpu.memory_space<vmem_shared>> -> memref<2688x128xf32, #tpu.memory_space<vmem_shared>>
          tpu.enqueue_indirect_dma source(%dma_start3A_450 : memref<16x128xf32, #tpu.memory_space<vmem>>) target(%dma_start3A_453 : memref<2688x128xf32, #tpu.memory_space<vmem_shared>>) offsets(%get3A_435 : vector<16xi32>) semaphore(%run_scoped3A : memref<!tpu.dma_semaphore, #tpu.memory_space<semaphore_mem>>) {add = true}
          %dma_wait3A_454 = arith.constant 112 : i32
          %dma_wait3A_455 = arith.constant 0 : i32
          %dma_wait3A_456 = tpu.memref_slice %arg10[%dma_wait3A_454, %dma_wait3A_455] : memref<128x128xf32, #tpu.memory_space<vmem>> -> memref<16x128xf32, #tpu.memory_space<vmem>>
          %dma_wait3A_457 = arith.constant 0 : i32
          %dma_wait3A_458 = arith.constant 0 : i32
          %dma_wait3A_459 = tpu.memref_slice %arg13[%dma_wait3A_457, %dma_wait3A_458] : memref<2688x128xf32, #tpu.memory_space<vmem_shared>> -> memref<2688x128xf32, #tpu.memory_space<vmem_shared>>
          tpu.wait_indirect_dma semaphore(%run_scoped3A : memref<!tpu.dma_semaphore, #tpu.memory_space<semaphore_mem>>) src(%dma_wait3A_456 : memref<16x128xf32, #tpu.memory_space<vmem>>) dst(%dma_wait3A_459 : memref<2688x128xf32, #tpu.memory_space<vmem_shared>>)
          tpu.yield
        }) : () -> ()
        %add3A_436 = arith.constant 2 : i32
        %add3A_437 = arith.addi %add3A_370, %add3A_436 : i32
        %lt3A_438 = arith.cmpi slt, %add3A_437, %max3A_309 : i32
        %convert_element_type3A_439 = arith.extui %lt3A_438 : i1 to i32
        %cond3A_440 = arith.constant 0 : i32
        %cond3A_441 = arith.cmpi ne, %convert_element_type3A_439, %cond3A_440 : i32
        scf.if %cond3A_441 {
          %add3A_448 = arith.constant 2 : i32
          %add3A_449 = arith.addi %add3A_370, %add3A_448 : i32
          %mul3A_450 = arith.constant 128 : i32
          %mul3A_451 = arith.muli %add3A_449, %mul3A_450 : i32
          %add3A_452 = arith.addi %select_n3A_280, %mul3A_451 : i32
          %dma_start3A_453 = tpu.memref_slice %arg8[%add3A_452] : memref<10880xi32, #tpu.memory_space<vmem>> -> memref<128xi32, #tpu.memory_space<vmem>>
          %dma_start3A_454 = arith.constant 0 : i32
          %dma_start3A_455 = arith.constant 0 : i32
          %dma_start3A_456 = tpu.memref_slice %arg2[%dma_start3A_454, %dma_start3A_455] : memref<80000x128xf32, #tpu.memory_space<hbm>> -> memref<80000x128xf32, #tpu.memory_space<hbm>>
          tpu.enqueue_indirect_dma source(%dma_start3A_456 : memref<80000x128xf32, #tpu.memory_space<hbm>>) target(%arg10 : memref<128x128xf32, #tpu.memory_space<vmem>>) offsets(%dma_start3A_453 : memref<128xi32, #tpu.memory_space<vmem>>) semaphore(%arg14 : memref<!tpu.dma_semaphore, #tpu.memory_space<semaphore_mem>>)
        } else {
        }
        %add3A_442 = arith.constant 1 : i32
        %add3A_443 = arith.addi %add3A_370, %add3A_442 : i32
        %lt3A_444 = arith.cmpi slt, %add3A_443, %max3A_309 : i32
        %convert_element_type3A_445 = arith.extui %lt3A_444 : i1 to i32
        %cond3A_446 = arith.constant 0 : i32
        %cond3A_447 = arith.cmpi ne, %convert_element_type3A_445, %cond3A_446 : i32
        scf.if %cond3A_447 {
          %add3A_448 = arith.constant 1 : i32
          %add3A_449 = arith.addi %add3A_370, %add3A_448 : i32
          %mul3A_450 = arith.constant 128 : i32
          %mul3A_451 = arith.muli %add3A_449, %mul3A_450 : i32
          %add3A_452 = arith.addi %select_n3A_280, %mul3A_451 : i32
          %dma_wait3A_453 = tpu.memref_slice %arg8[%add3A_452] : memref<10880xi32, #tpu.memory_space<vmem>> -> memref<128xi32, #tpu.memory_space<vmem>>
          %dma_wait3A_454 = arith.constant 0 : i32
          %dma_wait3A_455 = arith.constant 0 : i32
          %dma_wait3A_456 = tpu.memref_slice %arg2[%dma_wait3A_454, %dma_wait3A_455] : memref<80000x128xf32, #tpu.memory_space<hbm>> -> memref<80000x128xf32, #tpu.memory_space<hbm>>
          tpu.wait_indirect_dma semaphore(%arg15 : memref<!tpu.dma_semaphore, #tpu.memory_space<semaphore_mem>>) src(%dma_wait3A_456 : memref<80000x128xf32, #tpu.memory_space<hbm>>) dst(%arg11 : memref<128x128xf32, #tpu.memory_space<vmem>>)
          %add3A_457 = arith.constant 1 : i32
          %add3A_458 = arith.addi %add3A_370, %add3A_457 : i32
          %mul3A_459 = arith.constant 128 : i32
          %mul3A_460 = arith.muli %add3A_458, %mul3A_459 : i32
          %add3A_461 = arith.addi %select_n3A_280, %mul3A_460 : i32
          %add3A_462 = arith.constant 0 : i32
          %add3A_463 = arith.addi %add3A_461, %add3A_462 : i32
          %get3A_464 = arith.index_cast %add3A_463 : i32 to index
          %get3A_465 = tpu.vector_load %arg9[%get3A_464] {strides = array<i32>} : memref<10880xi32, #tpu.memory_space<vmem>>, vector<16xi32>,
          "tpu.region"() ({
            %run_scoped3A = tpu.sem_alloc : memref<!tpu.dma_semaphore, #tpu.memory_space<semaphore_mem>>
            %dma_start3A_515 = arith.constant 0 : i32
            %dma_start3A_516 = arith.constant 0 : i32
            %dma_start3A_517 = tpu.memref_slice %arg11[%dma_start3A_515, %dma_start3A_516] : memref<128x128xf32, #tpu.memory_space<vmem>> -> memref<16x128xf32, #tpu.memory_space<vmem>>
            %dma_start3A_518 = arith.constant 0 : i32
            %dma_start3A_519 = arith.constant 0 : i32
            %dma_start3A_520 = tpu.memref_slice %arg13[%dma_start3A_518, %dma_start3A_519] : memref<2688x128xf32, #tpu.memory_space<vmem_shared>> -> memref<2688x128xf32, #tpu.memory_space<vmem_shared>>
            tpu.enqueue_indirect_dma source(%dma_start3A_517 : memref<16x128xf32, #tpu.memory_space<vmem>>) target(%dma_start3A_520 : memref<2688x128xf32, #tpu.memory_space<vmem_shared>>) offsets(%get3A_465 : vector<16xi32>) semaphore(%run_scoped3A : memref<!tpu.dma_semaphore, #tpu.memory_space<semaphore_mem>>) {add = true}
            %dma_wait3A_521 = arith.constant 0 : i32
            %dma_wait3A_522 = arith.constant 0 : i32
            %dma_wait3A_523 = tpu.memref_slice %arg11[%dma_wait3A_521, %dma_wait3A_522] : memref<128x128xf32, #tpu.memory_space<vmem>> -> memref<16x128xf32, #tpu.memory_space<vmem>>
            %dma_wait3A_524 = arith.constant 0 : i32
            %dma_wait3A_525 = arith.constant 0 : i32
            %dma_wait3A_526 = tpu.memref_slice %arg13[%dma_wait3A_524, %dma_wait3A_525] : memref<2688x128xf32, #tpu.memory_space<vmem_shared>> -> memref<2688x128xf32, #tpu.memory_space<vmem_shared>>
            tpu.wait_indirect_dma semaphore(%run_scoped3A : memref<!tpu.dma_semaphore, #tpu.memory_space<semaphore_mem>>) src(%dma_wait3A_523 : memref<16x128xf32, #tpu.memory_space<vmem>>) dst(%dma_wait3A_526 : memref<2688x128xf32, #tpu.memory_space<vmem_shared>>)
            tpu.yield
          }) : () -> ()
          %mul3A_466 = arith.constant 128 : i32
          %mul3A_467 = arith.muli %add3A_458, %mul3A_466 : i32
          %add3A_468 = arith.addi %select_n3A_280, %mul3A_467 : i32
          %add3A_469 = arith.constant 16 : i32
          %add3A_470 = arith.addi %add3A_468, %add3A_469 : i32
          %get3A_471 = arith.index_cast %add3A_470 : i32 to index
          %get3A_472 = tpu.vector_load %arg9[%get3A_471] {strides = array<i32>} : memref<10880xi32, #tpu.memory_space<vmem>>, vector<16xi32>,
          "tpu.region"() ({
            %run_scoped3A = tpu.sem_alloc : memref<!tpu.dma_semaphore, #tpu.memory_space<semaphore_mem>>
            %dma_start3A_515 = arith.constant 16 : i32
            %dma_start3A_516 = arith.constant 0 : i32
            %dma_start3A_517 = tpu.memref_slice %arg11[%dma_start3A_515, %dma_start3A_516] : memref<128x128xf32, #tpu.memory_space<vmem>> -> memref<16x128xf32, #tpu.memory_space<vmem>>
            %dma_start3A_518 = arith.constant 0 : i32
            %dma_start3A_519 = arith.constant 0 : i32
            %dma_start3A_520 = tpu.memref_slice %arg13[%dma_start3A_518, %dma_start3A_519] : memref<2688x128xf32, #tpu.memory_space<vmem_shared>> -> memref<2688x128xf32, #tpu.memory_space<vmem_shared>>
            tpu.enqueue_indirect_dma source(%dma_start3A_517 : memref<16x128xf32, #tpu.memory_space<vmem>>) target(%dma_start3A_520 : memref<2688x128xf32, #tpu.memory_space<vmem_shared>>) offsets(%get3A_472 : vector<16xi32>) semaphore(%run_scoped3A : memref<!tpu.dma_semaphore, #tpu.memory_space<semaphore_mem>>) {add = true}
            %dma_wait3A_521 = arith.constant 16 : i32
            %dma_wait3A_522 = arith.constant 0 : i32
            %dma_wait3A_523 = tpu.memref_slice %arg11[%dma_wait3A_521, %dma_wait3A_522] : memref<128x128xf32, #tpu.memory_space<vmem>> -> memref<16x128xf32, #tpu.memory_space<vmem>>
            %dma_wait3A_524 = arith.constant 0 : i32
            %dma_wait3A_525 = arith.constant 0 : i32
            %dma_wait3A_526 = tpu.memref_slice %arg13[%dma_wait3A_524, %dma_wait3A_525] : memref<2688x128xf32, #tpu.memory_space<vmem_shared>> -> memref<2688x128xf32, #tpu.memory_space<vmem_shared>>
            tpu.wait_indirect_dma semaphore(%run_scoped3A : memref<!tpu.dma_semaphore, #tpu.memory_space<semaphore_mem>>) src(%dma_wait3A_523 : memref<16x128xf32, #tpu.memory_space<vmem>>) dst(%dma_wait3A_526 : memref<2688x128xf32, #tpu.memory_space<vmem_shared>>)
            tpu.yield
          }) : () -> ()
          %mul3A_473 = arith.constant 128 : i32
          %mul3A_474 = arith.muli %add3A_458, %mul3A_473 : i32
          %add3A_475 = arith.addi %select_n3A_280, %mul3A_474 : i32
          %add3A_476 = arith.constant 32 : i32
          %add3A_477 = arith.addi %add3A_475, %add3A_476 : i32
          %get3A_478 = arith.index_cast %add3A_477 : i32 to index
          %get3A_479 = tpu.vector_load %arg9[%get3A_478] {strides = array<i32>} : memref<10880xi32, #tpu.memory_space<vmem>>, vector<16xi32>,
          "tpu.region"() ({
            %run_scoped3A = tpu.sem_alloc : memref<!tpu.dma_semaphore, #tpu.memory_space<semaphore_mem>>
            %dma_start3A_515 = arith.constant 32 : i32
            %dma_start3A_516 = arith.constant 0 : i32
            %dma_start3A_517 = tpu.memref_slice %arg11[%dma_start3A_515, %dma_start3A_516] : memref<128x128xf32, #tpu.memory_space<vmem>> -> memref<16x128xf32, #tpu.memory_space<vmem>>
            %dma_start3A_518 = arith.constant 0 : i32
            %dma_start3A_519 = arith.constant 0 : i32
            %dma_start3A_520 = tpu.memref_slice %arg13[%dma_start3A_518, %dma_start3A_519] : memref<2688x128xf32, #tpu.memory_space<vmem_shared>> -> memref<2688x128xf32, #tpu.memory_space<vmem_shared>>
            tpu.enqueue_indirect_dma source(%dma_start3A_517 : memref<16x128xf32, #tpu.memory_space<vmem>>) target(%dma_start3A_520 : memref<2688x128xf32, #tpu.memory_space<vmem_shared>>) offsets(%get3A_479 : vector<16xi32>) semaphore(%run_scoped3A : memref<!tpu.dma_semaphore, #tpu.memory_space<semaphore_mem>>) {add = true}
            %dma_wait3A_521 = arith.constant 32 : i32
            %dma_wait3A_522 = arith.constant 0 : i32
            %dma_wait3A_523 = tpu.memref_slice %arg11[%dma_wait3A_521, %dma_wait3A_522] : memref<128x128xf32, #tpu.memory_space<vmem>> -> memref<16x128xf32, #tpu.memory_space<vmem>>
            %dma_wait3A_524 = arith.constant 0 : i32
            %dma_wait3A_525 = arith.constant 0 : i32
            %dma_wait3A_526 = tpu.memref_slice %arg13[%dma_wait3A_524, %dma_wait3A_525] : memref<2688x128xf32, #tpu.memory_space<vmem_shared>> -> memref<2688x128xf32, #tpu.memory_space<vmem_shared>>
            tpu.wait_indirect_dma semaphore(%run_scoped3A : memref<!tpu.dma_semaphore, #tpu.memory_space<semaphore_mem>>) src(%dma_wait3A_523 : memref<16x128xf32, #tpu.memory_space<vmem>>) dst(%dma_wait3A_526 : memref<2688x128xf32, #tpu.memory_space<vmem_shared>>)
            tpu.yield
          }) : () -> ()
          %mul3A_480 = arith.constant 128 : i32
          %mul3A_481 = arith.muli %add3A_458, %mul3A_480 : i32
          %add3A_482 = arith.addi %select_n3A_280, %mul3A_481 : i32
          %add3A_483 = arith.constant 48 : i32
          %add3A_484 = arith.addi %add3A_482, %add3A_483 : i32
          %get3A_485 = arith.index_cast %add3A_484 : i32 to index
          %get3A_486 = tpu.vector_load %arg9[%get3A_485] {strides = array<i32>} : memref<10880xi32, #tpu.memory_space<vmem>>, vector<16xi32>,
          "tpu.region"() ({
            %run_scoped3A = tpu.sem_alloc : memref<!tpu.dma_semaphore, #tpu.memory_space<semaphore_mem>>
            %dma_start3A_515 = arith.constant 48 : i32
            %dma_start3A_516 = arith.constant 0 : i32
            %dma_start3A_517 = tpu.memref_slice %arg11[%dma_start3A_515, %dma_start3A_516] : memref<128x128xf32, #tpu.memory_space<vmem>> -> memref<16x128xf32, #tpu.memory_space<vmem>>
            %dma_start3A_518 = arith.constant 0 : i32
            %dma_start3A_519 = arith.constant 0 : i32
            %dma_start3A_520 = tpu.memref_slice %arg13[%dma_start3A_518, %dma_start3A_519] : memref<2688x128xf32, #tpu.memory_space<vmem_shared>> -> memref<2688x128xf32, #tpu.memory_space<vmem_shared>>
            tpu.enqueue_indirect_dma source(%dma_start3A_517 : memref<16x128xf32, #tpu.memory_space<vmem>>) target(%dma_start3A_520 : memref<2688x128xf32, #tpu.memory_space<vmem_shared>>) offsets(%get3A_486 : vector<16xi32>) semaphore(%run_scoped3A : memref<!tpu.dma_semaphore, #tpu.memory_space<semaphore_mem>>) {add = true}
            %dma_wait3A_521 = arith.constant 48 : i32
            %dma_wait3A_522 = arith.constant 0 : i32
            %dma_wait3A_523 = tpu.memref_slice %arg11[%dma_wait3A_521, %dma_wait3A_522] : memref<128x128xf32, #tpu.memory_space<vmem>> -> memref<16x128xf32, #tpu.memory_space<vmem>>
            %dma_wait3A_524 = arith.constant 0 : i32
            %dma_wait3A_525 = arith.constant 0 : i32
            %dma_wait3A_526 = tpu.memref_slice %arg13[%dma_wait3A_524, %dma_wait3A_525] : memref<2688x128xf32, #tpu.memory_space<vmem_shared>> -> memref<2688x128xf32, #tpu.memory_space<vmem_shared>>
            tpu.wait_indirect_dma semaphore(%run_scoped3A : memref<!tpu.dma_semaphore, #tpu.memory_space<semaphore_mem>>) src(%dma_wait3A_523 : memref<16x128xf32, #tpu.memory_space<vmem>>) dst(%dma_wait3A_526 : memref<2688x128xf32, #tpu.memory_space<vmem_shared>>)
            tpu.yield
          }) : () -> ()
          %mul3A_487 = arith.constant 128 : i32
          %mul3A_488 = arith.muli %add3A_458, %mul3A_487 : i32
          %add3A_489 = arith.addi %select_n3A_280, %mul3A_488 : i32
          %add3A_490 = arith.constant 64 : i32
          %add3A_491 = arith.addi %add3A_489, %add3A_490 : i32
          %get3A_492 = arith.index_cast %add3A_491 : i32 to index
          %get3A_493 = tpu.vector_load %arg9[%get3A_492] {strides = array<i32>} : memref<10880xi32, #tpu.memory_space<vmem>>, vector<16xi32>,
          "tpu.region"() ({
            %run_scoped3A = tpu.sem_alloc : memref<!tpu.dma_semaphore, #tpu.memory_space<semaphore_mem>>
            %dma_start3A_515 = arith.constant 64 : i32
            %dma_start3A_516 = arith.constant 0 : i32
            %dma_start3A_517 = tpu.memref_slice %arg11[%dma_start3A_515, %dma_start3A_516] : memref<128x128xf32, #tpu.memory_space<vmem>> -> memref<16x128xf32, #tpu.memory_space<vmem>>
            %dma_start3A_518 = arith.constant 0 : i32
            %dma_start3A_519 = arith.constant 0 : i32
            %dma_start3A_520 = tpu.memref_slice %arg13[%dma_start3A_518, %dma_start3A_519] : memref<2688x128xf32, #tpu.memory_space<vmem_shared>> -> memref<2688x128xf32, #tpu.memory_space<vmem_shared>>
            tpu.enqueue_indirect_dma source(%dma_start3A_517 : memref<16x128xf32, #tpu.memory_space<vmem>>) target(%dma_start3A_520 : memref<2688x128xf32, #tpu.memory_space<vmem_shared>>) offsets(%get3A_493 : vector<16xi32>) semaphore(%run_scoped3A : memref<!tpu.dma_semaphore, #tpu.memory_space<semaphore_mem>>) {add = true}
            %dma_wait3A_521 = arith.constant 64 : i32
            %dma_wait3A_522 = arith.constant 0 : i32
            %dma_wait3A_523 = tpu.memref_slice %arg11[%dma_wait3A_521, %dma_wait3A_522] : memref<128x128xf32, #tpu.memory_space<vmem>> -> memref<16x128xf32, #tpu.memory_space<vmem>>
            %dma_wait3A_524 = arith.constant 0 : i32
            %dma_wait3A_525 = arith.constant 0 : i32
            %dma_wait3A_526 = tpu.memref_slice %arg13[%dma_wait3A_524, %dma_wait3A_525] : memref<2688x128xf32, #tpu.memory_space<vmem_shared>> -> memref<2688x128xf32, #tpu.memory_space<vmem_shared>>
            tpu.wait_indirect_dma semaphore(%run_scoped3A : memref<!tpu.dma_semaphore, #tpu.memory_space<semaphore_mem>>) src(%dma_wait3A_523 : memref<16x128xf32, #tpu.memory_space<vmem>>) dst(%dma_wait3A_526 : memref<2688x128xf32, #tpu.memory_space<vmem_shared>>)
            tpu.yield
          }) : () -> ()
          %mul3A_494 = arith.constant 128 : i32
          %mul3A_495 = arith.muli %add3A_458, %mul3A_494 : i32
          %add3A_496 = arith.addi %select_n3A_280, %mul3A_495 : i32
          %add3A_497 = arith.constant 80 : i32
          %add3A_498 = arith.addi %add3A_496, %add3A_497 : i32
          %get3A_499 = arith.index_cast %add3A_498 : i32 to index
          %get3A_500 = tpu.vector_load %arg9[%get3A_499] {strides = array<i32>} : memref<10880xi32, #tpu.memory_space<vmem>>, vector<16xi32>,
          "tpu.region"() ({
            %run_scoped3A = tpu.sem_alloc : memref<!tpu.dma_semaphore, #tpu.memory_space<semaphore_mem>>
            %dma_start3A_515 = arith.constant 80 : i32
            %dma_start3A_516 = arith.constant 0 : i32
            %dma_start3A_517 = tpu.memref_slice %arg11[%dma_start3A_515, %dma_start3A_516] : memref<128x128xf32, #tpu.memory_space<vmem>> -> memref<16x128xf32, #tpu.memory_space<vmem>>
            %dma_start3A_518 = arith.constant 0 : i32
            %dma_start3A_519 = arith.constant 0 : i32
            %dma_start3A_520 = tpu.memref_slice %arg13[%dma_start3A_518, %dma_start3A_519] : memref<2688x128xf32, #tpu.memory_space<vmem_shared>> -> memref<2688x128xf32, #tpu.memory_space<vmem_shared>>
            tpu.enqueue_indirect_dma source(%dma_start3A_517 : memref<16x128xf32, #tpu.memory_space<vmem>>) target(%dma_start3A_520 : memref<2688x128xf32, #tpu.memory_space<vmem_shared>>) offsets(%get3A_500 : vector<16xi32>) semaphore(%run_scoped3A : memref<!tpu.dma_semaphore, #tpu.memory_space<semaphore_mem>>) {add = true}
            %dma_wait3A_521 = arith.constant 80 : i32
            %dma_wait3A_522 = arith.constant 0 : i32
            %dma_wait3A_523 = tpu.memref_slice %arg11[%dma_wait3A_521, %dma_wait3A_522] : memref<128x128xf32, #tpu.memory_space<vmem>> -> memref<16x128xf32, #tpu.memory_space<vmem>>
            %dma_wait3A_524 = arith.constant 0 : i32
            %dma_wait3A_525 = arith.constant 0 : i32
            %dma_wait3A_526 = tpu.memref_slice %arg13[%dma_wait3A_524, %dma_wait3A_525] : memref<2688x128xf32, #tpu.memory_space<vmem_shared>> -> memref<2688x128xf32, #tpu.memory_space<vmem_shared>>
            tpu.wait_indirect_dma semaphore(%run_scoped3A : memref<!tpu.dma_semaphore, #tpu.memory_space<semaphore_mem>>) src(%dma_wait3A_523 : memref<16x128xf32, #tpu.memory_space<vmem>>) dst(%dma_wait3A_526 : memref<2688x128xf32, #tpu.memory_space<vmem_shared>>)
            tpu.yield
          }) : () -> ()
          %mul3A_501 = arith.constant 128 : i32
          %mul3A_502 = arith.muli %add3A_458, %mul3A_501 : i32
          %add3A_503 = arith.addi %select_n3A_280, %mul3A_502 : i32
          %add3A_504 = arith.constant 96 : i32
          %add3A_505 = arith.addi %add3A_503, %add3A_504 : i32
          %get3A_506 = arith.index_cast %add3A_505 : i32 to index
          %get3A_507 = tpu.vector_load %arg9[%get3A_506] {strides = array<i32>} : memref<10880xi32, #tpu.memory_space<vmem>>, vector<16xi32>,
          "tpu.region"() ({
            %run_scoped3A = tpu.sem_alloc : memref<!tpu.dma_semaphore, #tpu.memory_space<semaphore_mem>>
            %dma_start3A_515 = arith.constant 96 : i32
            %dma_start3A_516 = arith.constant 0 : i32
            %dma_start3A_517 = tpu.memref_slice %arg11[%dma_start3A_515, %dma_start3A_516] : memref<128x128xf32, #tpu.memory_space<vmem>> -> memref<16x128xf32, #tpu.memory_space<vmem>>
            %dma_start3A_518 = arith.constant 0 : i32
            %dma_start3A_519 = arith.constant 0 : i32
            %dma_start3A_520 = tpu.memref_slice %arg13[%dma_start3A_518, %dma_start3A_519] : memref<2688x128xf32, #tpu.memory_space<vmem_shared>> -> memref<2688x128xf32, #tpu.memory_space<vmem_shared>>
            tpu.enqueue_indirect_dma source(%dma_start3A_517 : memref<16x128xf32, #tpu.memory_space<vmem>>) target(%dma_start3A_520 : memref<2688x128xf32, #tpu.memory_space<vmem_shared>>) offsets(%get3A_507 : vector<16xi32>) semaphore(%run_scoped3A : memref<!tpu.dma_semaphore, #tpu.memory_space<semaphore_mem>>) {add = true}
            %dma_wait3A_521 = arith.constant 96 : i32
            %dma_wait3A_522 = arith.constant 0 : i32
            %dma_wait3A_523 = tpu.memref_slice %arg11[%dma_wait3A_521, %dma_wait3A_522] : memref<128x128xf32, #tpu.memory_space<vmem>> -> memref<16x128xf32, #tpu.memory_space<vmem>>
            %dma_wait3A_524 = arith.constant 0 : i32
            %dma_wait3A_525 = arith.constant 0 : i32
            %dma_wait3A_526 = tpu.memref_slice %arg13[%dma_wait3A_524, %dma_wait3A_525] : memref<2688x128xf32, #tpu.memory_space<vmem_shared>> -> memref<2688x128xf32, #tpu.memory_space<vmem_shared>>
            tpu.wait_indirect_dma semaphore(%run_scoped3A : memref<!tpu.dma_semaphore, #tpu.memory_space<semaphore_mem>>) src(%dma_wait3A_523 : memref<16x128xf32, #tpu.memory_space<vmem>>) dst(%dma_wait3A_526 : memref<2688x128xf32, #tpu.memory_space<vmem_shared>>)
            tpu.yield
          }) : () -> ()
          %mul3A_508 = arith.constant 128 : i32
          %mul3A_509 = arith.muli %add3A_458, %mul3A_508 : i32
          %add3A_510 = arith.addi %select_n3A_280, %mul3A_509 : i32
          %add3A_511 = arith.constant 112 : i32
          %add3A_512 = arith.addi %add3A_510, %add3A_511 : i32
          %get3A_513 = arith.index_cast %add3A_512 : i32 to index
          %get3A_514 = tpu.vector_load %arg9[%get3A_513] {strides = array<i32>} : memref<10880xi32, #tpu.memory_space<vmem>>, vector<16xi32>,
          "tpu.region"() ({
            %run_scoped3A = tpu.sem_alloc : memref<!tpu.dma_semaphore, #tpu.memory_space<semaphore_mem>>
            %dma_start3A_515 = arith.constant 112 : i32
            %dma_start3A_516 = arith.constant 0 : i32
            %dma_start3A_517 = tpu.memref_slice %arg11[%dma_start3A_515, %dma_start3A_516] : memref<128x128xf32, #tpu.memory_space<vmem>> -> memref<16x128xf32, #tpu.memory_space<vmem>>
            %dma_start3A_518 = arith.constant 0 : i32
            %dma_start3A_519 = arith.constant 0 : i32
            %dma_start3A_520 = tpu.memref_slice %arg13[%dma_start3A_518, %dma_start3A_519] : memref<2688x128xf32, #tpu.memory_space<vmem_shared>> -> memref<2688x128xf32, #tpu.memory_space<vmem_shared>>
            tpu.enqueue_indirect_dma source(%dma_start3A_517 : memref<16x128xf32, #tpu.memory_space<vmem>>) target(%dma_start3A_520 : memref<2688x128xf32, #tpu.memory_space<vmem_shared>>) offsets(%get3A_514 : vector<16xi32>) semaphore(%run_scoped3A : memref<!tpu.dma_semaphore, #tpu.memory_space<semaphore_mem>>) {add = true}
            %dma_wait3A_521 = arith.constant 112 : i32
            %dma_wait3A_522 = arith.constant 0 : i32
            %dma_wait3A_523 = tpu.memref_slice %arg11[%dma_wait3A_521, %dma_wait3A_522] : memref<128x128xf32, #tpu.memory_space<vmem>> -> memref<16x128xf32, #tpu.memory_space<vmem>>
            %dma_wait3A_524 = arith.constant 0 : i32
            %dma_wait3A_525 = arith.constant 0 : i32
            %dma_wait3A_526 = tpu.memref_slice %arg13[%dma_wait3A_524, %dma_wait3A_525] : memref<2688x128xf32, #tpu.memory_space<vmem_shared>> -> memref<2688x128xf32, #tpu.memory_space<vmem_shared>>
            tpu.wait_indirect_dma semaphore(%run_scoped3A : memref<!tpu.dma_semaphore, #tpu.memory_space<semaphore_mem>>) src(%dma_wait3A_523 : memref<16x128xf32, #tpu.memory_space<vmem>>) dst(%dma_wait3A_526 : memref<2688x128xf32, #tpu.memory_space<vmem_shared>>)
            tpu.yield
          }) : () -> ()
        } else {
        }
      }
      %while3A_365 = arith.constant 1 : i32
      scf.for %while3A_368 = %while3A_363 to %while3A_359 step %while3A_365  : i32 {
        %mul3A_369 = arith.muli %while3A_368, %while3A : i32
        %add3A_370 = arith.addi %while3A_356, %mul3A_369 : i32
        %mul3A_371 = arith.constant 128 : i32
        %mul3A_372 = arith.muli %add3A_370, %mul3A_371 : i32
        %add3A_373 = arith.addi %select_n3A_280, %mul3A_372 : i32
        %dma_wait3A_374 = tpu.memref_slice %arg8[%add3A_373] : memref<10880xi32, #tpu.memory_space<vmem>> -> memref<128xi32, #tpu.memory_space<vmem>>
        %dma_wait3A_375 = arith.constant 0 : i32
        %dma_wait3A_376 = arith.constant 0 : i32
        %dma_wait3A_377 = tpu.memref_slice %arg2[%dma_wait3A_375, %dma_wait3A_376] : memref<80000x128xf32, #tpu.memory_space<hbm>> -> memref<80000x128xf32, #tpu.memory_space<hbm>>
        tpu.wait_indirect_dma semaphore(%arg14 : memref<!tpu.dma_semaphore, #tpu.memory_space<semaphore_mem>>) src(%dma_wait3A_377 : memref<80000x128xf32, #tpu.memory_space<hbm>>) dst(%arg10 : memref<128x128xf32, #tpu.memory_space<vmem>>)
        %add3A_378 = arith.constant 1 : i32
        %add3A_379 = arith.addi %add3A_370, %add3A_378 : i32
        %lt3A = arith.cmpi slt, %add3A_379, %max3A_309 : i32
        %convert_element_type3A = arith.extui %lt3A : i1 to i32
        %cond3A = arith.constant 0 : i32
        %cond3A_380 = arith.cmpi ne, %convert_element_type3A, %cond3A : i32
        scf.if %cond3A_380 {
          %add3A_448 = arith.constant 1 : i32
          %add3A_449 = arith.addi %add3A_370, %add3A_448 : i32
          %mul3A_450 = arith.constant 128 : i32
          %mul3A_451 = arith.muli %add3A_449, %mul3A_450 : i32
          %add3A_452 = arith.addi %select_n3A_280, %mul3A_451 : i32
          %dma_start3A_453 = tpu.memref_slice %arg8[%add3A_452] : memref<10880xi32, #tpu.memory_space<vmem>> -> memref<128xi32, #tpu.memory_space<vmem>>
          %dma_start3A_454 = arith.constant 0 : i32
          %dma_start3A_455 = arith.constant 0 : i32
          %dma_start3A_456 = tpu.memref_slice %arg2[%dma_start3A_454, %dma_start3A_455] : memref<80000x128xf32, #tpu.memory_space<hbm>> -> memref<80000x128xf32, #tpu.memory_space<hbm>>
          tpu.enqueue_indirect_dma source(%dma_start3A_456 : memref<80000x128xf32, #tpu.memory_space<hbm>>) target(%arg11 : memref<128x128xf32, #tpu.memory_space<vmem>>) offsets(%dma_start3A_453 : memref<128xi32, #tpu.memory_space<vmem>>) semaphore(%arg15 : memref<!tpu.dma_semaphore, #tpu.memory_space<semaphore_mem>>)
        } else {
        }
        %mul3A_381 = arith.constant 128 : i32
        %mul3A_382 = arith.muli %add3A_370, %mul3A_381 : i32
        %add3A_383 = arith.addi %select_n3A_280, %mul3A_382 : i32
        %add3A_384 = arith.constant 0 : i32
        %add3A_385 = arith.addi %add3A_383, %add3A_384 : i32
        %get3A = arith.index_cast %add3A_385 : i32 to index
        %get3A_386 = tpu.vector_load %arg9[%get3A] {strides = array<i32>} : memref<10880xi32, #tpu.memory_space<vmem>>, vector<16xi32>,
        "tpu.region"() ({
          %run_scoped3A = tpu.sem_alloc : memref<!tpu.dma_semaphore, #tpu.memory_space<semaphore_mem>>
          %dma_start3A_448 = arith.constant 0 : i32
          %dma_start3A_449 = arith.constant 0 : i32
          %dma_start3A_450 = tpu.memref_slice %arg10[%dma_start3A_448, %dma_start3A_449] : memref<128x128xf32, #tpu.memory_space<vmem>> -> memref<16x128xf32, #tpu.memory_space<vmem>>
          %dma_start3A_451 = arith.constant 0 : i32
          %dma_start3A_452 = arith.constant 0 : i32
          %dma_start3A_453 = tpu.memref_slice %arg13[%dma_start3A_451, %dma_start3A_452] : memref<2688x128xf32, #tpu.memory_space<vmem_shared>> -> memref<2688x128xf32, #tpu.memory_space<vmem_shared>>
          tpu.enqueue_indirect_dma source(%dma_start3A_450 : memref<16x128xf32, #tpu.memory_space<vmem>>) target(%dma_start3A_453 : memref<2688x128xf32, #tpu.memory_space<vmem_shared>>) offsets(%get3A_386 : vector<16xi32>) semaphore(%run_scoped3A : memref<!tpu.dma_semaphore, #tpu.memory_space<semaphore_mem>>) {add = true}
          %dma_wait3A_454 = arith.constant 0 : i32
          %dma_wait3A_455 = arith.constant 0 : i32
          %dma_wait3A_456 = tpu.memref_slice %arg10[%dma_wait3A_454, %dma_wait3A_455] : memref<128x128xf32, #tpu.memory_space<vmem>> -> memref<16x128xf32, #tpu.memory_space<vmem>>
          %dma_wait3A_457 = arith.constant 0 : i32
          %dma_wait3A_458 = arith.constant 0 : i32
          %dma_wait3A_459 = tpu.memref_slice %arg13[%dma_wait3A_457, %dma_wait3A_458] : memref<2688x128xf32, #tpu.memory_space<vmem_shared>> -> memref<2688x128xf32, #tpu.memory_space<vmem_shared>>
          tpu.wait_indirect_dma semaphore(%run_scoped3A : memref<!tpu.dma_semaphore, #tpu.memory_space<semaphore_mem>>) src(%dma_wait3A_456 : memref<16x128xf32, #tpu.memory_space<vmem>>) dst(%dma_wait3A_459 : memref<2688x128xf32, #tpu.memory_space<vmem_shared>>)
          tpu.yield
        }) : () -> ()
        %mul3A_387 = arith.constant 128 : i32
        %mul3A_388 = arith.muli %add3A_370, %mul3A_387 : i32
        %add3A_389 = arith.addi %select_n3A_280, %mul3A_388 : i32
        %add3A_390 = arith.constant 16 : i32
        %add3A_391 = arith.addi %add3A_389, %add3A_390 : i32
        %get3A_392 = arith.index_cast %add3A_391 : i32 to index
        %get3A_393 = tpu.vector_load %arg9[%get3A_392] {strides = array<i32>} : memref<10880xi32, #tpu.memory_space<vmem>>, vector<16xi32>,
        "tpu.region"() ({
          %run_scoped3A = tpu.sem_alloc : memref<!tpu.dma_semaphore, #tpu.memory_space<semaphore_mem>>
          %dma_start3A_448 = arith.constant 16 : i32
          %dma_start3A_449 = arith.constant 0 : i32
          %dma_start3A_450 = tpu.memref_slice %arg10[%dma_start3A_448, %dma_start3A_449] : memref<128x128xf32, #tpu.memory_space<vmem>> -> memref<16x128xf32, #tpu.memory_space<vmem>>
          %dma_start3A_451 = arith.constant 0 : i32
          %dma_start3A_452 = arith.constant 0 : i32
          %dma_start3A_453 = tpu.memref_slice %arg13[%dma_start3A_451, %dma_start3A_452] : memref<2688x128xf32, #tpu.memory_space<vmem_shared>> -> memref<2688x128xf32, #tpu.memory_space<vmem_shared>>
          tpu.enqueue_indirect_dma source(%dma_start3A_450 : memref<16x128xf32, #tpu.memory_space<vmem>>) target(%dma_start3A_453 : memref<2688x128xf32, #tpu.memory_space<vmem_shared>>) offsets(%get3A_393 : vector<16xi32>) semaphore(%run_scoped3A : memref<!tpu.dma_semaphore, #tpu.memory_space<semaphore_mem>>) {add = true}
          %dma_wait3A_454 = arith.constant 16 : i32
          %dma_wait3A_455 = arith.constant 0 : i32
          %dma_wait3A_456 = tpu.memref_slice %arg10[%dma_wait3A_454, %dma_wait3A_455] : memref<128x128xf32, #tpu.memory_space<vmem>> -> memref<16x128xf32, #tpu.memory_space<vmem>>
          %dma_wait3A_457 = arith.constant 0 : i32
          %dma_wait3A_458 = arith.constant 0 : i32
          %dma_wait3A_459 = tpu.memref_slice %arg13[%dma_wait3A_457, %dma_wait3A_458] : memref<2688x128xf32, #tpu.memory_space<vmem_shared>> -> memref<2688x128xf32, #tpu.memory_space<vmem_shared>>
          tpu.wait_indirect_dma semaphore(%run_scoped3A : memref<!tpu.dma_semaphore, #tpu.memory_space<semaphore_mem>>) src(%dma_wait3A_456 : memref<16x128xf32, #tpu.memory_space<vmem>>) dst(%dma_wait3A_459 : memref<2688x128xf32, #tpu.memory_space<vmem_shared>>)
          tpu.yield
        }) : () -> ()
        %mul3A_394 = arith.constant 128 : i32
        %mul3A_395 = arith.muli %add3A_370, %mul3A_394 : i32
        %add3A_396 = arith.addi %select_n3A_280, %mul3A_395 : i32
        %add3A_397 = arith.constant 32 : i32
        %add3A_398 = arith.addi %add3A_396, %add3A_397 : i32
        %get3A_399 = arith.index_cast %add3A_398 : i32 to index
        %get3A_400 = tpu.vector_load %arg9[%get3A_399] {strides = array<i32>} : memref<10880xi32, #tpu.memory_space<vmem>>, vector<16xi32>,
        "tpu.region"() ({
          %run_scoped3A = tpu.sem_alloc : memref<!tpu.dma_semaphore, #tpu.memory_space<semaphore_mem>>
          %dma_start3A_448 = arith.constant 32 : i32
          %dma_start3A_449 = arith.constant 0 : i32
          %dma_start3A_450 = tpu.memref_slice %arg10[%dma_start3A_448, %dma_start3A_449] : memref<128x128xf32, #tpu.memory_space<vmem>> -> memref<16x128xf32, #tpu.memory_space<vmem>>
          %dma_start3A_451 = arith.constant 0 : i32
          %dma_start3A_452 = arith.constant 0 : i32
          %dma_start3A_453 = tpu.memref_slice %arg13[%dma_start3A_451, %dma_start3A_452] : memref<2688x128xf32, #tpu.memory_space<vmem_shared>> -> memref<2688x128xf32, #tpu.memory_space<vmem_shared>>
          tpu.enqueue_indirect_dma source(%dma_start3A_450 : memref<16x128xf32, #tpu.memory_space<vmem>>) target(%dma_start3A_453 : memref<2688x128xf32, #tpu.memory_space<vmem_shared>>) offsets(%get3A_400 : vector<16xi32>) semaphore(%run_scoped3A : memref<!tpu.dma_semaphore, #tpu.memory_space<semaphore_mem>>) {add = true}
          %dma_wait3A_454 = arith.constant 32 : i32
          %dma_wait3A_455 = arith.constant 0 : i32
          %dma_wait3A_456 = tpu.memref_slice %arg10[%dma_wait3A_454, %dma_wait3A_455] : memref<128x128xf32, #tpu.memory_space<vmem>> -> memref<16x128xf32, #tpu.memory_space<vmem>>
          %dma_wait3A_457 = arith.constant 0 : i32
          %dma_wait3A_458 = arith.constant 0 : i32
          %dma_wait3A_459 = tpu.memref_slice %arg13[%dma_wait3A_457, %dma_wait3A_458] : memref<2688x128xf32, #tpu.memory_space<vmem_shared>> -> memref<2688x128xf32, #tpu.memory_space<vmem_shared>>
          tpu.wait_indirect_dma semaphore(%run_scoped3A : memref<!tpu.dma_semaphore, #tpu.memory_space<semaphore_mem>>) src(%dma_wait3A_456 : memref<16x128xf32, #tpu.memory_space<vmem>>) dst(%dma_wait3A_459 : memref<2688x128xf32, #tpu.memory_space<vmem_shared>>)
          tpu.yield
        }) : () -> ()
        %mul3A_401 = arith.constant 128 : i32
        %mul3A_402 = arith.muli %add3A_370, %mul3A_401 : i32
        %add3A_403 = arith.addi %select_n3A_280, %mul3A_402 : i32
        %add3A_404 = arith.constant 48 : i32
        %add3A_405 = arith.addi %add3A_403, %add3A_404 : i32
        %get3A_406 = arith.index_cast %add3A_405 : i32 to index
        %get3A_407 = tpu.vector_load %arg9[%get3A_406] {strides = array<i32>} : memref<10880xi32, #tpu.memory_space<vmem>>, vector<16xi32>,
        "tpu.region"() ({
          %run_scoped3A = tpu.sem_alloc : memref<!tpu.dma_semaphore, #tpu.memory_space<semaphore_mem>>
          %dma_start3A_448 = arith.constant 48 : i32
          %dma_start3A_449 = arith.constant 0 : i32
          %dma_start3A_450 = tpu.memref_slice %arg10[%dma_start3A_448, %dma_start3A_449] : memref<128x128xf32, #tpu.memory_space<vmem>> -> memref<16x128xf32, #tpu.memory_space<vmem>>
          %dma_start3A_451 = arith.constant 0 : i32
          %dma_start3A_452 = arith.constant 0 : i32
          %dma_start3A_453 = tpu.memref_slice %arg13[%dma_start3A_451, %dma_start3A_452] : memref<2688x128xf32, #tpu.memory_space<vmem_shared>> -> memref<2688x128xf32, #tpu.memory_space<vmem_shared>>
          tpu.enqueue_indirect_dma source(%dma_start3A_450 : memref<16x128xf32, #tpu.memory_space<vmem>>) target(%dma_start3A_453 : memref<2688x128xf32, #tpu.memory_space<vmem_shared>>) offsets(%get3A_407 : vector<16xi32>) semaphore(%run_scoped3A : memref<!tpu.dma_semaphore, #tpu.memory_space<semaphore_mem>>) {add = true}
          %dma_wait3A_454 = arith.constant 48 : i32
          %dma_wait3A_455 = arith.constant 0 : i32
          %dma_wait3A_456 = tpu.memref_slice %arg10[%dma_wait3A_454, %dma_wait3A_455] : memref<128x128xf32, #tpu.memory_space<vmem>> -> memref<16x128xf32, #tpu.memory_space<vmem>>
          %dma_wait3A_457 = arith.constant 0 : i32
          %dma_wait3A_458 = arith.constant 0 : i32
          %dma_wait3A_459 = tpu.memref_slice %arg13[%dma_wait3A_457, %dma_wait3A_458] : memref<2688x128xf32, #tpu.memory_space<vmem_shared>> -> memref<2688x128xf32, #tpu.memory_space<vmem_shared>>
          tpu.wait_indirect_dma semaphore(%run_scoped3A : memref<!tpu.dma_semaphore, #tpu.memory_space<semaphore_mem>>) src(%dma_wait3A_456 : memref<16x128xf32, #tpu.memory_space<vmem>>) dst(%dma_wait3A_459 : memref<2688x128xf32, #tpu.memory_space<vmem_shared>>)
          tpu.yield
        }) : () -> ()
        %mul3A_408 = arith.constant 128 : i32
        %mul3A_409 = arith.muli %add3A_370, %mul3A_408 : i32
        %add3A_410 = arith.addi %select_n3A_280, %mul3A_409 : i32
        %add3A_411 = arith.constant 64 : i32
        %add3A_412 = arith.addi %add3A_410, %add3A_411 : i32
        %get3A_413 = arith.index_cast %add3A_412 : i32 to index
        %get3A_414 = tpu.vector_load %arg9[%get3A_413] {strides = array<i32>} : memref<10880xi32, #tpu.memory_space<vmem>>, vector<16xi32>,
        "tpu.region"() ({
          %run_scoped3A = tpu.sem_alloc : memref<!tpu.dma_semaphore, #tpu.memory_space<semaphore_mem>>
          %dma_start3A_448 = arith.constant 64 : i32
          %dma_start3A_449 = arith.constant 0 : i32
          %dma_start3A_450 = tpu.memref_slice %arg10[%dma_start3A_448, %dma_start3A_449] : memref<128x128xf32, #tpu.memory_space<vmem>> -> memref<16x128xf32, #tpu.memory_space<vmem>>
          %dma_start3A_451 = arith.constant 0 : i32
          %dma_start3A_452 = arith.constant 0 : i32
          %dma_start3A_453 = tpu.memref_slice %arg13[%dma_start3A_451, %dma_start3A_452] : memref<2688x128xf32, #tpu.memory_space<vmem_shared>> -> memref<2688x128xf32, #tpu.memory_space<vmem_shared>>
          tpu.enqueue_indirect_dma source(%dma_start3A_450 : memref<16x128xf32, #tpu.memory_space<vmem>>) target(%dma_start3A_453 : memref<2688x128xf32, #tpu.memory_space<vmem_shared>>) offsets(%get3A_414 : vector<16xi32>) semaphore(%run_scoped3A : memref<!tpu.dma_semaphore, #tpu.memory_space<semaphore_mem>>) {add = true}
          %dma_wait3A_454 = arith.constant 64 : i32
          %dma_wait3A_455 = arith.constant 0 : i32
          %dma_wait3A_456 = tpu.memref_slice %arg10[%dma_wait3A_454, %dma_wait3A_455] : memref<128x128xf32, #tpu.memory_space<vmem>> -> memref<16x128xf32, #tpu.memory_space<vmem>>
          %dma_wait3A_457 = arith.constant 0 : i32
          %dma_wait3A_458 = arith.constant 0 : i32
          %dma_wait3A_459 = tpu.memref_slice %arg13[%dma_wait3A_457, %dma_wait3A_458] : memref<2688x128xf32, #tpu.memory_space<vmem_shared>> -> memref<2688x128xf32, #tpu.memory_space<vmem_shared>>
          tpu.wait_indirect_dma semaphore(%run_scoped3A : memref<!tpu.dma_semaphore, #tpu.memory_space<semaphore_mem>>) src(%dma_wait3A_456 : memref<16x128xf32, #tpu.memory_space<vmem>>) dst(%dma_wait3A_459 : memref<2688x128xf32, #tpu.memory_space<vmem_shared>>)
          tpu.yield
        }) : () -> ()
        %mul3A_415 = arith.constant 128 : i32
        %mul3A_416 = arith.muli %add3A_370, %mul3A_415 : i32
        %add3A_417 = arith.addi %select_n3A_280, %mul3A_416 : i32
        %add3A_418 = arith.constant 80 : i32
        %add3A_419 = arith.addi %add3A_417, %add3A_418 : i32
        %get3A_420 = arith.index_cast %add3A_419 : i32 to index
        %get3A_421 = tpu.vector_load %arg9[%get3A_420] {strides = array<i32>} : memref<10880xi32, #tpu.memory_space<vmem>>, vector<16xi32>,
        "tpu.region"() ({
          %run_scoped3A = tpu.sem_alloc : memref<!tpu.dma_semaphore, #tpu.memory_space<semaphore_mem>>
          %dma_start3A_448 = arith.constant 80 : i32
          %dma_start3A_449 = arith.constant 0 : i32
          %dma_start3A_450 = tpu.memref_slice %arg10[%dma_start3A_448, %dma_start3A_449] : memref<128x128xf32, #tpu.memory_space<vmem>> -> memref<16x128xf32, #tpu.memory_space<vmem>>
          %dma_start3A_451 = arith.constant 0 : i32
          %dma_start3A_452 = arith.constant 0 : i32
          %dma_start3A_453 = tpu.memref_slice %arg13[%dma_start3A_451, %dma_start3A_452] : memref<2688x128xf32, #tpu.memory_space<vmem_shared>> -> memref<2688x128xf32, #tpu.memory_space<vmem_shared>>
          tpu.enqueue_indirect_dma source(%dma_start3A_450 : memref<16x128xf32, #tpu.memory_space<vmem>>) target(%dma_start3A_453 : memref<2688x128xf32, #tpu.memory_space<vmem_shared>>) offsets(%get3A_421 : vector<16xi32>) semaphore(%run_scoped3A : memref<!tpu.dma_semaphore, #tpu.memory_space<semaphore_mem>>) {add = true}
          %dma_wait3A_454 = arith.constant 80 : i32
          %dma_wait3A_455 = arith.constant 0 : i32
          %dma_wait3A_456 = tpu.memref_slice %arg10[%dma_wait3A_454, %dma_wait3A_455] : memref<128x128xf32, #tpu.memory_space<vmem>> -> memref<16x128xf32, #tpu.memory_space<vmem>>
          %dma_wait3A_457 = arith.constant 0 : i32
          %dma_wait3A_458 = arith.constant 0 : i32
          %dma_wait3A_459 = tpu.memref_slice %arg13[%dma_wait3A_457, %dma_wait3A_458] : memref<2688x128xf32, #tpu.memory_space<vmem_shared>> -> memref<2688x128xf32, #tpu.memory_space<vmem_shared>>
          tpu.wait_indirect_dma semaphore(%run_scoped3A : memref<!tpu.dma_semaphore, #tpu.memory_space<semaphore_mem>>) src(%dma_wait3A_456 : memref<16x128xf32, #tpu.memory_space<vmem>>) dst(%dma_wait3A_459 : memref<2688x128xf32, #tpu.memory_space<vmem_shared>>)
          tpu.yield
        }) : () -> ()
        %mul3A_422 = arith.constant 128 : i32
        %mul3A_423 = arith.muli %add3A_370, %mul3A_422 : i32
        %add3A_424 = arith.addi %select_n3A_280, %mul3A_423 : i32
        %add3A_425 = arith.constant 96 : i32
        %add3A_426 = arith.addi %add3A_424, %add3A_425 : i32
        %get3A_427 = arith.index_cast %add3A_426 : i32 to index
        %get3A_428 = tpu.vector_load %arg9[%get3A_427] {strides = array<i32>} : memref<10880xi32, #tpu.memory_space<vmem>>, vector<16xi32>,
        "tpu.region"() ({
          %run_scoped3A = tpu.sem_alloc : memref<!tpu.dma_semaphore, #tpu.memory_space<semaphore_mem>>
          %dma_start3A_448 = arith.constant 96 : i32
          %dma_start3A_449 = arith.constant 0 : i32
          %dma_start3A_450 = tpu.memref_slice %arg10[%dma_start3A_448, %dma_start3A_449] : memref<128x128xf32, #tpu.memory_space<vmem>> -> memref<16x128xf32, #tpu.memory_space<vmem>>
          %dma_start3A_451 = arith.constant 0 : i32
          %dma_start3A_452 = arith.constant 0 : i32
          %dma_start3A_453 = tpu.memref_slice %arg13[%dma_start3A_451, %dma_start3A_452] : memref<2688x128xf32, #tpu.memory_space<vmem_shared>> -> memref<2688x128xf32, #tpu.memory_space<vmem_shared>>
          tpu.enqueue_indirect_dma source(%dma_start3A_450 : memref<16x128xf32, #tpu.memory_space<vmem>>) target(%dma_start3A_453 : memref<2688x128xf32, #tpu.memory_space<vmem_shared>>) offsets(%get3A_428 : vector<16xi32>) semaphore(%run_scoped3A : memref<!tpu.dma_semaphore, #tpu.memory_space<semaphore_mem>>) {add = true}
          %dma_wait3A_454 = arith.constant 96 : i32
          %dma_wait3A_455 = arith.constant 0 : i32
          %dma_wait3A_456 = tpu.memref_slice %arg10[%dma_wait3A_454, %dma_wait3A_455] : memref<128x128xf32, #tpu.memory_space<vmem>> -> memref<16x128xf32, #tpu.memory_space<vmem>>
          %dma_wait3A_457 = arith.constant 0 : i32
          %dma_wait3A_458 = arith.constant 0 : i32
          %dma_wait3A_459 = tpu.memref_slice %arg13[%dma_wait3A_457, %dma_wait3A_458] : memref<2688x128xf32, #tpu.memory_space<vmem_shared>> -> memref<2688x128xf32, #tpu.memory_space<vmem_shared>>
          tpu.wait_indirect_dma semaphore(%run_scoped3A : memref<!tpu.dma_semaphore, #tpu.memory_space<semaphore_mem>>) src(%dma_wait3A_456 : memref<16x128xf32, #tpu.memory_space<vmem>>) dst(%dma_wait3A_459 : memref<2688x128xf32, #tpu.memory_space<vmem_shared>>)
          tpu.yield
        }) : () -> ()
        %mul3A_429 = arith.constant 128 : i32
        %mul3A_430 = arith.muli %add3A_370, %mul3A_429 : i32
        %add3A_431 = arith.addi %select_n3A_280, %mul3A_430 : i32
        %add3A_432 = arith.constant 112 : i32
        %add3A_433 = arith.addi %add3A_431, %add3A_432 : i32
        %get3A_434 = arith.index_cast %add3A_433 : i32 to index
        %get3A_435 = tpu.vector_load %arg9[%get3A_434] {strides = array<i32>} : memref<10880xi32, #tpu.memory_space<vmem>>, vector<16xi32>,
        "tpu.region"() ({
          %run_scoped3A = tpu.sem_alloc : memref<!tpu.dma_semaphore, #tpu.memory_space<semaphore_mem>>
          %dma_start3A_448 = arith.constant 112 : i32
          %dma_start3A_449 = arith.constant 0 : i32
          %dma_start3A_450 = tpu.memref_slice %arg10[%dma_start3A_448, %dma_start3A_449] : memref<128x128xf32, #tpu.memory_space<vmem>> -> memref<16x128xf32, #tpu.memory_space<vmem>>
          %dma_start3A_451 = arith.constant 0 : i32
          %dma_start3A_452 = arith.constant 0 : i32
          %dma_start3A_453 = tpu.memref_slice %arg13[%dma_start3A_451, %dma_start3A_452] : memref<2688x128xf32, #tpu.memory_space<vmem_shared>> -> memref<2688x128xf32, #tpu.memory_space<vmem_shared>>
          tpu.enqueue_indirect_dma source(%dma_start3A_450 : memref<16x128xf32, #tpu.memory_space<vmem>>) target(%dma_start3A_453 : memref<2688x128xf32, #tpu.memory_space<vmem_shared>>) offsets(%get3A_435 : vector<16xi32>) semaphore(%run_scoped3A : memref<!tpu.dma_semaphore, #tpu.memory_space<semaphore_mem>>) {add = true}
          %dma_wait3A_454 = arith.constant 112 : i32
          %dma_wait3A_455 = arith.constant 0 : i32
          %dma_wait3A_456 = tpu.memref_slice %arg10[%dma_wait3A_454, %dma_wait3A_455] : memref<128x128xf32, #tpu.memory_space<vmem>> -> memref<16x128xf32, #tpu.memory_space<vmem>>
          %dma_wait3A_457 = arith.constant 0 : i32
          %dma_wait3A_458 = arith.constant 0 : i32
          %dma_wait3A_459 = tpu.memref_slice %arg13[%dma_wait3A_457, %dma_wait3A_458] : memref<2688x128xf32, #tpu.memory_space<vmem_shared>> -> memref<2688x128xf32, #tpu.memory_space<vmem_shared>>
          tpu.wait_indirect_dma semaphore(%run_scoped3A : memref<!tpu.dma_semaphore, #tpu.memory_space<semaphore_mem>>) src(%dma_wait3A_456 : memref<16x128xf32, #tpu.memory_space<vmem>>) dst(%dma_wait3A_459 : memref<2688x128xf32, #tpu.memory_space<vmem_shared>>)
          tpu.yield
        }) : () -> ()
        %add3A_436 = arith.constant 2 : i32
        %add3A_437 = arith.addi %add3A_370, %add3A_436 : i32
        %lt3A_438 = arith.cmpi slt, %add3A_437, %max3A_309 : i32
        %convert_element_type3A_439 = arith.extui %lt3A_438 : i1 to i32
        %cond3A_440 = arith.constant 0 : i32
        %cond3A_441 = arith.cmpi ne, %convert_element_type3A_439, %cond3A_440 : i32
        scf.if %cond3A_441 {
          %add3A_448 = arith.constant 2 : i32
          %add3A_449 = arith.addi %add3A_370, %add3A_448 : i32
          %mul3A_450 = arith.constant 128 : i32
          %mul3A_451 = arith.muli %add3A_449, %mul3A_450 : i32
          %add3A_452 = arith.addi %select_n3A_280, %mul3A_451 : i32
          %dma_start3A_453 = tpu.memref_slice %arg8[%add3A_452] : memref<10880xi32, #tpu.memory_space<vmem>> -> memref<128xi32, #tpu.memory_space<vmem>>
          %dma_start3A_454 = arith.constant 0 : i32
          %dma_start3A_455 = arith.constant 0 : i32
          %dma_start3A_456 = tpu.memref_slice %arg2[%dma_start3A_454, %dma_start3A_455] : memref<80000x128xf32, #tpu.memory_space<hbm>> -> memref<80000x128xf32, #tpu.memory_space<hbm>>
          tpu.enqueue_indirect_dma source(%dma_start3A_456 : memref<80000x128xf32, #tpu.memory_space<hbm>>) target(%arg10 : memref<128x128xf32, #tpu.memory_space<vmem>>) offsets(%dma_start3A_453 : memref<128xi32, #tpu.memory_space<vmem>>) semaphore(%arg14 : memref<!tpu.dma_semaphore, #tpu.memory_space<semaphore_mem>>)
        } else {
        }
        %add3A_442 = arith.constant 1 : i32
        %add3A_443 = arith.addi %add3A_370, %add3A_442 : i32
        %lt3A_444 = arith.cmpi slt, %add3A_443, %max3A_309 : i32
        %convert_element_type3A_445 = arith.extui %lt3A_444 : i1 to i32
        %cond3A_446 = arith.constant 0 : i32
        %cond3A_447 = arith.cmpi ne, %convert_element_type3A_445, %cond3A_446 : i32
        scf.if %cond3A_447 {
          %add3A_448 = arith.constant 1 : i32
          %add3A_449 = arith.addi %add3A_370, %add3A_448 : i32
          %mul3A_450 = arith.constant 128 : i32
          %mul3A_451 = arith.muli %add3A_449, %mul3A_450 : i32
          %add3A_452 = arith.addi %select_n3A_280, %mul3A_451 : i32
          %dma_wait3A_453 = tpu.memref_slice %arg8[%add3A_452] : memref<10880xi32, #tpu.memory_space<vmem>> -> memref<128xi32, #tpu.memory_space<vmem>>
          %dma_wait3A_454 = arith.constant 0 : i32
          %dma_wait3A_455 = arith.constant 0 : i32
          %dma_wait3A_456 = tpu.memref_slice %arg2[%dma_wait3A_454, %dma_wait3A_455] : memref<80000x128xf32, #tpu.memory_space<hbm>> -> memref<80000x128xf32, #tpu.memory_space<hbm>>
          tpu.wait_indirect_dma semaphore(%arg15 : memref<!tpu.dma_semaphore, #tpu.memory_space<semaphore_mem>>) src(%dma_wait3A_456 : memref<80000x128xf32, #tpu.memory_space<hbm>>) dst(%arg11 : memref<128x128xf32, #tpu.memory_space<vmem>>)
          %add3A_457 = arith.constant 1 : i32
          %add3A_458 = arith.addi %add3A_370, %add3A_457 : i32
          %mul3A_459 = arith.constant 128 : i32
          %mul3A_460 = arith.muli %add3A_458, %mul3A_459 : i32
          %add3A_461 = arith.addi %select_n3A_280, %mul3A_460 : i32
          %add3A_462 = arith.constant 0 : i32
          %add3A_463 = arith.addi %add3A_461, %add3A_462 : i32
          %get3A_464 = arith.index_cast %add3A_463 : i32 to index
          %get3A_465 = tpu.vector_load %arg9[%get3A_464] {strides = array<i32>} : memref<10880xi32, #tpu.memory_space<vmem>>, vector<16xi32>,
          "tpu.region"() ({
            %run_scoped3A = tpu.sem_alloc : memref<!tpu.dma_semaphore, #tpu.memory_space<semaphore_mem>>
            %dma_start3A_515 = arith.constant 0 : i32
            %dma_start3A_516 = arith.constant 0 : i32
            %dma_start3A_517 = tpu.memref_slice %arg11[%dma_start3A_515, %dma_start3A_516] : memref<128x128xf32, #tpu.memory_space<vmem>> -> memref<16x128xf32, #tpu.memory_space<vmem>>
            %dma_start3A_518 = arith.constant 0 : i32
            %dma_start3A_519 = arith.constant 0 : i32
            %dma_start3A_520 = tpu.memref_slice %arg13[%dma_start3A_518, %dma_start3A_519] : memref<2688x128xf32, #tpu.memory_space<vmem_shared>> -> memref<2688x128xf32, #tpu.memory_space<vmem_shared>>
            tpu.enqueue_indirect_dma source(%dma_start3A_517 : memref<16x128xf32, #tpu.memory_space<vmem>>) target(%dma_start3A_520 : memref<2688x128xf32, #tpu.memory_space<vmem_shared>>) offsets(%get3A_465 : vector<16xi32>) semaphore(%run_scoped3A : memref<!tpu.dma_semaphore, #tpu.memory_space<semaphore_mem>>) {add = true}
            %dma_wait3A_521 = arith.constant 0 : i32
            %dma_wait3A_522 = arith.constant 0 : i32
            %dma_wait3A_523 = tpu.memref_slice %arg11[%dma_wait3A_521, %dma_wait3A_522] : memref<128x128xf32, #tpu.memory_space<vmem>> -> memref<16x128xf32, #tpu.memory_space<vmem>>
            %dma_wait3A_524 = arith.constant 0 : i32
            %dma_wait3A_525 = arith.constant 0 : i32
            %dma_wait3A_526 = tpu.memref_slice %arg13[%dma_wait3A_524, %dma_wait3A_525] : memref<2688x128xf32, #tpu.memory_space<vmem_shared>> -> memref<2688x128xf32, #tpu.memory_space<vmem_shared>>
            tpu.wait_indirect_dma semaphore(%run_scoped3A : memref<!tpu.dma_semaphore, #tpu.memory_space<semaphore_mem>>) src(%dma_wait3A_523 : memref<16x128xf32, #tpu.memory_space<vmem>>) dst(%dma_wait3A_526 : memref<2688x128xf32, #tpu.memory_space<vmem_shared>>)
            tpu.yield
          }) : () -> ()
          %mul3A_466 = arith.constant 128 : i32
          %mul3A_467 = arith.muli %add3A_458, %mul3A_466 : i32
          %add3A_468 = arith.addi %select_n3A_280, %mul3A_467 : i32
          %add3A_469 = arith.constant 16 : i32
          %add3A_470 = arith.addi %add3A_468, %add3A_469 : i32
          %get3A_471 = arith.index_cast %add3A_470 : i32 to index
          %get3A_472 = tpu.vector_load %arg9[%get3A_471] {strides = array<i32>} : memref<10880xi32, #tpu.memory_space<vmem>>, vector<16xi32>,
          "tpu.region"() ({
            %run_scoped3A = tpu.sem_alloc : memref<!tpu.dma_semaphore, #tpu.memory_space<semaphore_mem>>
            %dma_start3A_515 = arith.constant 16 : i32
            %dma_start3A_516 = arith.constant 0 : i32
            %dma_start3A_517 = tpu.memref_slice %arg11[%dma_start3A_515, %dma_start3A_516] : memref<128x128xf32, #tpu.memory_space<vmem>> -> memref<16x128xf32, #tpu.memory_space<vmem>>
            %dma_start3A_518 = arith.constant 0 : i32
            %dma_start3A_519 = arith.constant 0 : i32
            %dma_start3A_520 = tpu.memref_slice %arg13[%dma_start3A_518, %dma_start3A_519] : memref<2688x128xf32, #tpu.memory_space<vmem_shared>> -> memref<2688x128xf32, #tpu.memory_space<vmem_shared>>
            tpu.enqueue_indirect_dma source(%dma_start3A_517 : memref<16x128xf32, #tpu.memory_space<vmem>>) target(%dma_start3A_520 : memref<2688x128xf32, #tpu.memory_space<vmem_shared>>) offsets(%get3A_472 : vector<16xi32>) semaphore(%run_scoped3A : memref<!tpu.dma_semaphore, #tpu.memory_space<semaphore_mem>>) {add = true}
            %dma_wait3A_521 = arith.constant 16 : i32
            %dma_wait3A_522 = arith.constant 0 : i32
            %dma_wait3A_523 = tpu.memref_slice %arg11[%dma_wait3A_521, %dma_wait3A_522] : memref<128x128xf32, #tpu.memory_space<vmem>> -> memref<16x128xf32, #tpu.memory_space<vmem>>
            %dma_wait3A_524 = arith.constant 0 : i32
            %dma_wait3A_525 = arith.constant 0 : i32
            %dma_wait3A_526 = tpu.memref_slice %arg13[%dma_wait3A_524, %dma_wait3A_525] : memref<2688x128xf32, #tpu.memory_space<vmem_shared>> -> memref<2688x128xf32, #tpu.memory_space<vmem_shared>>
            tpu.wait_indirect_dma semaphore(%run_scoped3A : memref<!tpu.dma_semaphore, #tpu.memory_space<semaphore_mem>>) src(%dma_wait3A_523 : memref<16x128xf32, #tpu.memory_space<vmem>>) dst(%dma_wait3A_526 : memref<2688x128xf32, #tpu.memory_space<vmem_shared>>)
            tpu.yield
          }) : () -> ()
          %mul3A_473 = arith.constant 128 : i32
          %mul3A_474 = arith.muli %add3A_458, %mul3A_473 : i32
          %add3A_475 = arith.addi %select_n3A_280, %mul3A_474 : i32
          %add3A_476 = arith.constant 32 : i32
          %add3A_477 = arith.addi %add3A_475, %add3A_476 : i32
          %get3A_478 = arith.index_cast %add3A_477 : i32 to index
          %get3A_479 = tpu.vector_load %arg9[%get3A_478] {strides = array<i32>} : memref<10880xi32, #tpu.memory_space<vmem>>, vector<16xi32>,
          "tpu.region"() ({
            %run_scoped3A = tpu.sem_alloc : memref<!tpu.dma_semaphore, #tpu.memory_space<semaphore_mem>>
            %dma_start3A_515 = arith.constant 32 : i32
            %dma_start3A_516 = arith.constant 0 : i32
            %dma_start3A_517 = tpu.memref_slice %arg11[%dma_start3A_515, %dma_start3A_516] : memref<128x128xf32, #tpu.memory_space<vmem>> -> memref<16x128xf32, #tpu.memory_space<vmem>>
            %dma_start3A_518 = arith.constant 0 : i32
            %dma_start3A_519 = arith.constant 0 : i32
            %dma_start3A_520 = tpu.memref_slice %arg13[%dma_start3A_518, %dma_start3A_519] : memref<2688x128xf32, #tpu.memory_space<vmem_shared>> -> memref<2688x128xf32, #tpu.memory_space<vmem_shared>>
            tpu.enqueue_indirect_dma source(%dma_start3A_517 : memref<16x128xf32, #tpu.memory_space<vmem>>) target(%dma_start3A_520 : memref<2688x128xf32, #tpu.memory_space<vmem_shared>>) offsets(%get3A_479 : vector<16xi32>) semaphore(%run_scoped3A : memref<!tpu.dma_semaphore, #tpu.memory_space<semaphore_mem>>) {add = true}
            %dma_wait3A_521 = arith.constant 32 : i32
            %dma_wait3A_522 = arith.constant 0 : i32
            %dma_wait3A_523 = tpu.memref_slice %arg11[%dma_wait3A_521, %dma_wait3A_522] : memref<128x128xf32, #tpu.memory_space<vmem>> -> memref<16x128xf32, #tpu.memory_space<vmem>>
            %dma_wait3A_524 = arith.constant 0 : i32
            %dma_wait3A_525 = arith.constant 0 : i32
            %dma_wait3A_526 = tpu.memref_slice %arg13[%dma_wait3A_524, %dma_wait3A_525] : memref<2688x128xf32, #tpu.memory_space<vmem_shared>> -> memref<2688x128xf32, #tpu.memory_space<vmem_shared>>
            tpu.wait_indirect_dma semaphore(%run_scoped3A : memref<!tpu.dma_semaphore, #tpu.memory_space<semaphore_mem>>) src(%dma_wait3A_523 : memref<16x128xf32, #tpu.memory_space<vmem>>) dst(%dma_wait3A_526 : memref<2688x128xf32, #tpu.memory_space<vmem_shared>>)
            tpu.yield
          }) : () -> ()
          %mul3A_480 = arith.constant 128 : i32
          %mul3A_481 = arith.muli %add3A_458, %mul3A_480 : i32
          %add3A_482 = arith.addi %select_n3A_280, %mul3A_481 : i32
          %add3A_483 = arith.constant 48 : i32
          %add3A_484 = arith.addi %add3A_482, %add3A_483 : i32
          %get3A_485 = arith.index_cast %add3A_484 : i32 to index
          %get3A_486 = tpu.vector_load %arg9[%get3A_485] {strides = array<i32>} : memref<10880xi32, #tpu.memory_space<vmem>>, vector<16xi32>,
          "tpu.region"() ({
            %run_scoped3A = tpu.sem_alloc : memref<!tpu.dma_semaphore, #tpu.memory_space<semaphore_mem>>
            %dma_start3A_515 = arith.constant 48 : i32
            %dma_start3A_516 = arith.constant 0 : i32
            %dma_start3A_517 = tpu.memref_slice %arg11[%dma_start3A_515, %dma_start3A_516] : memref<128x128xf32, #tpu.memory_space<vmem>> -> memref<16x128xf32, #tpu.memory_space<vmem>>
            %dma_start3A_518 = arith.constant 0 : i32
            %dma_start3A_519 = arith.constant 0 : i32
            %dma_start3A_520 = tpu.memref_slice %arg13[%dma_start3A_518, %dma_start3A_519] : memref<2688x128xf32, #tpu.memory_space<vmem_shared>> -> memref<2688x128xf32, #tpu.memory_space<vmem_shared>>
            tpu.enqueue_indirect_dma source(%dma_start3A_517 : memref<16x128xf32, #tpu.memory_space<vmem>>) target(%dma_start3A_520 : memref<2688x128xf32, #tpu.memory_space<vmem_shared>>) offsets(%get3A_486 : vector<16xi32>) semaphore(%run_scoped3A : memref<!tpu.dma_semaphore, #tpu.memory_space<semaphore_mem>>) {add = true}
            %dma_wait3A_521 = arith.constant 48 : i32
            %dma_wait3A_522 = arith.constant 0 : i32
            %dma_wait3A_523 = tpu.memref_slice %arg11[%dma_wait3A_521, %dma_wait3A_522] : memref<128x128xf32, #tpu.memory_space<vmem>> -> memref<16x128xf32, #tpu.memory_space<vmem>>
            %dma_wait3A_524 = arith.constant 0 : i32
            %dma_wait3A_525 = arith.constant 0 : i32
            %dma_wait3A_526 = tpu.memref_slice %arg13[%dma_wait3A_524, %dma_wait3A_525] : memref<2688x128xf32, #tpu.memory_space<vmem_shared>> -> memref<2688x128xf32, #tpu.memory_space<vmem_shared>>
            tpu.wait_indirect_dma semaphore(%run_scoped3A : memref<!tpu.dma_semaphore, #tpu.memory_space<semaphore_mem>>) src(%dma_wait3A_523 : memref<16x128xf32, #tpu.memory_space<vmem>>) dst(%dma_wait3A_526 : memref<2688x128xf32, #tpu.memory_space<vmem_shared>>)
            tpu.yield
          }) : () -> ()
          %mul3A_487 = arith.constant 128 : i32
          %mul3A_488 = arith.muli %add3A_458, %mul3A_487 : i32
          %add3A_489 = arith.addi %select_n3A_280, %mul3A_488 : i32
          %add3A_490 = arith.constant 64 : i32
          %add3A_491 = arith.addi %add3A_489, %add3A_490 : i32
          %get3A_492 = arith.index_cast %add3A_491 : i32 to index
          %get3A_493 = tpu.vector_load %arg9[%get3A_492] {strides = array<i32>} : memref<10880xi32, #tpu.memory_space<vmem>>, vector<16xi32>,
          "tpu.region"() ({
            %run_scoped3A = tpu.sem_alloc : memref<!tpu.dma_semaphore, #tpu.memory_space<semaphore_mem>>
            %dma_start3A_515 = arith.constant 64 : i32
            %dma_start3A_516 = arith.constant 0 : i32
            %dma_start3A_517 = tpu.memref_slice %arg11[%dma_start3A_515, %dma_start3A_516] : memref<128x128xf32, #tpu.memory_space<vmem>> -> memref<16x128xf32, #tpu.memory_space<vmem>>
            %dma_start3A_518 = arith.constant 0 : i32
            %dma_start3A_519 = arith.constant 0 : i32
            %dma_start3A_520 = tpu.memref_slice %arg13[%dma_start3A_518, %dma_start3A_519] : memref<2688x128xf32, #tpu.memory_space<vmem_shared>> -> memref<2688x128xf32, #tpu.memory_space<vmem_shared>>
            tpu.enqueue_indirect_dma source(%dma_start3A_517 : memref<16x128xf32, #tpu.memory_space<vmem>>) target(%dma_start3A_520 : memref<2688x128xf32, #tpu.memory_space<vmem_shared>>) offsets(%get3A_493 : vector<16xi32>) semaphore(%run_scoped3A : memref<!tpu.dma_semaphore, #tpu.memory_space<semaphore_mem>>) {add = true}
            %dma_wait3A_521 = arith.constant 64 : i32
            %dma_wait3A_522 = arith.constant 0 : i32
            %dma_wait3A_523 = tpu.memref_slice %arg11[%dma_wait3A_521, %dma_wait3A_522] : memref<128x128xf32, #tpu.memory_space<vmem>> -> memref<16x128xf32, #tpu.memory_space<vmem>>
            %dma_wait3A_524 = arith.constant 0 : i32
            %dma_wait3A_525 = arith.constant 0 : i32
            %dma_wait3A_526 = tpu.memref_slice %arg13[%dma_wait3A_524, %dma_wait3A_525] : memref<2688x128xf32, #tpu.memory_space<vmem_shared>> -> memref<2688x128xf32, #tpu.memory_space<vmem_shared>>
            tpu.wait_indirect_dma semaphore(%run_scoped3A : memref<!tpu.dma_semaphore, #tpu.memory_space<semaphore_mem>>) src(%dma_wait3A_523 : memref<16x128xf32, #tpu.memory_space<vmem>>) dst(%dma_wait3A_526 : memref<2688x128xf32, #tpu.memory_space<vmem_shared>>)
            tpu.yield
          }) : () -> ()
          %mul3A_494 = arith.constant 128 : i32
          %mul3A_495 = arith.muli %add3A_458, %mul3A_494 : i32
          %add3A_496 = arith.addi %select_n3A_280, %mul3A_495 : i32
          %add3A_497 = arith.constant 80 : i32
          %add3A_498 = arith.addi %add3A_496, %add3A_497 : i32
          %get3A_499 = arith.index_cast %add3A_498 : i32 to index
          %get3A_500 = tpu.vector_load %arg9[%get3A_499] {strides = array<i32>} : memref<10880xi32, #tpu.memory_space<vmem>>, vector<16xi32>,
          "tpu.region"() ({
            %run_scoped3A = tpu.sem_alloc : memref<!tpu.dma_semaphore, #tpu.memory_space<semaphore_mem>>
            %dma_start3A_515 = arith.constant 80 : i32
            %dma_start3A_516 = arith.constant 0 : i32
            %dma_start3A_517 = tpu.memref_slice %arg11[%dma_start3A_515, %dma_start3A_516] : memref<128x128xf32, #tpu.memory_space<vmem>> -> memref<16x128xf32, #tpu.memory_space<vmem>>
            %dma_start3A_518 = arith.constant 0 : i32
            %dma_start3A_519 = arith.constant 0 : i32
            %dma_start3A_520 = tpu.memref_slice %arg13[%dma_start3A_518, %dma_start3A_519] : memref<2688x128xf32, #tpu.memory_space<vmem_shared>> -> memref<2688x128xf32, #tpu.memory_space<vmem_shared>>
            tpu.enqueue_indirect_dma source(%dma_start3A_517 : memref<16x128xf32, #tpu.memory_space<vmem>>) target(%dma_start3A_520 : memref<2688x128xf32, #tpu.memory_space<vmem_shared>>) offsets(%get3A_500 : vector<16xi32>) semaphore(%run_scoped3A : memref<!tpu.dma_semaphore, #tpu.memory_space<semaphore_mem>>) {add = true}
            %dma_wait3A_521 = arith.constant 80 : i32
            %dma_wait3A_522 = arith.constant 0 : i32
            %dma_wait3A_523 = tpu.memref_slice %arg11[%dma_wait3A_521, %dma_wait3A_522] : memref<128x128xf32, #tpu.memory_space<vmem>> -> memref<16x128xf32, #tpu.memory_space<vmem>>
            %dma_wait3A_524 = arith.constant 0 : i32
            %dma_wait3A_525 = arith.constant 0 : i32
            %dma_wait3A_526 = tpu.memref_slice %arg13[%dma_wait3A_524, %dma_wait3A_525] : memref<2688x128xf32, #tpu.memory_space<vmem_shared>> -> memref<2688x128xf32, #tpu.memory_space<vmem_shared>>
            tpu.wait_indirect_dma semaphore(%run_scoped3A : memref<!tpu.dma_semaphore, #tpu.memory_space<semaphore_mem>>) src(%dma_wait3A_523 : memref<16x128xf32, #tpu.memory_space<vmem>>) dst(%dma_wait3A_526 : memref<2688x128xf32, #tpu.memory_space<vmem_shared>>)
            tpu.yield
          }) : () -> ()
          %mul3A_501 = arith.constant 128 : i32
          %mul3A_502 = arith.muli %add3A_458, %mul3A_501 : i32
          %add3A_503 = arith.addi %select_n3A_280, %mul3A_502 : i32
          %add3A_504 = arith.constant 96 : i32
          %add3A_505 = arith.addi %add3A_503, %add3A_504 : i32
          %get3A_506 = arith.index_cast %add3A_505 : i32 to index
          %get3A_507 = tpu.vector_load %arg9[%get3A_506] {strides = array<i32>} : memref<10880xi32, #tpu.memory_space<vmem>>, vector<16xi32>,
          "tpu.region"() ({
            %run_scoped3A = tpu.sem_alloc : memref<!tpu.dma_semaphore, #tpu.memory_space<semaphore_mem>>
            %dma_start3A_515 = arith.constant 96 : i32
            %dma_start3A_516 = arith.constant 0 : i32
            %dma_start3A_517 = tpu.memref_slice %arg11[%dma_start3A_515, %dma_start3A_516] : memref<128x128xf32, #tpu.memory_space<vmem>> -> memref<16x128xf32, #tpu.memory_space<vmem>>
            %dma_start3A_518 = arith.constant 0 : i32
            %dma_start3A_519 = arith.constant 0 : i32
            %dma_start3A_520 = tpu.memref_slice %arg13[%dma_start3A_518, %dma_start3A_519] : memref<2688x128xf32, #tpu.memory_space<vmem_shared>> -> memref<2688x128xf32, #tpu.memory_space<vmem_shared>>
            tpu.enqueue_indirect_dma source(%dma_start3A_517 : memref<16x128xf32, #tpu.memory_space<vmem>>) target(%dma_start3A_520 : memref<2688x128xf32, #tpu.memory_space<vmem_shared>>) offsets(%get3A_507 : vector<16xi32>) semaphore(%run_scoped3A : memref<!tpu.dma_semaphore, #tpu.memory_space<semaphore_mem>>) {add = true}
            %dma_wait3A_521 = arith.constant 96 : i32
            %dma_wait3A_522 = arith.constant 0 : i32
            %dma_wait3A_523 = tpu.memref_slice %arg11[%dma_wait3A_521, %dma_wait3A_522] : memref<128x128xf32, #tpu.memory_space<vmem>> -> memref<16x128xf32, #tpu.memory_space<vmem>>
            %dma_wait3A_524 = arith.constant 0 : i32
            %dma_wait3A_525 = arith.constant 0 : i32
            %dma_wait3A_526 = tpu.memref_slice %arg13[%dma_wait3A_524, %dma_wait3A_525] : memref<2688x128xf32, #tpu.memory_space<vmem_shared>> -> memref<2688x128xf32, #tpu.memory_space<vmem_shared>>
            tpu.wait_indirect_dma semaphore(%run_scoped3A : memref<!tpu.dma_semaphore, #tpu.memory_space<semaphore_mem>>) src(%dma_wait3A_523 : memref<16x128xf32, #tpu.memory_space<vmem>>) dst(%dma_wait3A_526 : memref<2688x128xf32, #tpu.memory_space<vmem_shared>>)
            tpu.yield
          }) : () -> ()
          %mul3A_508 = arith.constant 128 : i32
          %mul3A_509 = arith.muli %add3A_458, %mul3A_508 : i32
          %add3A_510 = arith.addi %select_n3A_280, %mul3A_509 : i32
          %add3A_511 = arith.constant 112 : i32
          %add3A_512 = arith.addi %add3A_510, %add3A_511 : i32
          %get3A_513 = arith.index_cast %add3A_512 : i32 to index
          %get3A_514 = tpu.vector_load %arg9[%get3A_513] {strides = array<i32>} : memref<10880xi32, #tpu.memory_space<vmem>>, vector<16xi32>,
          "tpu.region"() ({
            %run_scoped3A = tpu.sem_alloc : memref<!tpu.dma_semaphore, #tpu.memory_space<semaphore_mem>>
            %dma_start3A_515 = arith.constant 112 : i32
            %dma_start3A_516 = arith.constant 0 : i32
            %dma_start3A_517 = tpu.memref_slice %arg11[%dma_start3A_515, %dma_start3A_516] : memref<128x128xf32, #tpu.memory_space<vmem>> -> memref<16x128xf32, #tpu.memory_space<vmem>>
            %dma_start3A_518 = arith.constant 0 : i32
            %dma_start3A_519 = arith.constant 0 : i32
            %dma_start3A_520 = tpu.memref_slice %arg13[%dma_start3A_518, %dma_start3A_519] : memref<2688x128xf32, #tpu.memory_space<vmem_shared>> -> memref<2688x128xf32, #tpu.memory_space<vmem_shared>>
            tpu.enqueue_indirect_dma source(%dma_start3A_517 : memref<16x128xf32, #tpu.memory_space<vmem>>) target(%dma_start3A_520 : memref<2688x128xf32, #tpu.memory_space<vmem_shared>>) offsets(%get3A_514 : vector<16xi32>) semaphore(%run_scoped3A : memref<!tpu.dma_semaphore, #tpu.memory_space<semaphore_mem>>) {add = true}
            %dma_wait3A_521 = arith.constant 112 : i32
            %dma_wait3A_522 = arith.constant 0 : i32
            %dma_wait3A_523 = tpu.memref_slice %arg11[%dma_wait3A_521, %dma_wait3A_522] : memref<128x128xf32, #tpu.memory_space<vmem>> -> memref<16x128xf32, #tpu.memory_space<vmem>>
            %dma_wait3A_524 = arith.constant 0 : i32
            %dma_wait3A_525 = arith.constant 0 : i32
            %dma_wait3A_526 = tpu.memref_slice %arg13[%dma_wait3A_524, %dma_wait3A_525] : memref<2688x128xf32, #tpu.memory_space<vmem_shared>> -> memref<2688x128xf32, #tpu.memory_space<vmem_shared>>
            tpu.wait_indirect_dma semaphore(%run_scoped3A : memref<!tpu.dma_semaphore, #tpu.memory_space<semaphore_mem>>) src(%dma_wait3A_523 : memref<16x128xf32, #tpu.memory_space<vmem>>) dst(%dma_wait3A_526 : memref<2688x128xf32, #tpu.memory_space<vmem_shared>>)
            tpu.yield
          }) : () -> ()
        } else {
        }
      }
      %barrier3A_366 = arith.constant 0 : index
      tpu.barrier barrier_id(%barrier3A_366)
      "tpu.region"() ({
        %run_scoped3A = tpu.sem_alloc : memref<!tpu.dma_semaphore, #tpu.memory_space<semaphore_mem>>
        %dma_start3A_368 = arith.constant 0 : i32
        %dma_start3A_369 = tpu.memref_slice %arg5[%arg0, %add3A_262, %mul3A_0, %dma_start3A_368] : memref<2x4x2688x128xf32, #tpu.memory_space<hbm>> -> memref<1x1x168x128xf32, #tpu.memory_space<hbm>>
        %dma_start3A_370 = tpu.memref_squeeze %dma_start3A_369 : memref<1x1x168x128xf32, #tpu.memory_space<hbm>> -> memref<168x128xf32, #tpu.memory_space<hbm>>
        %dma_start3A_371 = arith.constant 0 : i32
        %dma_start3A_372 = tpu.memref_slice %arg13[%mul3A_0, %dma_start3A_371] : memref<2688x128xf32, #tpu.memory_space<vmem_shared>> -> memref<168x128xf32, #tpu.memory_space<vmem_shared>>
        tpu.enqueue_dma source(%dma_start3A_372 : memref<168x128xf32, #tpu.memory_space<vmem_shared>>) target(%dma_start3A_370 : memref<168x128xf32, #tpu.memory_space<hbm>>) target_semaphore(%run_scoped3A : memref<!tpu.dma_semaphore, #tpu.memory_space<semaphore_mem>>)
        %dma_wait3A_373 = arith.constant 0 : i32
        %dma_wait3A_374 = tpu.memref_slice %arg5[%arg0, %add3A_262, %mul3A_0, %dma_wait3A_373] : memref<2x4x2688x128xf32, #tpu.memory_space<hbm>> -> memref<1x1x168x128xf32, #tpu.memory_space<hbm>>
        %dma_wait3A_375 = tpu.memref_squeeze %dma_wait3A_374 : memref<1x1x168x128xf32, #tpu.memory_space<hbm>> -> memref<168x128xf32, #tpu.memory_space<hbm>>
        %dma_wait3A_376 = arith.constant 0 : i32
        %dma_wait3A_377 = tpu.memref_slice %arg13[%mul3A_0, %dma_wait3A_376] : memref<2688x128xf32, #tpu.memory_space<vmem_shared>> -> memref<168x128xf32, #tpu.memory_space<vmem_shared>>
        tpu.wait_dma2 semaphore(%run_scoped3A : memref<!tpu.dma_semaphore, #tpu.memory_space<semaphore_mem>>) src(%dma_wait3A_377 : memref<168x128xf32, #tpu.memory_space<vmem_shared>>) dst(%dma_wait3A_375 : memref<168x128xf32, #tpu.memory_space<hbm>>)
        tpu.yield
      }) : () -> ()
      %barrier3A_367 = arith.constant 0 : index
      tpu.barrier barrier_id(%barrier3A_367)
    }
    %scan3A_257 = arith.constant 4 : i32
    return
  }
}

module attributes {stable_mosaic.version = 14 : i64} {
  func.func @_table_body(%arg0: i32, %arg1: i32, %arg2: memref<400x256xf32, #tpu.memory_space<vmem>>, %arg3: memref<4x256xf32, #tpu.memory_space<vmem>>, %arg4: memref<4x400x128xf32, #tpu.memory_space<vmem>>) attributes {dimension_semantics = [#tpu.dimension_semantics<arbitrary>, #tpu.dimension_semantics<arbitrary>], iteration_bounds = array<i64: 2, 25>, scalar_prefetch = 0 : i64, scratch_operands = 0 : i64, tpu.core_type = #tpu.core_type<tc>, window_params = [{transform_indices = @transform_0, window_bounds = array<i64: 400, 256>}, {pipeline_mode = #tpu.pipeline_mode<synchronous>, transform_indices = @transform_1, window_bounds = array<i64: 4, 256>}, {transform_indices = @transform_2, window_bounds = array<i64: 4, 400, 128>}]} {
    %get3A = arith.constant 0 : index
    %get3A_0 = arith.constant 0 : index
    %get3A_1 = vector.load %arg2[%get3A, %get3A_0] : memref<400x256xf32, #tpu.memory_space<vmem>>, vector<400x256xf32>
    %get3A_2 = arith.constant 0 : index
    %get3A_3 = arith.constant 0 : index
    %get3A_4 = vector.load %arg3[%get3A_2, %get3A_3] : memref<4x256xf32, #tpu.memory_space<vmem>>, vector<1x256xf32>
    %add3A = vector.broadcast %get3A_4 : vector<1x256xf32> to vector<400x256xf32>
    %add3A_5 = arith.addf %get3A_1, %add3A : vector<400x256xf32>
    %max3A = arith.constant 0.000000e+00 : f32
    %max3A_6 = vector.broadcast %max3A : f32 to vector<400x256xf32>
    %max3A_7 = arith.maximumf %add3A_5, %max3A_6 : vector<400x256xf32>
    %eq3A = arith.constant 0 : i32
    %eq3A_8 = arith.cmpi eq, %arg0, %eq3A : i32
    %convert_element_type3A = arith.extui %eq3A_8 : i1 to i32
    %cond3A = arith.constant 0 : i32
    %cond3A_9 = arith.cmpi ne, %convert_element_type3A, %cond3A : i32
    scf.if %cond3A_9 {
      %slice3A = vector.extract_strided_slice %max3A_7 {offsets = [0, 0], sizes = [400, 128], strides = [1, 1]} : vector<400x256xf32> to vector<400x128xf32>
      %swap3A = arith.constant 0 : index
      %swap3A_69 = arith.constant 0 : index
      %swap3A_70 = arith.constant 0 : index
      %swap3A_71 = vector.load %arg4[%swap3A, %swap3A_69, %swap3A_70] : memref<4x400x128xf32, #tpu.memory_space<vmem>>, vector<1x400x128xf32>
      %swap3A_72 = vector.shape_cast %swap3A_71 : vector<1x400x128xf32> to vector<400x128xf32>
      %swap3A_73 = vector.shape_cast %slice3A : vector<400x128xf32> to vector<1x400x128xf32>
      tpu.vector_store %arg4[%swap3A, %swap3A_69, %swap3A_70], %swap3A_73 {strides = array<i32>} : memref<4x400x128xf32, #tpu.memory_space<vmem>>, vector<1x400x128xf32>,
    } else {
    }
    %eq3A_10 = arith.constant 1 : i32
    %eq3A_11 = arith.cmpi eq, %arg0, %eq3A_10 : i32
    %convert_element_type3A_12 = arith.extui %eq3A_11 : i1 to i32
    %cond3A_13 = arith.constant 0 : i32
    %cond3A_14 = arith.cmpi ne, %convert_element_type3A_12, %cond3A_13 : i32
    scf.if %cond3A_14 {
      %slice3A = vector.extract_strided_slice %max3A_7 {offsets = [0, 128], sizes = [400, 128], strides = [1, 1]} : vector<400x256xf32> to vector<400x128xf32>
      %swap3A = arith.constant 0 : index
      %swap3A_69 = arith.constant 0 : index
      %swap3A_70 = arith.constant 0 : index
      %swap3A_71 = vector.load %arg4[%swap3A, %swap3A_69, %swap3A_70] : memref<4x400x128xf32, #tpu.memory_space<vmem>>, vector<1x400x128xf32>
      %swap3A_72 = vector.shape_cast %swap3A_71 : vector<1x400x128xf32> to vector<400x128xf32>
      %swap3A_73 = vector.shape_cast %slice3A : vector<400x128xf32> to vector<1x400x128xf32>
      tpu.vector_store %arg4[%swap3A, %swap3A_69, %swap3A_70], %swap3A_73 {strides = array<i32>} : memref<4x400x128xf32, #tpu.memory_space<vmem>>, vector<1x400x128xf32>,
    } else {
    }
    %get3A_15 = arith.constant 1 : index
    %get3A_16 = arith.constant 0 : index
    %get3A_17 = vector.load %arg3[%get3A_15, %get3A_16] : memref<4x256xf32, #tpu.memory_space<vmem>>, vector<1x256xf32>
    %add3A_18 = vector.broadcast %get3A_17 : vector<1x256xf32> to vector<400x256xf32>
    %add3A_19 = arith.addf %get3A_1, %add3A_18 : vector<400x256xf32>
    %max3A_20 = arith.constant 0.000000e+00 : f32
    %max3A_21 = vector.broadcast %max3A_20 : f32 to vector<400x256xf32>
    %max3A_22 = arith.maximumf %add3A_19, %max3A_21 : vector<400x256xf32>
    %eq3A_23 = arith.constant 0 : i32
    %eq3A_24 = arith.cmpi eq, %arg0, %eq3A_23 : i32
    %convert_element_type3A_25 = arith.extui %eq3A_24 : i1 to i32
    %cond3A_26 = arith.constant 0 : i32
    %cond3A_27 = arith.cmpi ne, %convert_element_type3A_25, %cond3A_26 : i32
    scf.if %cond3A_27 {
      %slice3A = vector.extract_strided_slice %max3A_22 {offsets = [0, 0], sizes = [400, 128], strides = [1, 1]} : vector<400x256xf32> to vector<400x128xf32>
      %swap3A = arith.constant 1 : index
      %swap3A_69 = arith.constant 0 : index
      %swap3A_70 = arith.constant 0 : index
      %swap3A_71 = vector.load %arg4[%swap3A, %swap3A_69, %swap3A_70] : memref<4x400x128xf32, #tpu.memory_space<vmem>>, vector<1x400x128xf32>
      %swap3A_72 = vector.shape_cast %swap3A_71 : vector<1x400x128xf32> to vector<400x128xf32>
      %swap3A_73 = vector.shape_cast %slice3A : vector<400x128xf32> to vector<1x400x128xf32>
      tpu.vector_store %arg4[%swap3A, %swap3A_69, %swap3A_70], %swap3A_73 {strides = array<i32>} : memref<4x400x128xf32, #tpu.memory_space<vmem>>, vector<1x400x128xf32>,
    } else {
    }
    %eq3A_28 = arith.constant 1 : i32
    %eq3A_29 = arith.cmpi eq, %arg0, %eq3A_28 : i32
    %convert_element_type3A_30 = arith.extui %eq3A_29 : i1 to i32
    %cond3A_31 = arith.constant 0 : i32
    %cond3A_32 = arith.cmpi ne, %convert_element_type3A_30, %cond3A_31 : i32
    scf.if %cond3A_32 {
      %slice3A = vector.extract_strided_slice %max3A_22 {offsets = [0, 128], sizes = [400, 128], strides = [1, 1]} : vector<400x256xf32> to vector<400x128xf32>
      %swap3A = arith.constant 1 : index
      %swap3A_69 = arith.constant 0 : index
      %swap3A_70 = arith.constant 0 : index
      %swap3A_71 = vector.load %arg4[%swap3A, %swap3A_69, %swap3A_70] : memref<4x400x128xf32, #tpu.memory_space<vmem>>, vector<1x400x128xf32>
      %swap3A_72 = vector.shape_cast %swap3A_71 : vector<1x400x128xf32> to vector<400x128xf32>
      %swap3A_73 = vector.shape_cast %slice3A : vector<400x128xf32> to vector<1x400x128xf32>
      tpu.vector_store %arg4[%swap3A, %swap3A_69, %swap3A_70], %swap3A_73 {strides = array<i32>} : memref<4x400x128xf32, #tpu.memory_space<vmem>>, vector<1x400x128xf32>,
    } else {
    }
    %get3A_33 = arith.constant 2 : index
    %get3A_34 = arith.constant 0 : index
    %get3A_35 = vector.load %arg3[%get3A_33, %get3A_34] : memref<4x256xf32, #tpu.memory_space<vmem>>, vector<1x256xf32>
    %add3A_36 = vector.broadcast %get3A_35 : vector<1x256xf32> to vector<400x256xf32>
    %add3A_37 = arith.addf %get3A_1, %add3A_36 : vector<400x256xf32>
    %max3A_38 = arith.constant 0.000000e+00 : f32
    %max3A_39 = vector.broadcast %max3A_38 : f32 to vector<400x256xf32>
    %max3A_40 = arith.maximumf %add3A_37, %max3A_39 : vector<400x256xf32>
    %eq3A_41 = arith.constant 0 : i32
    %eq3A_42 = arith.cmpi eq, %arg0, %eq3A_41 : i32
    %convert_element_type3A_43 = arith.extui %eq3A_42 : i1 to i32
    %cond3A_44 = arith.constant 0 : i32
    %cond3A_45 = arith.cmpi ne, %convert_element_type3A_43, %cond3A_44 : i32
    scf.if %cond3A_45 {
      %slice3A = vector.extract_strided_slice %max3A_40 {offsets = [0, 0], sizes = [400, 128], strides = [1, 1]} : vector<400x256xf32> to vector<400x128xf32>
      %swap3A = arith.constant 2 : index
      %swap3A_69 = arith.constant 0 : index
      %swap3A_70 = arith.constant 0 : index
      %swap3A_71 = vector.load %arg4[%swap3A, %swap3A_69, %swap3A_70] : memref<4x400x128xf32, #tpu.memory_space<vmem>>, vector<1x400x128xf32>
      %swap3A_72 = vector.shape_cast %swap3A_71 : vector<1x400x128xf32> to vector<400x128xf32>
      %swap3A_73 = vector.shape_cast %slice3A : vector<400x128xf32> to vector<1x400x128xf32>
      tpu.vector_store %arg4[%swap3A, %swap3A_69, %swap3A_70], %swap3A_73 {strides = array<i32>} : memref<4x400x128xf32, #tpu.memory_space<vmem>>, vector<1x400x128xf32>,
    } else {
    }
    %eq3A_46 = arith.constant 1 : i32
    %eq3A_47 = arith.cmpi eq, %arg0, %eq3A_46 : i32
    %convert_element_type3A_48 = arith.extui %eq3A_47 : i1 to i32
    %cond3A_49 = arith.constant 0 : i32
    %cond3A_50 = arith.cmpi ne, %convert_element_type3A_48, %cond3A_49 : i32
    scf.if %cond3A_50 {
      %slice3A = vector.extract_strided_slice %max3A_40 {offsets = [0, 128], sizes = [400, 128], strides = [1, 1]} : vector<400x256xf32> to vector<400x128xf32>
      %swap3A = arith.constant 2 : index
      %swap3A_69 = arith.constant 0 : index
      %swap3A_70 = arith.constant 0 : index
      %swap3A_71 = vector.load %arg4[%swap3A, %swap3A_69, %swap3A_70] : memref<4x400x128xf32, #tpu.memory_space<vmem>>, vector<1x400x128xf32>
      %swap3A_72 = vector.shape_cast %swap3A_71 : vector<1x400x128xf32> to vector<400x128xf32>
      %swap3A_73 = vector.shape_cast %slice3A : vector<400x128xf32> to vector<1x400x128xf32>
      tpu.vector_store %arg4[%swap3A, %swap3A_69, %swap3A_70], %swap3A_73 {strides = array<i32>} : memref<4x400x128xf32, #tpu.memory_space<vmem>>, vector<1x400x128xf32>,
    } else {
    }
    %get3A_51 = arith.constant 3 : index
    %get3A_52 = arith.constant 0 : index
    %get3A_53 = vector.load %arg3[%get3A_51, %get3A_52] : memref<4x256xf32, #tpu.memory_space<vmem>>, vector<1x256xf32>
    %add3A_54 = vector.broadcast %get3A_53 : vector<1x256xf32> to vector<400x256xf32>
    %add3A_55 = arith.addf %get3A_1, %add3A_54 : vector<400x256xf32>
    %max3A_56 = arith.constant 0.000000e+00 : f32
    %max3A_57 = vector.broadcast %max3A_56 : f32 to vector<400x256xf32>
    %max3A_58 = arith.maximumf %add3A_55, %max3A_57 : vector<400x256xf32>
    %eq3A_59 = arith.constant 0 : i32
    %eq3A_60 = arith.cmpi eq, %arg0, %eq3A_59 : i32
    %convert_element_type3A_61 = arith.extui %eq3A_60 : i1 to i32
    %cond3A_62 = arith.constant 0 : i32
    %cond3A_63 = arith.cmpi ne, %convert_element_type3A_61, %cond3A_62 : i32
    scf.if %cond3A_63 {
      %slice3A = vector.extract_strided_slice %max3A_58 {offsets = [0, 0], sizes = [400, 128], strides = [1, 1]} : vector<400x256xf32> to vector<400x128xf32>
      %swap3A = arith.constant 3 : index
      %swap3A_69 = arith.constant 0 : index
      %swap3A_70 = arith.constant 0 : index
      %swap3A_71 = vector.load %arg4[%swap3A, %swap3A_69, %swap3A_70] : memref<4x400x128xf32, #tpu.memory_space<vmem>>, vector<1x400x128xf32>
      %swap3A_72 = vector.shape_cast %swap3A_71 : vector<1x400x128xf32> to vector<400x128xf32>
      %swap3A_73 = vector.shape_cast %slice3A : vector<400x128xf32> to vector<1x400x128xf32>
      tpu.vector_store %arg4[%swap3A, %swap3A_69, %swap3A_70], %swap3A_73 {strides = array<i32>} : memref<4x400x128xf32, #tpu.memory_space<vmem>>, vector<1x400x128xf32>,
    } else {
    }
    %eq3A_64 = arith.constant 1 : i32
    %eq3A_65 = arith.cmpi eq, %arg0, %eq3A_64 : i32
    %convert_element_type3A_66 = arith.extui %eq3A_65 : i1 to i32
    %cond3A_67 = arith.constant 0 : i32
    %cond3A_68 = arith.cmpi ne, %convert_element_type3A_66, %cond3A_67 : i32
    scf.if %cond3A_68 {
      %slice3A = vector.extract_strided_slice %max3A_58 {offsets = [0, 128], sizes = [400, 128], strides = [1, 1]} : vector<400x256xf32> to vector<400x128xf32>
      %swap3A = arith.constant 3 : index
      %swap3A_69 = arith.constant 0 : index
      %swap3A_70 = arith.constant 0 : index
      %swap3A_71 = vector.load %arg4[%swap3A, %swap3A_69, %swap3A_70] : memref<4x400x128xf32, #tpu.memory_space<vmem>>, vector<1x400x128xf32>
      %swap3A_72 = vector.shape_cast %swap3A_71 : vector<1x400x128xf32> to vector<400x128xf32>
      %swap3A_73 = vector.shape_cast %slice3A : vector<400x128xf32> to vector<1x400x128xf32>
      tpu.vector_store %arg4[%swap3A, %swap3A_69, %swap3A_70], %swap3A_73 {strides = array<i32>} : memref<4x400x128xf32, #tpu.memory_space<vmem>>, vector<1x400x128xf32>,
    } else {
    }
    return
  }
  func.func @transform_0(%arg0: i32, %arg1: i32) -> (i32, i32) {
    %c0_i32 = arith.constant 0 : i32
    %c0_i32_0 = arith.constant 0 : i32
    return %arg1, %c0_i32 : i32, i32
  }
  func.func @transform_1(%arg0: i32, %arg1: i32) -> (i32, i32) {
    %c0_i32 = arith.constant 0 : i32
    %c0_i32_0 = arith.constant 0 : i32
    %c0_i32_1 = arith.constant 0 : i32
    return %c0_i32, %c0_i32_0 : i32, i32
  }
  func.func @transform_2(%arg0: i32, %arg1: i32) -> (i32, i32, i32) {
    %c0_i32 = arith.constant 0 : i32
    %c0_i32_0 = arith.constant 0 : i32
    return %arg0, %arg1, %c0_i32 : i32, i32, i32
  }
}

module attributes {stable_mosaic.version = 14 : i64} {
  func.func @_mlp2_body(%arg0: i32, %arg1: memref<400x512xbf16, #tpu.memory_space<vmem>>, %arg2: memref<8x512xf32, #tpu.memory_space<vmem>>, %arg3: memref<8x512xf32, #tpu.memory_space<vmem>>, %arg4: memref<8x512xf32, #tpu.memory_space<vmem>>, %arg5: memref<512x512xf32, #tpu.memory_space<vmem>>, %arg6: memref<400x512xbf16, #tpu.memory_space<vmem>>, %arg7: memref<8x512xf32, #tpu.memory_space<vmem>>, %arg8: memref<8x512xf32, #tpu.memory_space<vmem>>) attributes {dimension_semantics = [#tpu.dimension_semantics<arbitrary>], iteration_bounds = array<i64: 25>, scalar_prefetch = 0 : i64, scratch_operands = 0 : i64, tpu.core_type = #tpu.core_type<tc>, window_params = [{transform_indices = @transform_0, window_bounds = array<i64: 400, 512>}, {pipeline_mode = #tpu.pipeline_mode<synchronous>, transform_indices = @transform_1, window_bounds = array<i64: 8, 512>}, {pipeline_mode = #tpu.pipeline_mode<synchronous>, transform_indices = @transform_2, window_bounds = array<i64: 8, 512>}, {pipeline_mode = #tpu.pipeline_mode<synchronous>, transform_indices = @transform_3, window_bounds = array<i64: 8, 512>}, {pipeline_mode = #tpu.pipeline_mode<synchronous>, transform_indices = @transform_4, window_bounds = array<i64: 512, 512>}, {transform_indices = @transform_5, window_bounds = array<i64: 400, 512>}, {pipeline_mode = #tpu.pipeline_mode<synchronous>, transform_indices = @transform_6, window_bounds = array<i64: 8, 512>}, {pipeline_mode = #tpu.pipeline_mode<synchronous>, transform_indices = @transform_7, window_bounds = array<i64: 8, 512>}]} {
    %get3A = arith.constant 0 : index
    %get3A_0 = arith.constant 0 : index
    %get3A_1 = vector.load %arg2[%get3A, %get3A_0] : memref<8x512xf32, #tpu.memory_space<vmem>>, vector<8x512xf32>
    %reduce_sum3A = arith.constant dense<0.000000e+00> : vector<512xf32>
    %reduce_sum3A_2 = vector.multi_reduction <add>, %get3A_1, %reduce_sum3A [0] : vector<8x512xf32> to vector<512xf32>
    %broadcast_in_dim3A = vector.shape_cast %reduce_sum3A_2 : vector<512xf32> to vector<1x512xf32>
    %div3A = arith.constant 1.000000e+04 : f32
    %div3A_3 = vector.broadcast %div3A : f32 to vector<1x512xf32>
    %div3A_4 = arith.divf %broadcast_in_dim3A, %div3A_3 : vector<1x512xf32>
    %get3A_5 = arith.constant 0 : index
    %get3A_6 = arith.constant 0 : index
    %get3A_7 = vector.load %arg3[%get3A_5, %get3A_6] : memref<8x512xf32, #tpu.memory_space<vmem>>, vector<8x512xf32>
    %reduce_sum3A_8 = arith.constant dense<0.000000e+00> : vector<512xf32>
    %reduce_sum3A_9 = vector.multi_reduction <add>, %get3A_7, %reduce_sum3A_8 [0] : vector<8x512xf32> to vector<512xf32>
    %broadcast_in_dim3A_10 = vector.shape_cast %reduce_sum3A_9 : vector<512xf32> to vector<1x512xf32>
    %div3A_11 = arith.constant 1.000000e+04 : f32
    %div3A_12 = vector.broadcast %div3A_11 : f32 to vector<1x512xf32>
    %div3A_13 = arith.divf %broadcast_in_dim3A_10, %div3A_12 : vector<1x512xf32>
    %mul3A = arith.mulf %div3A_4, %div3A_4 : vector<1x512xf32>
    %sub3A = arith.subf %div3A_13, %mul3A : vector<1x512xf32>
    %get3A_14 = arith.constant 0 : index
    %get3A_15 = arith.constant 0 : index
    %get3A_16 = vector.load %arg4[%get3A_14, %get3A_15] : memref<8x512xf32, #tpu.memory_space<vmem>>, vector<1x512xf32>
    %add3A = arith.constant 9.99999974E-6 : f32
    %add3A_17 = vector.broadcast %add3A : f32 to vector<1x512xf32>
    %add3A_18 = arith.addf %sub3A, %add3A_17 : vector<1x512xf32>
    %rsqrt3A = math.rsqrt %add3A_18 : vector<1x512xf32>
    %mul3A_19 = arith.mulf %get3A_16, %rsqrt3A : vector<1x512xf32>
    %get3A_20 = arith.constant 1 : index
    %get3A_21 = arith.constant 0 : index
    %get3A_22 = vector.load %arg4[%get3A_20, %get3A_21] : memref<8x512xf32, #tpu.memory_space<vmem>>, vector<1x512xf32>
    %mul3A_23 = arith.mulf %div3A_4, %mul3A_19 : vector<1x512xf32>
    %sub3A_24 = arith.subf %get3A_22, %mul3A_23 : vector<1x512xf32>
    %get3A_25 = arith.constant 0 : index
    %get3A_26 = arith.constant 0 : index
    %get3A_27 = vector.load %arg1[%get3A_25, %get3A_26] : memref<400x512xbf16, #tpu.memory_space<vmem>>, vector<400x512xbf16>
    %convert_element_type3A = arith.extf %get3A_27 : vector<400x512xbf16> to vector<400x512xf32>
    %mul3A_28 = vector.broadcast %mul3A_19 : vector<1x512xf32> to vector<400x512xf32>
    %mul3A_29 = arith.mulf %convert_element_type3A, %mul3A_28 : vector<400x512xf32>
    %add3A_30 = vector.broadcast %sub3A_24 : vector<1x512xf32> to vector<400x512xf32>
    %add3A_31 = arith.addf %mul3A_29, %add3A_30 : vector<400x512xf32>
    %max3A = arith.constant 0.000000e+00 : f32
    %max3A_32 = vector.broadcast %max3A : f32 to vector<400x512xf32>
    %max3A_33 = arith.maximumf %add3A_31, %max3A_32 : vector<400x512xf32>
    %convert_element_type3A_34 = arith.truncf %max3A_33 : vector<400x512xf32> to vector<400x512xbf16>
    %get3A_35 = arith.constant 0 : index
    %get3A_36 = arith.constant 0 : index
    %get3A_37 = vector.load %arg5[%get3A_35, %get3A_36] : memref<512x512xf32, #tpu.memory_space<vmem>>, vector<512x512xf32>
    %convert_element_type3A_38 = arith.truncf %get3A_37 : vector<512x512xf32> to vector<512x512xbf16>
    %dot_general3A = arith.constant dense<0.000000e+00> : vector<400x512xf32>
    %dot_general3A_39 = tpu.matmul %convert_element_type3A_34, %convert_element_type3A_38, %dot_general3A {dimension_numbers = #tpu.dot_dimension_numbers<[1], [0], [0], [1], [0, 0, 1, 1], [], []>, transpose_lhs_hint = false} : vector<400x512xbf16>, vector<512x512xbf16>, vector<400x512xf32> -> vector<400x512xf32>
    %convert_element_type3A_40 = arith.truncf %dot_general3A_39 : vector<400x512xf32> to vector<400x512xbf16>
    %swap3A = arith.constant 0 : index
    %swap3A_41 = arith.constant 0 : index
    %swap3A_42 = vector.load %arg6[%swap3A, %swap3A_41] : memref<400x512xbf16, #tpu.memory_space<vmem>>, vector<400x512xbf16>
    tpu.vector_store %arg6[%swap3A, %swap3A_41], %convert_element_type3A_40 {strides = array<i32>} : memref<400x512xbf16, #tpu.memory_space<vmem>>, vector<400x512xbf16>,
    %reshape3A = vector.shape_cast %dot_general3A_39 : vector<400x512xf32> to vector<50x8x512xf32>
    %reduce_sum3A_43 = arith.constant dense<0.000000e+00> : vector<8x512xf32>
    %reduce_sum3A_44 = vector.multi_reduction <add>, %reshape3A, %reduce_sum3A_43 [0] : vector<50x8x512xf32> to vector<8x512xf32>
    %mul3A_45 = arith.mulf %dot_general3A_39, %dot_general3A_39 : vector<400x512xf32>
    %reshape3A_46 = vector.shape_cast %mul3A_45 : vector<400x512xf32> to vector<50x8x512xf32>
    %reduce_sum3A_47 = arith.constant dense<0.000000e+00> : vector<8x512xf32>
    %reduce_sum3A_48 = vector.multi_reduction <add>, %reshape3A_46, %reduce_sum3A_47 [0] : vector<50x8x512xf32> to vector<8x512xf32>
    %eq3A = arith.constant 0 : i32
    %eq3A_49 = arith.cmpi eq, %arg0, %eq3A : i32
    %convert_element_type3A_50 = arith.extui %eq3A_49 : i1 to i32
    %cond3A = arith.constant 0 : i32
    %cond3A_51 = arith.cmpi ne, %convert_element_type3A_50, %cond3A : i32
    scf.if %cond3A_51 {
      %swap3A_56 = arith.constant 0 : index
      %swap3A_57 = arith.constant 0 : index
      %swap3A_58 = vector.load %arg7[%swap3A_56, %swap3A_57] : memref<8x512xf32, #tpu.memory_space<vmem>>, vector<8x512xf32>
      tpu.vector_store %arg7[%swap3A_56, %swap3A_57], %reduce_sum3A_44 {strides = array<i32>} : memref<8x512xf32, #tpu.memory_space<vmem>>, vector<8x512xf32>,
      %swap3A_59 = arith.constant 0 : index
      %swap3A_60 = arith.constant 0 : index
      %swap3A_61 = vector.load %arg8[%swap3A_59, %swap3A_60] : memref<8x512xf32, #tpu.memory_space<vmem>>, vector<8x512xf32>
      tpu.vector_store %arg8[%swap3A_59, %swap3A_60], %reduce_sum3A_48 {strides = array<i32>} : memref<8x512xf32, #tpu.memory_space<vmem>>, vector<8x512xf32>,
    } else {
    }
    %gt3A = arith.constant 0 : i32
    %gt3A_52 = arith.cmpi sgt, %arg0, %gt3A : i32
    %convert_element_type3A_53 = arith.extui %gt3A_52 : i1 to i32
    %cond3A_54 = arith.constant 0 : i32
    %cond3A_55 = arith.cmpi ne, %convert_element_type3A_53, %cond3A_54 : i32
    scf.if %cond3A_55 {
      %get3A_56 = arith.constant 0 : index
      %get3A_57 = arith.constant 0 : index
      %get3A_58 = vector.load %arg7[%get3A_56, %get3A_57] : memref<8x512xf32, #tpu.memory_space<vmem>>, vector<8x512xf32>
      %add3A_59 = arith.addf %get3A_58, %reduce_sum3A_44 : vector<8x512xf32>
      %swap3A_60 = arith.constant 0 : index
      %swap3A_61 = arith.constant 0 : index
      %swap3A_62 = vector.load %arg7[%swap3A_60, %swap3A_61] : memref<8x512xf32, #tpu.memory_space<vmem>>, vector<8x512xf32>
      tpu.vector_store %arg7[%swap3A_60, %swap3A_61], %add3A_59 {strides = array<i32>} : memref<8x512xf32, #tpu.memory_space<vmem>>, vector<8x512xf32>,
      %get3A_63 = arith.constant 0 : index
      %get3A_64 = arith.constant 0 : index
      %get3A_65 = vector.load %arg8[%get3A_63, %get3A_64] : memref<8x512xf32, #tpu.memory_space<vmem>>, vector<8x512xf32>
      %add3A_66 = arith.addf %get3A_65, %reduce_sum3A_48 : vector<8x512xf32>
      %swap3A_67 = arith.constant 0 : index
      %swap3A_68 = arith.constant 0 : index
      %swap3A_69 = vector.load %arg8[%swap3A_67, %swap3A_68] : memref<8x512xf32, #tpu.memory_space<vmem>>, vector<8x512xf32>
      tpu.vector_store %arg8[%swap3A_67, %swap3A_68], %add3A_66 {strides = array<i32>} : memref<8x512xf32, #tpu.memory_space<vmem>>, vector<8x512xf32>,
    } else {
    }
    return
  }
  func.func @transform_0(%arg0: i32) -> (i32, i32) {
    %c0_i32 = arith.constant 0 : i32
    %c0_i32_0 = arith.constant 0 : i32
    return %arg0, %c0_i32 : i32, i32
  }
  func.func @transform_1(%arg0: i32) -> (i32, i32) {
    %c0_i32 = arith.constant 0 : i32
    %c0_i32_0 = arith.constant 0 : i32
    %c0_i32_1 = arith.constant 0 : i32
    return %c0_i32, %c0_i32_0 : i32, i32
  }
  func.func @transform_2(%arg0: i32) -> (i32, i32) {
    %c0_i32 = arith.constant 0 : i32
    %c0_i32_0 = arith.constant 0 : i32
    %c0_i32_1 = arith.constant 0 : i32
    return %c0_i32, %c0_i32_0 : i32, i32
  }
  func.func @transform_3(%arg0: i32) -> (i32, i32) {
    %c0_i32 = arith.constant 0 : i32
    %c0_i32_0 = arith.constant 0 : i32
    %c0_i32_1 = arith.constant 0 : i32
    return %c0_i32, %c0_i32_0 : i32, i32
  }
  func.func @transform_4(%arg0: i32) -> (i32, i32) {
    %c0_i32 = arith.constant 0 : i32
    %c0_i32_0 = arith.constant 0 : i32
    %c0_i32_1 = arith.constant 0 : i32
    return %c0_i32, %c0_i32_0 : i32, i32
  }
  func.func @transform_5(%arg0: i32) -> (i32, i32) {
    %c0_i32 = arith.constant 0 : i32
    %c0_i32_0 = arith.constant 0 : i32
    return %arg0, %c0_i32 : i32, i32
  }
  func.func @transform_6(%arg0: i32) -> (i32, i32) {
    %c0_i32 = arith.constant 0 : i32
    %c0_i32_0 = arith.constant 0 : i32
    %c0_i32_1 = arith.constant 0 : i32
    return %c0_i32, %c0_i32_0 : i32, i32
  }
  func.func @transform_7(%arg0: i32) -> (i32, i32) {
    %c0_i32 = arith.constant 0 : i32
    %c0_i32_0 = arith.constant 0 : i32
    %c0_i32_1 = arith.constant 0 : i32
    return %c0_i32, %c0_i32_0 : i32, i32
  }
}

module attributes {stable_mosaic.version = 14 : i64} {
  func.func @_mlp1_body(%arg0: i32, %arg1: memref<200x256xf32, #tpu.memory_space<vmem>>, %arg2: memref<1x1x200x128xf32, #tpu.memory_space<vmem>>, %arg3: memref<1x1x200x128xf32, #tpu.memory_space<vmem>>, %arg4: memref<1x1xf32, #tpu.memory_space<smem>>, %arg5: memref<256x512xf32, #tpu.memory_space<vmem>>, %arg6: memref<200x512xbf16, #tpu.memory_space<vmem>>, %arg7: memref<8x512xf32, #tpu.memory_space<vmem>>, %arg8: memref<8x512xf32, #tpu.memory_space<vmem>>) attributes {dimension_semantics = [#tpu.dimension_semantics<arbitrary>], iteration_bounds = array<i64: 50>, scalar_prefetch = 0 : i64, scratch_operands = 0 : i64, tpu.core_type = #tpu.core_type<tc>, window_params = [{transform_indices = @transform_0, window_bounds = array<i64: 200, 256>}, {transform_indices = @transform_1, window_bounds = array<i64: 1, 1, 200, 128>}, {transform_indices = @transform_2, window_bounds = array<i64: 1, 1, 200, 128>}, {transform_indices = @transform_3, window_bounds = array<i64: 1, 1>}, {pipeline_mode = #tpu.pipeline_mode<synchronous>, transform_indices = @transform_4, window_bounds = array<i64: 256, 512>}, {transform_indices = @transform_5, window_bounds = array<i64: 200, 512>}, {pipeline_mode = #tpu.pipeline_mode<synchronous>, transform_indices = @transform_6, window_bounds = array<i64: 8, 512>}, {pipeline_mode = #tpu.pipeline_mode<synchronous>, transform_indices = @transform_7, window_bounds = array<i64: 8, 512>}]} {
    %get3A = arith.constant 0 : index
    %get3A_0 = arith.constant 0 : index
    %get3A_1 = arith.constant 0 : index
    %get3A_2 = arith.constant 0 : index
    %get3A_3 = vector.load %arg2[%get3A, %get3A_0, %get3A_1, %get3A_2] : memref<1x1x200x128xf32, #tpu.memory_space<vmem>>, vector<1x1x200x128xf32>
    %get3A_4 = vector.shape_cast %get3A_3 : vector<1x1x200x128xf32> to vector<200x128xf32>
    %get3A_5 = arith.constant 0 : index
    %get3A_6 = arith.constant 0 : index
    %get3A_7 = arith.constant 0 : index
    %get3A_8 = arith.constant 0 : index
    %get3A_9 = vector.load %arg3[%get3A_5, %get3A_6, %get3A_7, %get3A_8] : memref<1x1x200x128xf32, #tpu.memory_space<vmem>>, vector<1x1x200x128xf32>
    %get3A_10 = vector.shape_cast %get3A_9 : vector<1x1x200x128xf32> to vector<200x128xf32>
    %concatenate3A = tpu.concatenate %get3A_4, %get3A_10 in 1 : vector<200x128xf32>, vector<200x128xf32> -> vector<200x256xf32>
    %get3A_11 = arith.constant 0 : index
    %get3A_12 = arith.constant 0 : index
    %get3A_13 = vector.load %arg1[%get3A_11, %get3A_12] : memref<200x256xf32, #tpu.memory_space<vmem>>, vector<200x256xf32>
    %get3A_14 = arith.constant 0 : index
    %get3A_15 = arith.constant 0 : index
    %get3A_16 = memref.load %arg4[%get3A_14, %get3A_15] : memref<1x1xf32, #tpu.memory_space<smem>>
    %add3A = arith.constant 1.000000e+00 : f32
    %add3A_17 = arith.addf %add3A, %get3A_16 : f32
    %mul3A = vector.broadcast %add3A_17 : f32 to vector<200x256xf32>
    %mul3A_18 = arith.mulf %get3A_13, %mul3A : vector<200x256xf32>
    %add3A_19 = arith.addf %mul3A_18, %concatenate3A : vector<200x256xf32>
    %convert_element_type3A = arith.truncf %add3A_19 : vector<200x256xf32> to vector<200x256xbf16>
    %get3A_20 = arith.constant 0 : index
    %get3A_21 = arith.constant 0 : index
    %get3A_22 = vector.load %arg5[%get3A_20, %get3A_21] : memref<256x512xf32, #tpu.memory_space<vmem>>, vector<256x512xf32>
    %convert_element_type3A_23 = arith.truncf %get3A_22 : vector<256x512xf32> to vector<256x512xbf16>
    %dot_general3A = arith.constant dense<0.000000e+00> : vector<200x512xf32>
    %dot_general3A_24 = tpu.matmul %convert_element_type3A, %convert_element_type3A_23, %dot_general3A {dimension_numbers = #tpu.dot_dimension_numbers<[1], [0], [0], [1], [0, 0, 1, 1], [], []>, transpose_lhs_hint = false} : vector<200x256xbf16>, vector<256x512xbf16>, vector<200x512xf32> -> vector<200x512xf32>
    %convert_element_type3A_25 = arith.truncf %dot_general3A_24 : vector<200x512xf32> to vector<200x512xbf16>
    %swap3A = arith.constant 0 : index
    %swap3A_26 = arith.constant 0 : index
    %swap3A_27 = vector.load %arg6[%swap3A, %swap3A_26] : memref<200x512xbf16, #tpu.memory_space<vmem>>, vector<200x512xbf16>
    tpu.vector_store %arg6[%swap3A, %swap3A_26], %convert_element_type3A_25 {strides = array<i32>} : memref<200x512xbf16, #tpu.memory_space<vmem>>, vector<200x512xbf16>,
    %reshape3A = vector.shape_cast %dot_general3A_24 : vector<200x512xf32> to vector<25x8x512xf32>
    %reduce_sum3A = arith.constant dense<0.000000e+00> : vector<8x512xf32>
    %reduce_sum3A_28 = vector.multi_reduction <add>, %reshape3A, %reduce_sum3A [0] : vector<25x8x512xf32> to vector<8x512xf32>
    %mul3A_29 = arith.mulf %dot_general3A_24, %dot_general3A_24 : vector<200x512xf32>
    %reshape3A_30 = vector.shape_cast %mul3A_29 : vector<200x512xf32> to vector<25x8x512xf32>
    %reduce_sum3A_31 = arith.constant dense<0.000000e+00> : vector<8x512xf32>
    %reduce_sum3A_32 = vector.multi_reduction <add>, %reshape3A_30, %reduce_sum3A_31 [0] : vector<25x8x512xf32> to vector<8x512xf32>
    %eq3A = arith.constant 0 : i32
    %eq3A_33 = arith.cmpi eq, %arg0, %eq3A : i32
    %convert_element_type3A_34 = arith.extui %eq3A_33 : i1 to i32
    %cond3A = arith.constant 0 : i32
    %cond3A_35 = arith.cmpi ne, %convert_element_type3A_34, %cond3A : i32
    scf.if %cond3A_35 {
      %swap3A_40 = arith.constant 0 : index
      %swap3A_41 = arith.constant 0 : index
      %swap3A_42 = vector.load %arg7[%swap3A_40, %swap3A_41] : memref<8x512xf32, #tpu.memory_space<vmem>>, vector<8x512xf32>
      tpu.vector_store %arg7[%swap3A_40, %swap3A_41], %reduce_sum3A_28 {strides = array<i32>} : memref<8x512xf32, #tpu.memory_space<vmem>>, vector<8x512xf32>,
      %swap3A_43 = arith.constant 0 : index
      %swap3A_44 = arith.constant 0 : index
      %swap3A_45 = vector.load %arg8[%swap3A_43, %swap3A_44] : memref<8x512xf32, #tpu.memory_space<vmem>>, vector<8x512xf32>
      tpu.vector_store %arg8[%swap3A_43, %swap3A_44], %reduce_sum3A_32 {strides = array<i32>} : memref<8x512xf32, #tpu.memory_space<vmem>>, vector<8x512xf32>,
    } else {
    }
    %gt3A = arith.constant 0 : i32
    %gt3A_36 = arith.cmpi sgt, %arg0, %gt3A : i32
    %convert_element_type3A_37 = arith.extui %gt3A_36 : i1 to i32
    %cond3A_38 = arith.constant 0 : i32
    %cond3A_39 = arith.cmpi ne, %convert_element_type3A_37, %cond3A_38 : i32
    scf.if %cond3A_39 {
      %get3A_40 = arith.constant 0 : index
      %get3A_41 = arith.constant 0 : index
      %get3A_42 = vector.load %arg7[%get3A_40, %get3A_41] : memref<8x512xf32, #tpu.memory_space<vmem>>, vector<8x512xf32>
      %add3A_43 = arith.addf %get3A_42, %reduce_sum3A_28 : vector<8x512xf32>
      %swap3A_44 = arith.constant 0 : index
      %swap3A_45 = arith.constant 0 : index
      %swap3A_46 = vector.load %arg7[%swap3A_44, %swap3A_45] : memref<8x512xf32, #tpu.memory_space<vmem>>, vector<8x512xf32>
      tpu.vector_store %arg7[%swap3A_44, %swap3A_45], %add3A_43 {strides = array<i32>} : memref<8x512xf32, #tpu.memory_space<vmem>>, vector<8x512xf32>,
      %get3A_47 = arith.constant 0 : index
      %get3A_48 = arith.constant 0 : index
      %get3A_49 = vector.load %arg8[%get3A_47, %get3A_48] : memref<8x512xf32, #tpu.memory_space<vmem>>, vector<8x512xf32>
      %add3A_50 = arith.addf %get3A_49, %reduce_sum3A_32 : vector<8x512xf32>
      %swap3A_51 = arith.constant 0 : index
      %swap3A_52 = arith.constant 0 : index
      %swap3A_53 = vector.load %arg8[%swap3A_51, %swap3A_52] : memref<8x512xf32, #tpu.memory_space<vmem>>, vector<8x512xf32>
      tpu.vector_store %arg8[%swap3A_51, %swap3A_52], %add3A_50 {strides = array<i32>} : memref<8x512xf32, #tpu.memory_space<vmem>>, vector<8x512xf32>,
    } else {
    }
    return
  }
  func.func @transform_0(%arg0: i32) -> (i32, i32) {
    %c0_i32 = arith.constant 0 : i32
    %c0_i32_0 = arith.constant 0 : i32
    return %arg0, %c0_i32 : i32, i32
  }
  func.func @transform_1(%arg0: i32) -> (i32, i32, i32, i32) {
    %jit3A = arith.constant 13 : i32
    %div3A = arith.divsi %arg0, %jit3A : i32
    %sign3A = arith.constant 0 : i32
    %sign3A_0 = arith.cmpi sgt, %arg0, %sign3A : i32
    %sign3A_1 = arith.extui %sign3A_0 : i1 to i32
    %sign3A_2 = arith.constant 0 : i32
    %sign3A_3 = arith.cmpi slt, %arg0, %sign3A_2 : i32
    %sign3A_4 = arith.extui %sign3A_3 : i1 to i32
    %sign3A_5 = arith.subi %sign3A_1, %sign3A_4 : i32
    %sign3A_6 = arith.constant 0 : i32
    %sign3A_7 = arith.cmpi sgt, %jit3A, %sign3A_6 : i32
    %sign3A_8 = arith.extui %sign3A_7 : i1 to i32
    %sign3A_9 = arith.constant 0 : i32
    %sign3A_10 = arith.cmpi slt, %jit3A, %sign3A_9 : i32
    %sign3A_11 = arith.extui %sign3A_10 : i1 to i32
    %sign3A_12 = arith.subi %sign3A_8, %sign3A_11 : i32
    %ne3A = arith.cmpi ne, %sign3A_5, %sign3A_12 : i32
    %rem3A = arith.remsi %arg0, %jit3A : i32
    %ne3A_13 = arith.constant 0 : i32
    %ne3A_14 = arith.cmpi ne, %rem3A, %ne3A_13 : i32
    %and3A = arith.andi %ne3A, %ne3A_14 : i1
    %sub3A = arith.constant 1 : i32
    %sub3A_15 = arith.subi %div3A, %sub3A : i32
    %select_n3A = arith.select %and3A, %sub3A_15, %div3A : i32
    %jit3A_16 = arith.constant 13 : i32
    %eq3A = arith.constant 0 : i32
    %eq3A_17 = arith.cmpi eq, %jit3A_16, %eq3A : i32
    %jit3A_18 = arith.constant 1 : i32
    %select_n3A_19 = arith.select %eq3A_17, %jit3A_18, %jit3A_16 : i32
    %rem3A_20 = arith.remsi %arg0, %select_n3A_19 : i32
    %ne3A_21 = arith.constant 0 : i32
    %ne3A_22 = arith.cmpi ne, %rem3A_20, %ne3A_21 : i32
    %lt3A = arith.constant 0 : i32
    %lt3A_23 = arith.cmpi slt, %rem3A_20, %lt3A : i32
    %lt3A_24 = arith.constant 0 : i32
    %lt3A_25 = arith.cmpi slt, %select_n3A_19, %lt3A_24 : i32
    %ne3A_26 = arith.xori %lt3A_23, %lt3A_25 : i1
    %and3A_27 = arith.andi %ne3A_26, %ne3A_22 : i1
    %add3A = arith.addi %rem3A_20, %select_n3A_19 : i32
    %select_n3A_28 = arith.select %and3A_27, %add3A, %rem3A_20 : i32
    %c0_i32 = arith.constant 0 : i32
    %c0_i32_29 = arith.constant 0 : i32
    %c0_i32_30 = arith.constant 0 : i32
    return %c0_i32, %select_n3A, %select_n3A_28, %c0_i32_29 : i32, i32, i32, i32
  }
  func.func @transform_2(%arg0: i32) -> (i32, i32, i32, i32) {
    %jit3A = arith.constant 13 : i32
    %div3A = arith.divsi %arg0, %jit3A : i32
    %sign3A = arith.constant 0 : i32
    %sign3A_0 = arith.cmpi sgt, %arg0, %sign3A : i32
    %sign3A_1 = arith.extui %sign3A_0 : i1 to i32
    %sign3A_2 = arith.constant 0 : i32
    %sign3A_3 = arith.cmpi slt, %arg0, %sign3A_2 : i32
    %sign3A_4 = arith.extui %sign3A_3 : i1 to i32
    %sign3A_5 = arith.subi %sign3A_1, %sign3A_4 : i32
    %sign3A_6 = arith.constant 0 : i32
    %sign3A_7 = arith.cmpi sgt, %jit3A, %sign3A_6 : i32
    %sign3A_8 = arith.extui %sign3A_7 : i1 to i32
    %sign3A_9 = arith.constant 0 : i32
    %sign3A_10 = arith.cmpi slt, %jit3A, %sign3A_9 : i32
    %sign3A_11 = arith.extui %sign3A_10 : i1 to i32
    %sign3A_12 = arith.subi %sign3A_8, %sign3A_11 : i32
    %ne3A = arith.cmpi ne, %sign3A_5, %sign3A_12 : i32
    %rem3A = arith.remsi %arg0, %jit3A : i32
    %ne3A_13 = arith.constant 0 : i32
    %ne3A_14 = arith.cmpi ne, %rem3A, %ne3A_13 : i32
    %and3A = arith.andi %ne3A, %ne3A_14 : i1
    %sub3A = arith.constant 1 : i32
    %sub3A_15 = arith.subi %div3A, %sub3A : i32
    %select_n3A = arith.select %and3A, %sub3A_15, %div3A : i32
    %jit3A_16 = arith.constant 13 : i32
    %eq3A = arith.constant 0 : i32
    %eq3A_17 = arith.cmpi eq, %jit3A_16, %eq3A : i32
    %jit3A_18 = arith.constant 1 : i32
    %select_n3A_19 = arith.select %eq3A_17, %jit3A_18, %jit3A_16 : i32
    %rem3A_20 = arith.remsi %arg0, %select_n3A_19 : i32
    %ne3A_21 = arith.constant 0 : i32
    %ne3A_22 = arith.cmpi ne, %rem3A_20, %ne3A_21 : i32
    %lt3A = arith.constant 0 : i32
    %lt3A_23 = arith.cmpi slt, %rem3A_20, %lt3A : i32
    %lt3A_24 = arith.constant 0 : i32
    %lt3A_25 = arith.cmpi slt, %select_n3A_19, %lt3A_24 : i32
    %ne3A_26 = arith.xori %lt3A_23, %lt3A_25 : i1
    %and3A_27 = arith.andi %ne3A_26, %ne3A_22 : i1
    %add3A = arith.addi %rem3A_20, %select_n3A_19 : i32
    %select_n3A_28 = arith.select %and3A_27, %add3A, %rem3A_20 : i32
    %c1_i32 = arith.constant 1 : i32
    %c0_i32 = arith.constant 0 : i32
    %c0_i32_29 = arith.constant 0 : i32
    return %c1_i32, %select_n3A, %select_n3A_28, %c0_i32 : i32, i32, i32, i32
  }
  func.func @transform_3(%arg0: i32) -> (i32, i32) {
    %c0_i32 = arith.constant 0 : i32
    %c0_i32_0 = arith.constant 0 : i32
    %c0_i32_1 = arith.constant 0 : i32
    return %c0_i32, %c0_i32_0 : i32, i32
  }
  func.func @transform_4(%arg0: i32) -> (i32, i32) {
    %c0_i32 = arith.constant 0 : i32
    %c0_i32_0 = arith.constant 0 : i32
    %c0_i32_1 = arith.constant 0 : i32
    return %c0_i32, %c0_i32_0 : i32, i32
  }
  func.func @transform_5(%arg0: i32) -> (i32, i32) {
    %c0_i32 = arith.constant 0 : i32
    %c0_i32_0 = arith.constant 0 : i32
    return %arg0, %c0_i32 : i32, i32
  }
  func.func @transform_6(%arg0: i32) -> (i32, i32) {
    %c0_i32 = arith.constant 0 : i32
    %c0_i32_0 = arith.constant 0 : i32
    %c0_i32_1 = arith.constant 0 : i32
    return %c0_i32, %c0_i32_0 : i32, i32
  }
  func.func @transform_7(%arg0: i32) -> (i32, i32) {
    %c0_i32 = arith.constant 0 : i32
    %c0_i32_0 = arith.constant 0 : i32
    %c0_i32_1 = arith.constant 0 : i32
    return %c0_i32, %c0_i32_0 : i32, i32
  }
}

module attributes {stable_mosaic.version = 14 : i64} {
  func.func @_mlp3_body(%arg0: i32, %arg1: memref<400x512xbf16, #tpu.memory_space<vmem>>, %arg2: memref<8x512xf32, #tpu.memory_space<vmem>>, %arg3: memref<8x512xf32, #tpu.memory_space<vmem>>, %arg4: memref<8x512xf32, #tpu.memory_space<vmem>>, %arg5: memref<512x256xf32, #tpu.memory_space<vmem>>, %arg6: memref<8x256xf32, #tpu.memory_space<vmem>>, %arg7: memref<400x256xf32, #tpu.memory_space<vmem>>, %arg8: memref<400x256xf32, #tpu.memory_space<vmem>>) attributes {dimension_semantics = [#tpu.dimension_semantics<arbitrary>], iteration_bounds = array<i64: 25>, scalar_prefetch = 0 : i64, scratch_operands = 0 : i64, tpu.core_type = #tpu.core_type<tc>, window_params = [{transform_indices = @transform_0, window_bounds = array<i64: 400, 512>}, {pipeline_mode = #tpu.pipeline_mode<synchronous>, transform_indices = @transform_1, window_bounds = array<i64: 8, 512>}, {pipeline_mode = #tpu.pipeline_mode<synchronous>, transform_indices = @transform_2, window_bounds = array<i64: 8, 512>}, {pipeline_mode = #tpu.pipeline_mode<synchronous>, transform_indices = @transform_3, window_bounds = array<i64: 8, 512>}, {pipeline_mode = #tpu.pipeline_mode<synchronous>, transform_indices = @transform_4, window_bounds = array<i64: 512, 256>}, {pipeline_mode = #tpu.pipeline_mode<synchronous>, transform_indices = @transform_5, window_bounds = array<i64: 8, 256>}, {transform_indices = @transform_6, window_bounds = array<i64: 400, 256>}, {transform_indices = @transform_7, window_bounds = array<i64: 400, 256>}]} {
    %get3A = arith.constant 0 : index
    %get3A_0 = arith.constant 0 : index
    %get3A_1 = vector.load %arg2[%get3A, %get3A_0] : memref<8x512xf32, #tpu.memory_space<vmem>>, vector<8x512xf32>
    %reduce_sum3A = arith.constant dense<0.000000e+00> : vector<512xf32>
    %reduce_sum3A_2 = vector.multi_reduction <add>, %get3A_1, %reduce_sum3A [0] : vector<8x512xf32> to vector<512xf32>
    %broadcast_in_dim3A = vector.shape_cast %reduce_sum3A_2 : vector<512xf32> to vector<1x512xf32>
    %div3A = arith.constant 1.000000e+04 : f32
    %div3A_3 = vector.broadcast %div3A : f32 to vector<1x512xf32>
    %div3A_4 = arith.divf %broadcast_in_dim3A, %div3A_3 : vector<1x512xf32>
    %get3A_5 = arith.constant 0 : index
    %get3A_6 = arith.constant 0 : index
    %get3A_7 = vector.load %arg3[%get3A_5, %get3A_6] : memref<8x512xf32, #tpu.memory_space<vmem>>, vector<8x512xf32>
    %reduce_sum3A_8 = arith.constant dense<0.000000e+00> : vector<512xf32>
    %reduce_sum3A_9 = vector.multi_reduction <add>, %get3A_7, %reduce_sum3A_8 [0] : vector<8x512xf32> to vector<512xf32>
    %broadcast_in_dim3A_10 = vector.shape_cast %reduce_sum3A_9 : vector<512xf32> to vector<1x512xf32>
    %div3A_11 = arith.constant 1.000000e+04 : f32
    %div3A_12 = vector.broadcast %div3A_11 : f32 to vector<1x512xf32>
    %div3A_13 = arith.divf %broadcast_in_dim3A_10, %div3A_12 : vector<1x512xf32>
    %mul3A = arith.mulf %div3A_4, %div3A_4 : vector<1x512xf32>
    %sub3A = arith.subf %div3A_13, %mul3A : vector<1x512xf32>
    %get3A_14 = arith.constant 0 : index
    %get3A_15 = arith.constant 0 : index
    %get3A_16 = vector.load %arg4[%get3A_14, %get3A_15] : memref<8x512xf32, #tpu.memory_space<vmem>>, vector<1x512xf32>
    %add3A = arith.constant 9.99999974E-6 : f32
    %add3A_17 = vector.broadcast %add3A : f32 to vector<1x512xf32>
    %add3A_18 = arith.addf %sub3A, %add3A_17 : vector<1x512xf32>
    %rsqrt3A = math.rsqrt %add3A_18 : vector<1x512xf32>
    %mul3A_19 = arith.mulf %get3A_16, %rsqrt3A : vector<1x512xf32>
    %get3A_20 = arith.constant 1 : index
    %get3A_21 = arith.constant 0 : index
    %get3A_22 = vector.load %arg4[%get3A_20, %get3A_21] : memref<8x512xf32, #tpu.memory_space<vmem>>, vector<1x512xf32>
    %mul3A_23 = arith.mulf %div3A_4, %mul3A_19 : vector<1x512xf32>
    %sub3A_24 = arith.subf %get3A_22, %mul3A_23 : vector<1x512xf32>
    %get3A_25 = arith.constant 0 : index
    %get3A_26 = arith.constant 0 : index
    %get3A_27 = vector.load %arg1[%get3A_25, %get3A_26] : memref<400x512xbf16, #tpu.memory_space<vmem>>, vector<400x512xbf16>
    %convert_element_type3A = arith.extf %get3A_27 : vector<400x512xbf16> to vector<400x512xf32>
    %mul3A_28 = vector.broadcast %mul3A_19 : vector<1x512xf32> to vector<400x512xf32>
    %mul3A_29 = arith.mulf %convert_element_type3A, %mul3A_28 : vector<400x512xf32>
    %add3A_30 = vector.broadcast %sub3A_24 : vector<1x512xf32> to vector<400x512xf32>
    %add3A_31 = arith.addf %mul3A_29, %add3A_30 : vector<400x512xf32>
    %max3A = arith.constant 0.000000e+00 : f32
    %max3A_32 = vector.broadcast %max3A : f32 to vector<400x512xf32>
    %max3A_33 = arith.maximumf %add3A_31, %max3A_32 : vector<400x512xf32>
    %convert_element_type3A_34 = arith.truncf %max3A_33 : vector<400x512xf32> to vector<400x512xbf16>
    %get3A_35 = arith.constant 0 : index
    %get3A_36 = arith.constant 0 : index
    %get3A_37 = vector.load %arg5[%get3A_35, %get3A_36] : memref<512x256xf32, #tpu.memory_space<vmem>>, vector<512x256xf32>
    %convert_element_type3A_38 = arith.truncf %get3A_37 : vector<512x256xf32> to vector<512x256xbf16>
    %dot_general3A = arith.constant dense<0.000000e+00> : vector<400x256xf32>
    %dot_general3A_39 = tpu.matmul %convert_element_type3A_34, %convert_element_type3A_38, %dot_general3A {dimension_numbers = #tpu.dot_dimension_numbers<[1], [0], [0], [1], [0, 0, 1, 1], [], []>, transpose_lhs_hint = false} : vector<400x512xbf16>, vector<512x256xbf16>, vector<400x256xf32> -> vector<400x256xf32>
    %get3A_40 = arith.constant 0 : index
    %get3A_41 = arith.constant 0 : index
    %get3A_42 = vector.load %arg6[%get3A_40, %get3A_41] : memref<8x256xf32, #tpu.memory_space<vmem>>, vector<1x256xf32>
    %add3A_43 = vector.broadcast %get3A_42 : vector<1x256xf32> to vector<400x256xf32>
    %add3A_44 = arith.addf %dot_general3A_39, %add3A_43 : vector<400x256xf32>
    %get3A_45 = arith.constant 0 : index
    %get3A_46 = arith.constant 0 : index
    %get3A_47 = vector.load %arg7[%get3A_45, %get3A_46] : memref<400x256xf32, #tpu.memory_space<vmem>>, vector<400x256xf32>
    %add3A_48 = arith.addf %add3A_44, %get3A_47 : vector<400x256xf32>
    %swap3A = arith.constant 0 : index
    %swap3A_49 = arith.constant 0 : index
    %swap3A_50 = vector.load %arg8[%swap3A, %swap3A_49] : memref<400x256xf32, #tpu.memory_space<vmem>>, vector<400x256xf32>
    tpu.vector_store %arg8[%swap3A, %swap3A_49], %add3A_48 {strides = array<i32>} : memref<400x256xf32, #tpu.memory_space<vmem>>, vector<400x256xf32>,
    return
  }
  func.func @transform_0(%arg0: i32) -> (i32, i32) {
    %c0_i32 = arith.constant 0 : i32
    %c0_i32_0 = arith.constant 0 : i32
    return %arg0, %c0_i32 : i32, i32
  }
  func.func @transform_1(%arg0: i32) -> (i32, i32) {
    %c0_i32 = arith.constant 0 : i32
    %c0_i32_0 = arith.constant 0 : i32
    %c0_i32_1 = arith.constant 0 : i32
    return %c0_i32, %c0_i32_0 : i32, i32
  }
  func.func @transform_2(%arg0: i32) -> (i32, i32) {
    %c0_i32 = arith.constant 0 : i32
    %c0_i32_0 = arith.constant 0 : i32
    %c0_i32_1 = arith.constant 0 : i32
    return %c0_i32, %c0_i32_0 : i32, i32
  }
  func.func @transform_3(%arg0: i32) -> (i32, i32) {
    %c0_i32 = arith.constant 0 : i32
    %c0_i32_0 = arith.constant 0 : i32
    %c0_i32_1 = arith.constant 0 : i32
    return %c0_i32, %c0_i32_0 : i32, i32
  }
  func.func @transform_4(%arg0: i32) -> (i32, i32) {
    %c0_i32 = arith.constant 0 : i32
    %c0_i32_0 = arith.constant 0 : i32
    %c0_i32_1 = arith.constant 0 : i32
    return %c0_i32, %c0_i32_0 : i32, i32
  }
  func.func @transform_5(%arg0: i32) -> (i32, i32) {
    %c0_i32 = arith.constant 0 : i32
    %c0_i32_0 = arith.constant 0 : i32
    %c0_i32_1 = arith.constant 0 : i32
    return %c0_i32, %c0_i32_0 : i32, i32
  }
  func.func @transform_6(%arg0: i32) -> (i32, i32) {
    %c0_i32 = arith.constant 0 : i32
    %c0_i32_0 = arith.constant 0 : i32
    return %arg0, %c0_i32 : i32, i32
  }
  func.func @transform_7(%arg0: i32) -> (i32, i32) {
    %c0_i32 = arith.constant 0 : i32
    %c0_i32_0 = arith.constant 0 : i32
    return %arg0, %c0_i32 : i32, i32
  }
}

</mosaic_0001>

<sc_bundles>
// kernel: kernel.7.cloned.1.call-start
scs
__scs_entry_jumppad:
0x0: {  	(pc) =	sbr.rel $0x88, $3  }
0x1: {  	(tag) =	ssettag $0x0;
	lr =	simm.s32 $0x1  }
0x2: {  	[smem:$0x3F94] =	sst lr;
	_ =	strace $0xD0000000  }
0x3: {  	_ = 	snop  }
0x4: {  	_ = 	snop  }
0x5: {  	_ = 	snop  }
0x6: {  	_ = 	snop  }
0x7: {  	_ = 	snop  }
__scs_overlays_trampoline_lowered:
0x8: {  	[smem:$0x3FA3] =	sst s0  }
0x9: {  	[smem:$0x3FA4] =	sst s1  }
0xa: {  	[smem:$0x3FA5] =	sst s2  }
0xb: {  	[smem:$0x3FA6] =	sst s3  }
0xc: {  	[smem:$0x3FA7] =	sst s4  }
0xd: {  	[smem:$0x3FA8] =	sst s5  }
0xe: {  	[smem:$0x3FA9] =	sst s6  }
0xf: {  	[smem:$0x3FAA] =	sst s7  }
0x10: {  	[smem:$0x3FAB] =	sst s8  }
0x11: {  	[smem:$0x3FAC] =	sst s9;
	s0 =	simm.s32 @!p0 $0x0  }
0x12: {  	s1 =	sld [smem:$0x3F92];
	s0 =	simm.s32 @p0 $0x1  }
0x13: {  	[smem:$0x3FAD] =	sst s0;
	s0 =	simm.s32 @!p1 $0x0  }
0x14: {  	s2 =	sld [smem:$0x3F91];
	s0 =	simm.s32 @p1 $0x1  }
0x15: {  	[smem:$0x3FAE] =	sst s0;
	s0 =	simm.s32 @!p2 $0x0  }
0x16: {  	s3 =	sld [smem:$0x3FDB];
	s0 =	simm.s32 @p2 $0x1  }
0x17: {  	s4 =	simm.s32 $0x1BF5;
	[smem:$0x3FB0] =	sst s0  }
0x18: {  	s0 =	sld [smem:$0x3F93];
	_ =	swait.ge [sflag:s4], $0x0  }
0x19: {  	s7 =	sld [smem:$0x3F94]  }
0x1a: {  	s8 =	sadd.s32 $0xFFFFE003, lr  }
0x1b: {  	s9 =	sadd.s32 $0xFFFFFEF7, lr;
	s5 =	simm.s32 $0xFFFFFFFF;
	p2 =	slt.u32 s8, $0xFFFFF086  }
0x1c: {  	p1 =	slt.u32 s9, $0xF7A;
	s5 =	simm.s32 @!p2 $0x0  }
0x1d: {  	s5 =	simm.s32 @p1 $0x1;
	p0 =	seq.s32 s7, s2  }
0x1e: {  	s7 =	smul.u32 @!p0 $0xF7A, s2;
	p2 =	seq.s32 @!p0 s5, $0x0  }
0x1f: {  	s9 =	smul.u32 $0xF7A, s1;
	s8 =	simm.s32 @!p0 $0x1BF5;
	p2 =	por !p2, p0  }
0x20: {  	[sflag:s8] =	ssyncset.s32 @!p0 $0xFFFFF086;
	s6 =	sadd.s32 @!p0 s3, s7;
	s7 =	simm.s32 @!p0 $0x108  }
0x21: {  	s3 =	sadd.s32 s3, s9;
	s6 =	sadd.s32 @!p0 $0x88, s6;
	s7 =	simm.s32 @p2 $0x1082  }
0x22: {  	[simem:s7], [sflag:s8] =	dma.local @!p0 [hbm:s6], $0xF7A  }
0x23: {  	s9 =	sor.u32 $0xD0000000, s2;
	s6 =	simm.s32 $0x108;
	_ =	swait.ge @!p0 [sflag:s8], $0x0  }
0x24: {  	s3 =	sadd.s32 $0x88, s3;
	s6 =	simm.s32 @!p1 $0x1082;
	[sflag:s4] =	ssyncset.s32 $0xFFFFF086  }
0x25: {  	[simem:s6], [sflag:s4] =	dma.local [hbm:s3], $0xF7A  }
0x26: {  	[smem:$0x3F94] =	sst s1;
	(tag) =	ssettag s2;
	_ =	strace s9  }
0x27: {  	s1 =	sld [smem:$0x3FA4]  }
0x28: {  	s2 =	sld [smem:$0x3FA5]  }
0x29: {  	s4 =	sld [smem:$0x3FA7]  }
0x2a: {  	p0 =	seq.s32 s5, $0x0;
	s5 =	sld [smem:$0x3FA8]  }
0x2b: {  	s6 =	sld [smem:$0x3FA9]  }
0x2c: {  	s7 =	sld [smem:$0x3FAA]  }
0x2d: {  	s3 =	simm.s32 $0x108;
	s8 =	sld [smem:$0x3FAB]  }
0x2e: {  	s3 =	simm.s32 @!p0 $0x1082;
	s9 =	sld [smem:$0x3FAC]  }
0x2f: {  	lr =	sadd.s32 s0, s3;
	s0 =	sld [smem:$0x3FA3]  }
0x30: {  	s3 =	sld [smem:$0x3FA6]  }
0x31: {  	[smem:$0x3FAF] =	sst s10  }
0x32: {  	s10 =	sld [smem:$0x3FAD];
	_ =	sdelay $0x3  }
0x33: {  	p0 =	seq.s32 s10, $0x1;
	s10 =	sld [smem:$0x3FAF];
	_ =	sdelay $0x3  }
0x34: {  	[smem:$0x3FAF] =	sst s10  }
0x35: {  	s10 =	sld [smem:$0x3FAE];
	_ =	sdelay $0x3  }
0x36: {  	p1 =	seq.s32 s10, $0x1;
	s10 =	sld [smem:$0x3FAF];
	_ =	sdelay $0x3  }
0x37: {  	[smem:$0x3FAF] =	sst s10  }
0x38: {  	s10 =	sld [smem:$0x3FB0]  }
0x39: {  	_ = 	snop;
	(pc) =	sbr.ind lr, $3  }
0x3a: {  	_ = 	snop  }
0x3b: {  	_ = 	snop  }
0x3c: {  	p2 =	seq.s32 s10, $0x1;
	s10 =	sld [smem:$0x3FAF]  }
0x3d: {  	_ =	shalt  }
0x3e: {  	_ =	shalt  }
0x3f: {  	_ =	shalt  }
0x40: {  	_ =	shalt  }
0x41: {  	_ =	shalt  }
0x42: {  	_ =	shalt  }
0x43: {  	_ =	shalt  }
0x44: {  	_ =	shalt  }
0x45: {  	_ =	shalt  }
0x46: {  	_ =	shalt  }
0x47: {  	_ =	shalt  }
0x48: {  	_ =	shalt  }
0x49: {  	_ =	shalt  }
0x4a: {  	_ =	shalt  }
0x4b: {  	_ =	shalt  }
0x4c: {  	_ =	shalt  }
0x4d: {  	_ =	shalt  }
0x4e: {  	_ =	shalt  }
0x4f: {  	_ =	shalt  }
0x50: {  	_ =	shalt  }
0x51: {  	_ =	shalt  }
0x52: {  	_ =	shalt  }
0x53: {  	_ =	shalt  }
0x54: {  	_ =	shalt  }
0x55: {  	_ =	shalt  }
0x56: {  	_ =	shalt  }
0x57: {  	_ =	shalt  }
0x58: {  	_ =	shalt  }
0x59: {  	_ =	shalt  }
0x5a: {  	_ =	shalt  }
0x5b: {  	_ =	shalt  }
0x5c: {  	_ =	shalt  }
0x5d: {  	_ =	shalt  }
0x5e: {  	_ =	shalt  }
0x5f: {  	_ =	shalt  }
0x60: {  	_ =	shalt  }
0x61: {  	_ =	shalt  }
0x62: {  	_ =	shalt  }
0x63: {  	_ =	shalt  }
0x64: {  	_ =	shalt  }
0x65: {  	_ =	shalt  }
0x66: {  	_ =	shalt  }
0x67: {  	_ =	shalt  }
0x68: {  	_ =	shalt  }
0x69: {  	_ =	shalt  }
0x6a: {  	_ =	shalt  }
0x6b: {  	_ =	shalt  }
0x6c: {  	_ =	shalt  }
0x6d: {  	_ =	shalt  }
0x6e: {  	_ =	shalt  }
0x6f: {  	_ =	shalt  }
0x70: {  	_ =	shalt  }
0x71: {  	_ =	shalt  }
0x72: {  	_ =	shalt  }
0x73: {  	_ =	shalt  }
0x74: {  	_ =	shalt  }
0x75: {  	_ =	shalt  }
0x76: {  	_ =	shalt  }
0x77: {  	_ =	shalt  }
0x78: {  	_ =	shalt  }
0x79: {  	_ =	shalt  }
0x7a: {  	_ =	shalt  }
0x7b: {  	_ =	shalt  }
0x7c: {  	_ =	shalt  }
0x7d: {  	_ =	shalt  }
0x7e: {  	_ =	shalt  }
0x7f: {  	_ =	shalt  }
0x80: {  	_ =	shalt  }
0x81: {  	_ =	shalt  }
0x82: {  	_ =	shalt  }
0x83: {  	_ =	shalt  }
0x84: {  	_ =	shalt  }
0x85: {  	_ =	shalt  }
0x86: {  	_ =	shalt  }
0x87: {  	_ =	shalt  }
.Lfunc_end0:
.L_simem_size_0:
called_computation_lowered:
.L_overlay_start_0:
0x88: {  	s2 =	sld [smem:$0x3FD9]  }
0x89: {  	s3 =	sld [smem:$0x3FFE];
	_ =	sdelay $0x1  }
0x8a: {  	s1 =	srdreg.scid  }
0x8b: {  	s0 =	sand.u32 $0x1, s1  }
0x8c: {  	s17 =	sshll.u32 s0, $0xA;
	s2 =	sadd.s32 s3, s2  }
0x8d: {  	s2 =	sadd.s32 s2, s17  }
0x8e: {  	[smem:$0x3FBB] =	sst s2  }
0x8f: {  	_ = 	snop  }
0x90: {  	s2 =	sld [smem:$0x3FD0];
	(tm) =	ssettm $0x1  }
0x91: {  	s18 =	sld [smem:$0x3FFB];
	_ =	sdelay $0x3  }
0x92: {  	_ =	strace s18  }
0x93: {  	s3 =	sld [smem:$0x3FFC];
	_ =	sdelay $0x3  }
0x94: {  	_ =	strace s3  }
0x95: {  	s3 =	sld [smem:$0x3FFD];
	_ =	sdelay $0x3  }
0x96: {  	_ =	strace s3  }
0x97: {  	_ =	strace $0x8FFFFFFF  }
0x98: {  	s19 =	sld [smem:$0x3FDB];
	_ =	sdelay $0x1  }
0x99: {  	s4 =	simm.s32 $_scs_section_size  }
0x9a: {  	s5 =	simm.s32 $_size__tile_overlayer_lowered;
	s6 =	simm.s32 $_tile_overlayer_lowered  }
0x9b: {  	s22 =	simm.s32 $0x1BFF;
	s21 =	sshll.u32 s6, $0x1;
	s3 =	sadd.s32 s4, s19  }
0x9c: {  	s7 =	simm.s32 $0x0;
	s20 =	sshll.u32 s5, $0x1;
	s5 =	sadd.s32 s21, s3  }
0x9d: {  	[timem:s7], [sflag:s22] =	dma.local [hbm:s5], s20  }
0x9e: {  	_ =	swait.ge [sflag:s22], s20  }
0x9f: {  	s4 =	ssub.s32 $0x0, s20;
	[sflag:s22] =	ssyncset.done $0x0  }
0xa0: {  	[sflag:s22] =	ssyncadd.s32 s4;
	_ =	sdelay $0x1  }
0xa1: {  	s23 =	simm.s32 $0x1B8B  }
0xa2: {  	_ =	swait.ge [sflag:s23], $0x1  }
0xa3: {  	[sflag:s23] =	ssyncset.done $0x0  }
0xa4: {  	s25 =	simm.s32 $0x1B8E;
	s24 =	sld [smem:$0x3FFE];
	[sflag:s23] =	ssyncadd.s32 $0xFFFFFFFF  }
0xa5: {  	s26 =	simm.s32 $execute0_lowered;
	[smem:$0x3FD2] =	sst s25  }
0xa6: {  	s5 =	sshll.u32 s26, $0x1;
	_ =	strace $0x80000046;
	[dreg:$0x1] =	wrdreg $0xFFFFFFFF  }
0xa7: {  	s28 =	simm.s32 $_size_execute0_lowered;
	s3 =	sadd.s32 s3, s5;
	[dreg:$0x0] =	wrdreg $0x0  }
0xa8: {  	s5 =	sshll.u32 s28, $0x1;
	[dreg:$0x2] =	wrdreg s3  }
0xa9: {  	[dreg:$0x3] =	wrdreg s5  }
0xaa: {  	[dreg:$0x4] =	wrdreg $0xC0  }
0xab: {  	_ =	task [dreg:s7], $0x5FFFF  }
0xac: {  	[dreg:$0x1] =	wrdreg $0xFFFFFFFF  }
0xad: {  	[dreg:$0x0] =	wrdreg $0x60  }
0xae: {  	[dreg:$0x2] =	wrdreg s24  }
0xaf: {  	[dreg:$0x3] =	wrdreg s2  }
0xb0: {  	[dreg:$0x4] =	wrdreg $0x165000  }
0xb1: {  	[dreg:$0x5] =	wrdreg $0x9  }
0xb2: {  	_ =	task.clear_ibuf [dreg:s7], $0x6FFFF;
	_ =	strace $0x90000046  }
0xb3: {  	s29 =	simm.s32 $0x9;
	_ =	strace $0x80000048  }
0xb4: {  	_ =	swait.ge [sflag:s29], $0x1  }
0xb5: {  	[sflag:s29] =	ssyncadd.s32 $0xFFFFFFFF  }
0xb6: {  	_ =	strace $0x90000048  }
0xb7: {  	_ =	sfence  }
0xb8: {  	s30 =	sld [smem:$0x0];
	_ =	sdelay $0x2  }
0xb9: {  	s31 =	sshll.u32 s1, $0xD;
	s1 =	sshrl.u32 s1, $0x2  }
0xba: {  	s3 =	sand.u32 $0x4000, s31;
	s1 =	sadd.s32 s1, s30  }
0xbb: {  	s0 =	sor.u32 s3, s0;
	s1 =	sshll.u32 s1, $0x11  }
0xbc: {  	s0 =	sor.u32 s1, s0  }
0xbd: {  	s0 =	sadd.s32 $0x8F2B, s0  }
0xbe: {  	[sflag:s0] =	ssyncadd.remote.s32 $0x1  }
0xbf: {  	_ =	sfence.sel $0xFFFF  }
0xc0: {  	[dreg:$0x0] =	wrdreg $0xFFFFFFFF;
	(pc) =	sbr.abs _section_cstart, $3  }
0xc1: {  	[dreg:$0x1] =	wrdreg $0xFFFFFFFF  }
0xc2: {  	_ =	task.clear_ibuf [dreg:s7], $0x2FFFF;
	_ =	strace $0x9FFFFFFF  }
0xc3: {  	(tm) =	ssettm $0x7FFFFFFF  }
tec
execute0_lowered:
.L_overlay_start_1:
0x0: {  	(tag) =	ssettag $0x1  }
0x1: {  	s0 =	rddreg [dreg:$0x0]  }
0x2: {  	s1 =	rddreg [dreg:$0x1]  }
0x3: {  	s2 =	rddreg [dreg:$0x2]  }
0x4: {  	s10 =	stileid.u32;
	s5 =	simm.s32 $0x0;
	s22 =	srdreg.scid  }
0x5: {  	s16 =	simm.s32 $0x1;
	s17 =	simm.s32 $0x5000;
	s18 =	simm.s32 $0x7A80  }
0x6: {  	s30 =	simm.s32 $0xAD00;
	s20 =	simm.s32 $0x3;
	s31 =	simm.s32 $0xB500  }
0x7: {  	s21 =	simm.s32 $0xA500;
	s28 =	simm.s32 $0xDD00;
	s3 =	sshrl.u32 s10, $0x3  }
0x8: {  	s4 =	sshll.u32 s10, $0x7;
	[smem:$0x7FF] =	sst s5;
	s9 =	smul.u32 $0x15000, s10  }
0x9: {  	s5 =	sand.u32 $0x1, s22;
	s26 =	smul.u32 $0x5400, s10;
	s22 =	simm.s32 $0x5  }
0xa: {  	s3 =	smul.u32 $0x14000, s3;
	s4 =	sand.u32 $0x380, s4;
	_ =	strace $0x80000047  }
0xb: {  	s6 =	ssub.s32 $0x2, s5;
	s24 =	smul.u32 $0x150000, s5;
	[dreg:$0x4] =	wrdreg s30  }
0xc: {  	s5 =	smul.u32 $0x9C40, s5;
	[dreg:$0x5] =	wrdreg s31;
	s8 =	sshrl.u32 s6, $0x1  }
0xd: {  	s25 =	sshrl.u32 s9, $0x2;
	s3 =	sor.u32 s4, s3;
	s4 =	sadd.s32 $0x7C00, s0  }
0xe: {  	s23 =	ssub.s32 s6, s8;
	s29 =	sadd.s32 s24, s26;
	s3 =	sshrl.u32 s3, $0x3  }
0xf: {  	[dreg:$0xa] =	wrdreg s29;
	s7 =	sadd.s32 s3, s0;
	s0 =	sadd.s32 $0x140400, s0  }
0x10: {  	s8 =	sadd.s32 s25, s2;
	s1 =	sadd.s32 s1, s3;
	[dreg:$0x6] =	wrdreg s0  }
0x11: {  	s24 =	simm.s32 $0xC500;
	[dreg:$0x7] =	wrdreg s1;
	s7 =	sadd.s32 $0x2C00, s7  }
0x12: {  	s25 =	simm.s32 $0xCD00;
	s1 =	sadd.s32 $0x4000, s8;
	[dreg:$0x8] =	wrdreg s7  }
0x13: {  	v1 =	vimm.f32 $0.0e+00;
	v2 =	vimm.s32 $0x0;
	v3 =	vlaneseq.u32;
	s26 =	simm.s32 $0xD500;
	s0 =	smax.u32 s23, $0x1;
	[dreg:$0x9] =	wrdreg s1  }
0x14: {  	v4 =	vimm.s32 $0xA28;
	vm0 =	vmmov $0xffff;
	v0 =	vmov s5;
	s23 =	simm.s32 $0xBD00;
	[dreg:$0xb] =	wrdreg s0;
	s1 =	simm.s32 $0x0  }
.LBB2_1:
0x15: {  	[dreg:$0xc] =	wrdreg s1  }
0x16: {  	s0 =	simm.s32 $0x0;
	s29 =	rddreg [dreg:$0x7]  }
0x17: {  	s3 =	simm.s32 $0x80;
	s5 =	simm.s32 $0x400;
	s30 =	simm.s32 $0x4  }
0x18: {  	[tilespmem:s0], [sflag:$0x4] =	stream.strided.gather [hbm4b:s29+s3], $0x2800, s5, s3, $0x38;
	[tilespmem:$0x1B900] =	vst v63  }
0x19: {  	_ =	swait.ge [sflag:s30], $0x2800  }
0x1a: {  	[sflag:s30] =	ssyncset.done $0x0  }
0x1b: {  	s6 =	simm.s32 $0x2800;
	s31 =	rddreg [dreg:$0x8];
	[sflag:s30] =	ssyncadd.s32 $0xFFFFD800  }
0x1c: {  	[tilespmem:s6], [sflag:$0x4] =	stream.strided.gather [hbm4b:s31+s3], $0x2800, s5, s3, $0x38;
	[tilespmem:$0x1B900] =	vst v63  }
0x1d: {  	_ =	swait.ge [sflag:s30], $0x2800  }
0x1e: {  	[sflag:s30] =	ssyncset.done $0x0  }
0x1f: {  	s1 =	simm.s32 $0x200;
	s0 =	simm.s32 $0x0;
	[sflag:s30] =	ssyncadd.s32 $0xFFFFD800  }
.LBB2_2:
0x20: {  	p0 =	sne.s32 s1, $0xFE00;
	[tilespmem:s0+$0x12570] =	vst v1  }
0x21: {  	[tilespmem:s0+$0x12500] =	vst v1  }
0x22: {  	[tilespmem:s0+$0x12510] =	vst v1  }
.Ltmp0:
0x23: {  	[tilespmem:s0+$0x12520] =	vst v1;
	(pc) =	sbr.rel @p0 .LBB2_2-.Ltmp0, $4  }
0x24: {  	[tilespmem:s0+$0x12530] =	vst v1  }
0x25: {  	[tilespmem:s0+$0x12540] =	vst v1  }
0x26: {  	[tilespmem:s0+$0x12550] =	vst v1  }
0x27: {  	[tilespmem:s0+$0x12560] =	vst v1;
	s0 =	sshra.s32 s1, $0x2;
	s1 =	sadd.s32 $0x200, s1  }
0x28: {  	[tilespmem:s0+$0x12570] =	vst v1  }
0x29: {  	[tilespmem:s0+$0x12500] =	vst v1  }
0x2a: {  	[tilespmem:s0+$0x12510] =	vst v1  }
0x2b: {  	[tilespmem:s0+$0x12520] =	vst v1  }
0x2c: {  	[tilespmem:s0+$0x12530] =	vst v1  }
0x2d: {  	[tilespmem:s0+$0x12540] =	vst v1  }
0x2e: {  	[tilespmem:s0+$0x12550] =	vst v1  }
0x2f: {  	[tilespmem:s0+$0x12560] =	vst v1;
	s15 =	simm.s32 $0x0  }
0x30: {  	v5 =	vld [tilespmem:s15+$0x2800];
	_ =	sdelay $0x4  }
0x31: {  	s19 =	simm.s32 $0x10;
	v6 =	vadd.s32 $0xFFFFEBB0, v5  }
0x32: {  	v7 =	vld [tilespmem:s19+$0x2800];
	vm1 =	vlt.u32 v6, $0xA28  }
0x33: {  	v6 =	vsel vm1, $0x1, v2  }
0x34: {  	(xrf0) =	vadd.scan.msk.s32 $0xffff, v6;
	v6 =	vadd.s32 $0xFFFFF5D8, v5  }
0x35: {  	vm1 =	vlt.u32 v6, $0xA28  }
0x36: {  	v6 =	vsel vm1, $0x1, v2;
	vm1 =	vlt.u32 v5, $0xA28;
	v5 =	vadd.s32 $0xFFFFE188, v5  }
0x37: {  	v8 =	vsel vm1, $0x1, v2;
	(xrf0) =	vadd.scan.msk.s32 $0xffff, v6;
	vm1 =	vlt.u32 v5, $0x898;
	v5 =	vadd.s32 $0xFFFFEBB0, v7  }
0x38: {  	s29 =	simm.s32 $0x20  }
0x39: {  	v6 =	vld [tilespmem:s29+$0x2800];
	(xrf0) =	vadd.scan.msk.s32 $0xffff, v8;
	v8 =	vsel vm1, $0x1, v2;
	vm1 =	vlt.u32 v5, $0xA28  }
0x3a: {  	v9 =	vadd.s32 $0xFFFFF5D8, v7;
	v5, _, _ =	vpop (xrf0);
	(xrf0) =	vadd.scan.msk.s32 $0xffff, v8;
	v8 =	vsel vm1, $0x1, v2  }
0x3b: {  	v56 =	vadd.s32 $0xFFFFE188, v7;
	vm2 =	vlt.u32 v9, $0xA28;
	vm1 =	vlt.u32 v7, $0xA28  }
0x3c: {  	(v2sf) =	vpush v5, $0xF;
	v5 =	vsel vm2, $0x1, v2;
	(xrf0) =	vadd.scan.msk.s32 $0xffff, v8;
	vm2 =	vlt.u32 v56, $0x898  }
0x3d: {  	v7 =	vsel vm1, $0x1, v2;
	(xrf0) =	vadd.scan.msk.s32 $0xffff, v5;
	v5 =	vsel vm2, $0x1, v2;
	v8, _, _ =	vpop (xrf0)  }
0x3e: {  	s30 =	simm.s32 $0x30;
	(xrf0) =	vadd.scan.msk.s32 $0xffff, v7;
	v7 =	vadd.s32 $0xFFFFEBB0, v6;
	(v2sf) =	vpush v8, $0xF;
	v8 =	vadd.s32 $0xFFFFF5D8, v6  }
0x3f: {  	v57, _, _ =	vpop (xrf0);
	(xrf0) =	vadd.scan.msk.s32 $0xffff, v5;
	vm1 =	vlt.u32 v7, $0xA28;
	v5 =	vld [tilespmem:s30+$0x2800]  }
0x40: {  	vm2 =	vlt.u32 v8, $0xA28;
	v7 =	vsel vm1, $0x1, v2  }
0x41: {  	v10 =	vadd.s32 $0xFFFFE188, v6;
	vm1 =	vlt.u32 v6, $0xA28;
	v58 =	vsel vm2, $0x1, v2;
	v8, _, _ =	vpop (xrf0);
	(xrf0) =	vadd.scan.msk.s32 $0xffff, v7  }
0x42: {  	(v2sf) =	vpush v57, $0xF;
	vm2 =	vlt.u32 v10, $0x898;
	v7 =	vsel vm1, $0x1, v2;
	v6, _, _ =	vpop (xrf0);
	(xrf0) =	vadd.scan.msk.s32 $0xffff, v58  }
0x43: {  	(v2sf) =	vpush v8, $0xF;
	v8 =	vsel vm2, $0x1, v2;
	v59, _, _ =	vpop (xrf0);
	(xrf0) =	vadd.scan.msk.s32 $0xffff, v7  }
0x44: {  	(v2sf) =	vpush v6, $0xF;
	v7 =	vadd.s32 $0xFFFFF5D8, v5;
	v6, _, _ =	vpop (xrf0);
	(xrf0) =	vadd.scan.msk.s32 $0xffff, v8  }
0x45: {  	(v2sf) =	vpush v59, $0xF;
	v8 =	vadd.s32 $0xFFFFEBB0, v5;
	vm1 =	vlt.u32 v7, $0xA28  }
0x46: {  	(v2sf) =	vpush v6, $0xF;
	v60, _, _ =	vpop (xrf0);
	vm2 =	vlt.u32 v8, $0xA28;
	v7 =	vsel vm1, $0x1, v2  }
0x47: {  	(v2sf) =	vpush v60, $0xF;
	v8 =	vsel vm2, $0x1, v2;
	v62, _, _ =	vpop (xrf0)  }
0x48: {  	v61 =	vadd.s32 $0xFFFFE188, v5;
	vm1 =	vlt.u32 v5, $0xA28;
	(xrf0) =	vadd.scan.msk.s32 $0xffff, v8;
	(v2sf) =	vpush v62, $0xF;
	v5, _, _ =	vpop (xrf0)  }
0x49: {  	(xrf0) =	vadd.scan.msk.s32 $0xffff, v7;
	v7, _, _ =	vpop (xrf0);
	(v2sf) =	vpush v5, $0xF  }
0x4a: {  	(v2sf) =	vpush v7, $0xF;
	v7, _, _ =	vpop (xrf0)  }
0x4b: {  	s7 =	spop (v2sf);
	(v2sf) =	vpush v7, $0xF  }
0x4c: {  	s31 =	simm.s32 $0x40  }
0x4d: {  	v6 =	vld [tilespmem:s31+$0x2800];
	_ =	sdelay $0x3  }
0x4e: {  	vm2 =	vlt.u32 v61, $0x898;
	v8 =	vsel vm1, $0x1, v2  }
0x4f: {  	s0 =	simm.s32 $0x0;
	s1 =	simm.s32 $0x180;
	s3 =	simm.s32 $0x50;
	v9 =	vsel vm2, $0x1, v2;
	(xrf0) =	vadd.scan.msk.s32 $0xffff, v8;
	v8 =	vadd.s32 $0xFFFFF5D8, v6;
	v63 =	vadd.s32 $0xFFFFEBB0, v6  }
0x50: {  	s6 =	simm.s32 $0x0;
	s15 =	simm.s32 $0x0;
	v5 =	vld [tilespmem:s3+$0x2800];
	s3 =	simm.s32 $0x0;
	(xrf0) =	vadd.scan.msk.s32 $0xffff, v9;
	vm1 =	vlt.u32 v8, $0xA28;
	vm2 =	vlt.u32 v63, $0xA28  }
.LBB2_4:
0x51: {  	p0 =	sne.s32 s1, $0x9FC0  }
0x52: {  	v10 =	vsel vm1, $0x1, v2;
	v8 =	vsel vm2, $0x1, v2;
	v9 =	vadd.s32 $0xFFFFE188, v6;
	s5 =	spop (v2sf);
	s9 =	smov.u32 s1;
	s1 =	sadd.s32 $0x40, s1  }
.Ltmp1:
0x53: {  	vm1 =	vlt.u32 v6, $0xA28;
	vm2 =	vlt.u32 v9, $0x898;
	(xrf0) =	vadd.scan.msk.s32 $0xffff, v8;
	v6, _, _ =	vpop (xrf0);
	s0 =	sadd.s32 s0, s5;
	s5 =	spop (v2sf);
	(pc) =	sbr.rel @p0 .LBB2_4-.Ltmp1, $4  }
0x54: {  	s3 =	sadd.s32 s3, s7;
	v8 =	vsel vm1, $0x1, v2;
	v9 =	vsel vm2, $0x1, v2;
	(xrf0) =	vadd.scan.msk.s32 $0xffff, v10;
	v7, _, _ =	vpop (xrf0);
	(v2sf) =	vpush v6, $0xF;
	s15 =	sadd.s32 s15, s5;
	s5 =	spop (v2sf)  }
0x55: {  	(xrf0) =	vadd.scan.msk.s32 $0xffff, v8;
	v6, _, _ =	vpop (xrf0);
	(v2sf) =	vpush v7, $0xF;
	s6 =	sadd.s32 s6, s5  }
0x56: {  	s5 =	sshra.s32 s9, $0x2;
	v7 =	vadd.s32 $0xFFFFF5D8, v5;
	v8 =	vadd.s32 $0xFFFFEBB0, v5;
	(xrf0) =	vadd.scan.msk.s32 $0xffff, v9;
	(v2sf) =	vpush v6, $0xF;
	v6, _, _ =	vpop (xrf0)  }
0x57: {  	vm1 =	vlt.u32 v7, $0xA28;
	vm2 =	vlt.u32 v8, $0xA28;
	(v2sf) =	vpush v6, $0xF;
	s7 =	spop (v2sf);
	v6 =	vmovc v5;
	v5 =	vld [tilespmem:s5+$0x2800]  }
0x58: {  	_ =	sdelay $0x1  }
0x59: {  	v7 =	vsel vm2, $0x1, v2  }
0x5a: {  	v8 =	vsel vm1, $0x1, v2;
	vm1 =	vlt.u32 v6, $0xA28;
	(xrf0) =	vadd.scan.msk.s32 $0xffff, v7  }
0x5b: {  	v9 =	vadd.s32 $0xFFFFE188, v6;
	v6 =	vsel vm1, $0x1, v2;
	(xrf0) =	vadd.scan.msk.s32 $0xffff, v8;
	v7 =	vadd.s32 $0xFFFFEBB0, v5  }
0x5c: {  	vm2 =	vlt.u32 v9, $0x898;
	v50, _, _ =	vpop (xrf0);
	(xrf0) =	vadd.scan.msk.s32 $0xffff, v6;
	v6 =	vadd.s32 $0xFFFFF5D8, v5;
	vm1 =	vlt.u32 v7, $0xA28  }
0x5d: {  	v9 =	vsel vm2, $0x1, v2;
	vm2 =	vlt.u32 v6, $0xA28;
	v6 =	vsel vm1, $0x1, v2  }
0x5e: {  	(v2sf) =	vpush v50, $0xF;
	v7, _, _ =	vpop (xrf0);
	(xrf0) =	vadd.scan.msk.s32 $0xffff, v9  }
0x5f: {  	vm1 =	vlt.u32 v5, $0xA28;
	v51, _, _ =	vpop (xrf0);
	(v2sf) =	vpush v7, $0xF;
	v7 =	vsel vm2, $0x1, v2;
	(xrf0) =	vadd.scan.msk.s32 $0xffff, v6  }
0x60: {  	v52 =	vsel vm1, $0x1, v2;
	(v2sf) =	vpush v51, $0xF;
	v6, _, _ =	vpop (xrf0);
	(xrf0) =	vadd.scan.msk.s32 $0xffff, v7  }
0x61: {  	(v2sf) =	vpush v6, $0xF;
	v6, _, _ =	vpop (xrf0);
	(xrf0) =	vadd.scan.msk.s32 $0xffff, v52  }
0x62: {  	s11 =	spop (v2sf);
	v7, _, _ =	vpop (xrf0);
	(v2sf) =	vpush v6, $0xF  }
0x63: {  	s10 =	spop (v2sf);
	v6, _, _ =	vpop (xrf0);
	(v2sf) =	vpush v7, $0xF  }
0x64: {  	s1 =	spop (v2sf);
	(v2sf) =	vpush v6, $0xF;
	v6, _, _ =	vpop (xrf0)  }
0x65: {  	s29 =	spop (v2sf);
	(v2sf) =	vpush v6, $0xF;
	v6, _, _ =	vpop (xrf0)  }
0x66: {  	s12 =	spop (v2sf);
	v7, _, _ =	vpop (xrf0);
	(v2sf) =	vpush v6, $0xF  }
0x67: {  	s19 =	spop (v2sf);
	v6, _, _ =	vpop (xrf0);
	(v2sf) =	vpush v7, $0xF  }
0x68: {  	s14 =	spop (v2sf);
	(v2sf) =	vpush v6, $0xF  }
0x69: {  	s13 =	spop (v2sf)  }
0x6a: {  	s31 =	spop (v2sf)  }
0x6b: {  	s30 =	spop (v2sf)  }
0x6c: {  	s5 =	spop (v2sf)  }
0x6d: {  	s9 =	spop (v2sf)  }
0x6e: {  	[dreg:$0x10] =	wrdreg s5;
	s5 =	spop (v2sf)  }
0x6f: {  	[dreg:$0xd] =	wrdreg s1;
	s1 =	spop (v2sf)  }
0x70: {  	[dreg:$0x12] =	wrdreg s9;
	s9 =	spop (v2sf)  }
0x71: {  	[dreg:$0xe] =	wrdreg s14;
	s14 =	spop (v2sf)  }
0x72: {  	[dreg:$0xf] =	wrdreg s9;
	s9 =	spop (v2sf)  }
0x73: {  	s10 =	sadd.s32 s15, s10;
	s15 =	spop (v2sf)  }
0x74: {  	s10 =	sadd.s32 s10, s19;
	[dreg:$0x11] =	wrdreg s14;
	s14 =	spop (v2sf)  }
0x75: {  	s19 =	sadd.s32 s10, s30;
	s10 =	spop (v2sf)  }
0x76: {  	s1 =	sadd.s32 s19, s1;
	s19 =	spop (v2sf)  }
0x77: {  	s1 =	sadd.s32 s1, s15;
	s15 =	spop (v2sf)  }
0x78: {  	s30 =	sadd.s32 s1, s15  }
0x79: {  	v6 =	vadd.s32 s30, v3  }
0x7a: {  	s1 =	sadd.s32 $0x10, s30  }
0x7b: {  	v7 =	vadd.s32 s1, v3  }
0x7c: {  	s15 =	sadd.s32 $0x20, s30  }
0x7d: {  	v53 =	vadd.s32 s15, v3  }
0x7e: {  	s1 =	sadd.s32 $0x30, s30;
	[tilespmem:v6+s17+$0x0] =	vst.idx.msk $0xffff, v0  }
0x7f: {  	s0 =	sadd.s32 s0, s11;
	[tilespmem:v6+s18+$0x0] =	vst.idx.msk $0xffff, v4;
	v6 =	vadd.s32 s1, v3  }
0x80: {  	s0 =	sadd.s32 s0, s12;
	s11 =	sadd.s32 $0x40, s30;
	s15 =	sadd.s32 $0x7F, s30;
	[tilespmem:v7+s17+$0x0] =	vst.idx.msk $0xffff, v0  }
0x81: {  	s0 =	sadd.s32 s0, s31;
	v54 =	vadd.s32 s11, v3;
	s12 =	sand.u32 $0x7F, s15;
	p0 =	slt.s32 s15, $0x1;
	[tilespmem:v7+s18+$0x0] =	vst.idx.msk $0xffff, v4  }
0x82: {  	p1 =	sne.s32 s12, $0x0;
	s12 =	sadd.s32 $0x50, s30;
	s1 =	sshra.s32 s15, $0x1F;
	[tilespmem:v53+s17+$0x0] =	vst.idx.msk $0xffff, v0  }
0x83: {  	s11 =	simm.s32 $0x1;
	p0 =	por !p0, !p1;
	s1 =	sshrl.u32 s1, $0x19;
	v7 =	vadd.s32 s12, v3;
	[tilespmem:v53+s18+$0x0] =	vst.idx.msk $0xffff, v4  }
0x84: {  	p0 =	por !p0, !p0;
	s1 =	sadd.s32 s1, s15;
	s15 =	sadd.s32 $0x60, s30;
	[tilespmem:v6+s17+$0x0] =	vst.idx.msk $0xffff, v0  }
0x85: {  	s0 =	sadd.s32 s0, s5;
	s11 =	simm.s32 @!p0 $0x0;
	v55 =	vadd.s32 s15, v3;
	s1 =	sshra.s32 s1, $0x7;
	[tilespmem:v6+s18+$0x0] =	vst.idx.msk $0xffff, v4  }
0x86: {  	s0 =	sadd.s32 s0, s9;
	s15 =	sadd.s32 $0x70, s30;
	s1 =	ssub.s32 s1, s11;
	[tilespmem:v54+s17+$0x0] =	vst.idx.msk $0xffff, v0  }
0x87: {  	s31 =	sadd.s32 s0, s19;
	s12 =	sshll.u32 s1, $0x7;
	v6 =	vadd.s32 s15, v3;
	[tilespmem:v54+s18+$0x0] =	vst.idx.msk $0xffff, v4  }
0x88: {  	s0 =	sadd.s32 s31, s12;
	[tilespmem:v7+s17+$0x0] =	vst.idx.msk $0xffff, v0  }
0x89: {  	[tilespmem:v7+s18+$0x0] =	vst.idx.msk $0xffff, v4;
	v7 =	vadd.s32 s0, v3  }
0x8a: {  	s19 =	sadd.s32 $0x10, s0;
	[tilespmem:v55+s17+$0x0] =	vst.idx.msk $0xffff, v0  }
0x8b: {  	v56 =	vadd.s32 s19, v3;
	[tilespmem:v55+s18+$0x0] =	vst.idx.msk $0xffff, v4  }
0x8c: {  	s9 =	sadd.s32 $0x20, s0;
	[tilespmem:v6+s17+$0x0] =	vst.idx.msk $0xffff, v0  }
0x8d: {  	s3 =	sadd.s32 s3, s7;
	v5 =	vadd.s32 $0xFFFFE188, v5;
	v57 =	vadd.s32 s9, v3;
	[tilespmem:v6+s18+$0x0] =	vst.idx.msk $0xffff, v4  }
0x8e: {  	s3 =	sadd.s32 s3, s29;
	vm1 =	vlt.u32 v5, $0x898;
	s7 =	sadd.s32 $0x7F, s31;
	s11 =	sadd.s32 $0x30, s0;
	[tilespmem:v7+s17+$0x0] =	vst.idx.msk $0xffff, v0  }
0x8f: {  	v5 =	vsel vm1, $0x1, v2;
	s3 =	sadd.s32 s3, s13;
	s13 =	sand.u32 $0x7F, s7;
	v6 =	vadd.s32 s11, v3;
	[tilespmem:v7+s18+$0x0] =	vst.idx.msk $0xffff, v4  }
0x90: {  	(xrf0) =	vadd.scan.msk.s32 $0xffff, v5;
	p4 =	slt.s32 s7, $0x1;
	p3 =	sne.s32 s13, $0x0;
	s15 =	sadd.s32 $0x40, s0;
	[tilespmem:v56+s17+$0x0] =	vst.idx.msk $0xffff, v0  }
0x91: {  	p0 =	por !p4, !p3;
	s19 =	sshra.s32 s7, $0x1F;
	v5 =	vadd.s32 s15, v3;
	[tilespmem:v56+s18+$0x0] =	vst.idx.msk $0xffff, v4  }
0x92: {  	p0 =	por !p0, !p0;
	s5 =	sshrl.u32 s19, $0x19;
	s11 =	sadd.s32 $0x50, s0;
	[tilespmem:v57+s17+$0x0] =	vst.idx.msk $0xffff, v0  }
0x93: {  	s13 =	sadd.s32 $0x60, s0;
	s5 =	sadd.s32 s5, s7;
	s7 =	simm.s32 $0x1;
	v7 =	vadd.s32 s11, v3;
	[tilespmem:v57+s18+$0x0] =	vst.idx.msk $0xffff, v4  }
0x94: {  	s15 =	rddreg [dreg:$0x12];
	s5 =	sshra.s32 s5, $0x7;
	s7 =	simm.s32 @!p0 $0x0;
	[tilespmem:v6+s17+$0x0] =	vst.idx.msk $0xffff, v0  }
0x95: {  	v58 =	vadd.s32 s13, v3;
	s3 =	sadd.s32 s3, s15;
	s19 =	rddreg [dreg:$0x11];
	s5 =	ssub.s32 s5, s7;
	[tilespmem:v6+s18+$0x0] =	vst.idx.msk $0xffff, v4  }
0x96: {  	s3 =	sadd.s32 s3, s19;
	s1 =	sadd.s32 s1, s5;
	s0 =	sadd.s32 $0x70, s0;
	v6, _, _ =	vpop (xrf0);
	[tilespmem:v5+s17+$0x0] =	vst.idx.msk $0xffff, v0  }
0x97: {  	s3 =	sadd.s32 s3, s10;
	s15 =	sshll.u32 s1, $0x7;
	(v2sf) =	vpush v6, $0xF;
	[tilespmem:v5+s18+$0x0] =	vst.idx.msk $0xffff, v4;
	v5 =	vadd.s32 s0, v3  }
0x98: {  	s0 =	sadd.s32 s3, s15;
	[tilespmem:v7+s17+$0x0] =	vst.idx.msk $0xffff, v0  }
0x99: {  	v6 =	vadd.s32 s0, v3;
	[tilespmem:v7+s18+$0x0] =	vst.idx.msk $0xffff, v4  }
0x9a: {  	s9 =	sadd.s32 $0x10, s0;
	[tilespmem:v58+s17+$0x0] =	vst.idx.msk $0xffff, v0  }
0x9b: {  	v7 =	vadd.s32 s9, v3;
	[tilespmem:v58+s18+$0x0] =	vst.idx.msk $0xffff, v4  }
0x9c: {  	s13 =	rddreg [dreg:$0xe];
	s10 =	sadd.s32 $0x20, s0;
	[tilespmem:v5+s17+$0x0] =	vst.idx.msk $0xffff, v0  }
0x9d: {  	s7 =	sadd.s32 $0x7F, s3;
	s11 =	rddreg [dreg:$0xd];
	[tilespmem:v5+s18+$0x0] =	vst.idx.msk $0xffff, v4;
	v5 =	vadd.s32 s10, v3  }
0x9e: {  	s6 =	sadd.s32 s6, s11;
	s11 =	sand.u32 $0x7F, s7;
	s19 =	sadd.s32 $0x30, s0;
	[tilespmem:v6+s17+$0x0] =	vst.idx.msk $0xffff, v0  }
0x9f: {  	p5 =	slt.s32 s7, $0x1;
	s5 =	sadd.s32 s6, s13;
	p6 =	sne.s32 s11, $0x0;
	[tilespmem:v6+s18+$0x0] =	vst.idx.msk $0xffff, v4;
	v6 =	vadd.s32 s19, v3  }
0xa0: {  	p0 =	por !p5, !p6;
	s13 =	sadd.s32 $0x40, s0;
	s9 =	rddreg [dreg:$0x10];
	[tilespmem:v7+s17+$0x0] =	vst.idx.msk $0xffff, v0  }
0xa1: {  	s5 =	sadd.s32 s5, s9;
	s10 =	rddreg [dreg:$0xf];
	s19 =	sshra.s32 s7, $0x1F;
	[tilespmem:v7+s18+$0x0] =	vst.idx.msk $0xffff, v4;
	v7 =	vadd.s32 s13, v3  }
0xa2: {  	s11 =	sadd.s32 $0x50, s0;
	s5 =	sadd.s32 s5, s10;
	s10 =	sshrl.u32 s19, $0x19;
	[tilespmem:v5+s17+$0x0] =	vst.idx.msk $0xffff, v0  }
0xa3: {  	p0 =	por !p0, !p0;
	s6 =	sadd.s32 s10, s7;
	s7 =	simm.s32 $0x1;
	[tilespmem:v5+s18+$0x0] =	vst.idx.msk $0xffff, v4;
	v5 =	vadd.s32 s11, v3  }
0xa4: {  	s13 =	sadd.s32 $0x60, s0;
	s6 =	sshrl.u32 s6, $0x7;
	s7 =	simm.s32 @!p0 $0x0;
	[tilespmem:v6+s17+$0x0] =	vst.idx.msk $0xffff, v0  }
0xa5: {  	s5 =	sadd.s32 s5, s14;
	s6 =	ssub.s32 s6, s7;
	[tilespmem:v6+s18+$0x0] =	vst.idx.msk $0xffff, v4;
	v6 =	vadd.s32 s13, v3  }
0xa6: {  	s0 =	sadd.s32 $0x70, s0;
	s1 =	sadd.s32 s1, s6;
	s19 =	spop (v2sf);
	[tilespmem:v7+s17+$0x0] =	vst.idx.msk $0xffff, v0  }
0xa7: {  	s6 =	sshll.u32 s1, $0x7;
	s13 =	sadd.s32 s5, s19;
	[tilespmem:v7+s18+$0x0] =	vst.idx.msk $0xffff, v4;
	v7 =	vadd.s32 s0, v3  }
0xa8: {  	s7 =	sadd.s32 s13, s6;
	[tilespmem:v5+s17+$0x0] =	vst.idx.msk $0xffff, v0  }
0xa9: {  	[tilespmem:v5+s18+$0x0] =	vst.idx.msk $0xffff, v4;
	v5 =	vadd.s32 s7, v3  }
0xaa: {  	s9 =	sadd.s32 $0x10, s7;
	[tilespmem:v6+s17+$0x0] =	vst.idx.msk $0xffff, v0  }
0xab: {  	[tilespmem:v6+s18+$0x0] =	vst.idx.msk $0xffff, v4;
	v6 =	vadd.s32 s9, v3  }
0xac: {  	s10 =	sadd.s32 $0x20, s7;
	[tilespmem:v7+s17+$0x0] =	vst.idx.msk $0xffff, v0  }
0xad: {  	[tilespmem:v7+s18+$0x0] =	vst.idx.msk $0xffff, v4;
	v7 =	vadd.s32 s10, v3  }
0xae: {  	s11 =	sadd.s32 $0x30, s7;
	[tilespmem:v5+s17+$0x0] =	vst.idx.msk $0xffff, v0  }
0xaf: {  	[tilespmem:v5+s18+$0x0] =	vst.idx.msk $0xffff, v4;
	v5 =	vadd.s32 s11, v3  }
0xb0: {  	s14 =	sadd.s32 $0x40, s7;
	[tilespmem:v6+s17+$0x0] =	vst.idx.msk $0xffff, v0  }
0xb1: {  	[tilespmem:v6+s18+$0x0] =	vst.idx.msk $0xffff, v4;
	v6 =	vadd.s32 s14, v3  }
0xb2: {  	s19 =	sadd.s32 $0x50, s7;
	[tilespmem:v7+s17+$0x0] =	vst.idx.msk $0xffff, v0  }
0xb3: {  	[tilespmem:v7+s18+$0x0] =	vst.idx.msk $0xffff, v4;
	v7 =	vadd.s32 s19, v3  }
0xb4: {  	s5 =	sadd.s32 $0x60, s7;
	[tilespmem:v5+s17+$0x0] =	vst.idx.msk $0xffff, v0  }
0xb5: {  	[tilespmem:v5+s18+$0x0] =	vst.idx.msk $0xffff, v4;
	v5 =	vadd.s32 s5, v3  }
0xb6: {  	s0 =	sadd.s32 $0x70, s7;
	[tilespmem:v6+s17+$0x0] =	vst.idx.msk $0xffff, v0  }
0xb7: {  	[tilespmem:v6+s18+$0x0] =	vst.idx.msk $0xffff, v4;
	v6 =	vadd.s32 s0, v3  }
0xb8: {  	[tilespmem:v7+s17+$0x0] =	vst.idx.msk $0xffff, v0  }
0xb9: {  	[tilespmem:v7+s18+$0x0] =	vst.idx.msk $0xffff, v4  }
0xba: {  	[tilespmem:v5+s17+$0x0] =	vst.idx.msk $0xffff, v0  }
0xbb: {  	[tilespmem:v5+s18+$0x0] =	vst.idx.msk $0xffff, v4  }
0xbc: {  	[tilespmem:v6+s17+$0x0] =	vst.idx.msk $0xffff, v0  }
0xbd: {  	s7 =	simm.s32 $0x0;
	[tilespmem:v6+s18+$0x0] =	vst.idx.msk $0xffff, v4  }
0xbe: {  	v5 =	vld [tilespmem:s7+$0x2800];
	_ =	sdelay $0x4  }
0xbf: {  	vm1 =	vlt.u32 v5, $0xA28  }
0xc0: {  	v7 =	vsel vm1, $0x1, v2  }
0xc1: {  	(xrf0) =	vadd.scan.msk.s32 $0xffff, v7;
	_ =	sdelay $0x5  }
0xc2: {  	v62, _, _ =	vpop (xrf0)  }
0xc3: {  	(v2sf) =	vpush v62, $0xF;
	_ =	sdelay $0x1  }
0xc4: {  	v6 =	vadd.s32 $0xFFFFF5D8, v5  }
0xc5: {  	vm2 =	vlt.u32 v6, $0xA28  }
0xc6: {  	v59 =	vsel vm2, $0x1, v2;
	v7 =	vadd.s32 $0xFFFFEBB0, v5  }
0xc7: {  	v60 =	vadd.s32 $0xFFFFE188, v5;
	(xrf0) =	vadd.scan.msk.s32 $0xffff, v59;
	vm3 =	vlt.u32 v7, $0xA28  }
0xc8: {  	vm4 =	vlt.u32 v60, $0x898;
	v61 =	vsel vm3, $0x1, v2  }
0xc9: {  	v10 =	vsel vm4, $0x1, v2;
	(xrf0) =	vadd.scan.msk.s32 $0xffff, v61  }
0xca: {  	(xrf0) =	vadd.scan.msk.s32 $0xffff, v10;
	_ =	sdelay $0x2  }
0xcb: {  	s9 =	simm.s32 $0xFFFFFFFF;
	v11, _, _ =	vpop (xrf0)  }
0xcc: {  	v63 =	vld [tilespmem:s7+$0x0];
	v9 =	vadd.s32 s9, v62;
	(v2sf) =	vpush v11, $0xF  }
0xcd: {  	s10 =	sadd.s32 $0xFFFFFFFF, s12;
	v9 =	vnsel vm1, $0x2A70, v9;
	v12, _, _ =	vpop (xrf0)  }
0xce: {  	v11 =	vadd.s32 s10, v11;
	(v2sf) =	vpush v12, $0xF;
	v14, _, _ =	vpop (xrf0)  }
0xcf: {  	s11 =	sadd.s32 $0xFFFFFFFF, s15;
	v11 =	vnsel vm2, $0x2A70, v11;
	s19 =	spop (v2sf);
	(v2sf) =	vpush v14, $0xF  }
0xd0: {  	v13 =	vadd.s32 s11, v12  }
0xd1: {  	s14 =	sadd.s32 $0xFFFFFFFF, s6;
	v10 =	vadd.s32 v0, v63;
	v13 =	vnsel vm3, $0x2A70, v13  }
0xd2: {  	v15 =	vadd.s32 s14, v14;
	[tilespmem:v9+s17+$0x0] =	vst.idx.msk $0xffff, v10  }
0xd3: {  	[tilespmem:v9+s18+$0x0] =	vst.idx.msk $0xffff, v5;
	v5 =	vnsel vm4, $0x2A70, v15  }
0xd4: {  	[tilespmem:v11+s17+$0x0] =	vst.idx.msk $0xffff, v10  }
0xd5: {  	[tilespmem:v11+s18+$0x0] =	vst.idx.msk $0xffff, v6  }
0xd6: {  	[tilespmem:v13+s17+$0x0] =	vst.idx.msk $0xffff, v10  }
0xd7: {  	[tilespmem:v13+s18+$0x0] =	vst.idx.msk $0xffff, v7  }
0xd8: {  	[tilespmem:v5+s17+$0x0] =	vst.idx.msk $0xffff, v10  }
0xd9: {  	s29 =	smov.u32 s15;
	s5 =	simm.s32 $0x10;
	[tilespmem:v5+s18+$0x0] =	vst.idx.msk $0xffff, v60  }
0xda: {  	s0 =	smov.u32 s12;
	s7 =	simm.s32 $0x0;
	s9 =	simm.s32 $0x80;
	v5 =	vld [tilespmem:s5+$0x2800]  }
0xdb: {  	s11 =	smov.u32 s6;
	s1 =	sadd.s32 $0x0, s19;
	s10 =	spop (v2sf)  }
.LBB2_6:
0xdc: {  	s0 =	sadd.s32 s0, s10  }
0xdd: {  	s14 =	spop (v2sf);
	s10 =	smov.u32 s9;
	s19 =	sadd.s32 $0x40, s9  }
0xde: {  	p0 =	sne.s32 s9, $0x9FC0;
	s29 =	sadd.s32 s29, s14;
	s9 =	spop (v2sf)  }
0xdf: {  	vm4 =	vlt.u32 v5, $0xA28;
	v6 =	vadd.s32 $0xFFFFF5D8, v5;
	v7 =	vadd.s32 $0xFFFFEBB0, v5;
	s11 =	sadd.s32 s11, s9  }
0xe0: {  	v9 =	vadd.s32 $0xFFFFE188, v5;
	v8 =	vsel vm4, $0x1, v2;
	vm3 =	vlt.u32 v6, $0xA28  }
0xe1: {  	vm2 =	vlt.u32 v7, $0xA28;
	vm1 =	vlt.u32 v9, $0x898;
	v10 =	vsel vm3, $0x1, v2;
	(xrf0) =	vadd.scan.msk.s32 $0xffff, v8  }
0xe2: {  	v8 =	vsel vm2, $0x1, v2;
	v11 =	vsel vm1, $0x1, v2;
	(xrf0) =	vadd.scan.msk.s32 $0xffff, v10  }
0xe3: {  	(xrf0) =	vadd.scan.msk.s32 $0xffff, v8  }
0xe4: {  	(xrf0) =	vadd.scan.msk.s32 $0xffff, v11;
	_ =	sdelay $0x2  }
0xe5: {  	s9 =	sadd.s32 $0xFFFFFFFF, s1;
	v8, _, _ =	vpop (xrf0)  }
0xe6: {  	v10 =	vld [tilespmem:s5+$0x0];
	v11 =	vadd.s32 s9, v8;
	s5 =	sadd.s32 $0xFFFFFFFF, s0;
	(v2sf) =	vpush v8, $0xF;
	v8, _, _ =	vpop (xrf0)  }
0xe7: {  	v11 =	vnsel vm4, $0x2A70, v11;
	v12 =	vadd.s32 s5, v8;
	s5 =	sadd.s32 $0xFFFFFFFF, s29;
	(v2sf) =	vpush v8, $0xF;
	v8, _, _ =	vpop (xrf0)  }
0xe8: {  	v13 =	vadd.s32 s5, v8;
	s5 =	sadd.s32 $0xFFFFFFFF, s11;
	(v2sf) =	vpush v8, $0xF;
	v8, _, _ =	vpop (xrf0)  }
0xe9: {  	v12 =	vnsel vm3, $0x2A70, v12;
	v14 =	vadd.s32 s5, v8;
	(v2sf) =	vpush v8, $0xF;
	_ =	sdelay $0x1  }
0xea: {  	v8 =	vadd.s32 v0, v10;
	v10 =	vnsel vm2, $0x2A70, v13  }
0xeb: {  	[tilespmem:v11+s17+$0x0] =	vst.idx.msk $0xffff, v8  }
0xec: {  	[tilespmem:v11+s18+$0x0] =	vst.idx.msk $0xffff, v5;
	v5 =	vnsel vm1, $0x2A70, v14  }
0xed: {  	[tilespmem:v12+s17+$0x0] =	vst.idx.msk $0xffff, v8  }
0xee: {  	[tilespmem:v12+s18+$0x0] =	vst.idx.msk $0xffff, v6  }
0xef: {  	[tilespmem:v10+s17+$0x0] =	vst.idx.msk $0xffff, v8  }
0xf0: {  	[tilespmem:v10+s18+$0x0] =	vst.idx.msk $0xffff, v7  }
.Ltmp2:
0xf1: {  	[tilespmem:v5+s17+$0x0] =	vst.idx.msk $0xffff, v8;
	(pc) =	sbr.rel @p0 .LBB2_6-.Ltmp2, $4  }
0xf2: {  	s5 =	sshra.s32 s10, $0x2;
	[tilespmem:v5+s18+$0x0] =	vst.idx.msk $0xffff, v9  }
0xf3: {  	v5 =	vld [tilespmem:s5+$0x2800]  }
0xf4: {  	s9 =	spop (v2sf)  }
0xf5: {  	s1 =	sadd.s32 s1, s9;
	s10 =	spop (v2sf);
	s9 =	smov.u32 s19  }
0xf6: {  	_ =	sdelay $0x1  }
0xf7: {  	vm2 =	vlt.u32 v5, $0xA28;
	v6 =	vadd.s32 $0xFFFFF5D8, v5  }
0xf8: {  	v7 =	vadd.s32 $0xFFFFEBB0, v5;
	v8 =	vsel vm2, $0x1, v2;
	vm3 =	vlt.u32 v6, $0xA28  }
0xf9: {  	v9 =	vadd.s32 $0xFFFFE188, v5;
	vm4 =	vlt.u32 v7, $0xA28;
	v10 =	vsel vm3, $0x1, v2;
	(xrf0) =	vadd.scan.msk.s32 $0xffff, v8  }
0xfa: {  	vm1 =	vlt.u32 v9, $0x898;
	v60 =	vsel vm4, $0x1, v2;
	(xrf0) =	vadd.scan.msk.s32 $0xffff, v10  }
0xfb: {  	v61 =	vsel vm1, $0x1, v2;
	(xrf0) =	vadd.scan.msk.s32 $0xffff, v60  }
0xfc: {  	(xrf0) =	vadd.scan.msk.s32 $0xffff, v61;
	_ =	sdelay $0x2  }
0xfd: {  	v62, _, _ =	vpop (xrf0)  }
0xfe: {  	(v2sf) =	vpush v62, $0xF;
	v63, _, _ =	vpop (xrf0)  }
0xff: {  	(v2sf) =	vpush v63, $0xF;
	v11, _, _ =	vpop (xrf0)  }
0x100: {  	(v2sf) =	vpush v11, $0xF;
	v12, _, _ =	vpop (xrf0)  }
0x101: {  	(v2sf) =	vpush v12, $0xF  }
0x102: {  	s1 =	sadd.s32 $0xFFFFFFFF, s1  }
0x103: {  	s0 =	sadd.s32 s0, s10;
	v13 =	vld [tilespmem:s5+$0x0];
	v8 =	vadd.s32 s1, v62  }
0x104: {  	s9 =	spop (v2sf);
	s0 =	sadd.s32 $0xFFFFFFFF, s0;
	v8 =	vnsel vm2, $0x2A70, v8  }
0x105: {  	s1 =	sadd.s32 s29, s9;
	v10 =	vadd.s32 s0, v63  }
0x106: {  	s10 =	spop (v2sf);
	s1 =	sadd.s32 $0xFFFFFFFF, s1;
	v10 =	vnsel vm3, $0x2A70, v10  }
0x107: {  	s0 =	sadd.s32 s11, s10;
	v11 =	vadd.s32 s1, v11  }
0x108: {  	v13 =	vadd.s32 v0, v13;
	s0 =	sadd.s32 $0xFFFFFFFF, s0;
	v11 =	vnsel vm4, $0x2A70, v11  }
0x109: {  	v12 =	vadd.s32 s0, v12;
	[tilespmem:v8+s17+$0x0] =	vst.idx.msk $0xffff, v13  }
0x10a: {  	[tilespmem:v8+s18+$0x0] =	vst.idx.msk $0xffff, v5;
	v5 =	vnsel vm1, $0x2A70, v12  }
0x10b: {  	[tilespmem:v10+s17+$0x0] =	vst.idx.msk $0xffff, v13  }
0x10c: {  	[tilespmem:v10+s18+$0x0] =	vst.idx.msk $0xffff, v6  }
0x10d: {  	[tilespmem:v11+s17+$0x0] =	vst.idx.msk $0xffff, v13;
	s11 =	spop (v2sf)  }
0x10e: {  	[tilespmem:v11+s18+$0x0] =	vst.idx.msk $0xffff, v7;
	s14 =	spop (v2sf)  }
0x10f: {  	[tilespmem:v5+s17+$0x0] =	vst.idx.msk $0xffff, v13;
	s19 =	spop (v2sf)  }
0x110: {  	[tilespmem:v5+s18+$0x0] =	vst.idx.msk $0xffff, v9;
	s29 =	spop (v2sf);
	s19 =	stileid.u32  }
.LBB2_8:
0x111: {  	p2 =	seq.s32 s7, $0x0;
	s0 =	smov.u32 s13;
	p1 =	seq.s32 s7, $0x1  }
0x112: {  	s1 =	smov.u32 s6;
	s10 =	simm.s32 $0x12500;
	s0 =	smov.u32 @p2 s30  }
0x113: {  	[spmem:s8] =	stream.linear.scatter [tilespmem:s10], [sflag:$0x3], $0x4000, $0x38;
	[tilespmem:$0x1B900] =	vst v63  }
0x114: {  	p0 =	seq.s32 s7, $0x2;
	s1 =	simm.s32 @p2 $0x0;
	s0 =	smov.u32 @p1 s31  }
0x115: {  	_ =	swait.ge [sflag:s20], $0x4000;
	s1 =	smov.u32 @p1 s12;
	s0 =	smov.u32 @p0 s3  }
0x116: {  	[sflag:s20] =	ssyncset.done $0x0;
	s14 =	rddreg [dreg:$0x9];
	s0 =	sadd.s32 $0x7F, s0  }
0x117: {  	s1 =	smov.u32 @p0 s15;
	[sflag:s20] =	ssyncadd.s32 $0xFFFFC000;
	s9 =	sand.u32 $0x7F, s0  }
0x118: {  	[spmem:s14] =	stream.linear.scatter [tilespmem:s10], [sflag:$0x3], $0x1400, $0x38;
	[tilespmem:$0x1B900] =	vst v63  }
0x119: {  	s5 =	sshra.s32 s0, $0x1F;
	p6 =	slt.s32 s0, $0x1;
	p3 =	sne.s32 s9, $0x0  }
0x11a: {  	s5 =	sshrl.u32 s5, $0x19;
	_ =	swait.ge [sflag:s20], $0x1400;
	p2 =	por !p6, !p3  }
0x11b: {  	s0 =	sadd.s32 s5, s0;
	s5 =	simm.s32 $0x1;
	p2 =	por !p2, !p2  }
0x11c: {  	[sflag:s20] =	ssyncset.done $0x0;
	s0 =	sshra.s32 s0, $0x7;
	s5 =	simm.s32 @!p2 $0x0  }
0x11d: {  	s9 =	simm.s32 $0x80;
	[sflag:s20] =	ssyncadd.s32 $0xFFFFEC00;
	s11 =	ssub.s32 s0, s5  }
0x11e: {  	[bflag:$0x0] =	sbarrier.arrive $0xFFFF;
	s5 =	sadd.s32 $0x5000, s1;
	p0 =	sgt.s32 s11, $0x1  }
0x11f: {  	[tilespmem:s21], [sflag:$0x1] =	stream.indirect.gather [hbm4b:s4+s9], $0x80, s5, s9, $0xb8;
	[tilespmem:$0x1B900] =	vst v63  }
0x120: {  	s1 =	sshll.u32 s1, $0x2;
	s11 =	simm.s32 @!p0 $0x1  }
0x121: {  	s14 =	sshra.s32 s1, $0x2;
	s5 =	simm.s32 $0x0;
	s10 =	sadd.s32 $0x1, s11  }
0x122: {  	s1 =	sadd.s32 $0x5100, s14;
	s0 =	sadd.s32 $0x7B00, s14;
	s29 =	sand.u32 $0x7FFFFFFE, s10  }
.LBB2_9:
0x123: {  	_ =	swait.ge [sflag:s16], $0x4000  }
0x124: {  	s9 =	sadd.s32 $0x1, s5;
	[sflag:s16] =	ssyncset.done $0x0  }
0x125: {  	p0 =	sge.u32 s9, s11;
	[sflag:s16] =	ssyncadd.s32 $0xFFFFC000  }
0x126: {  	s9 =	sadd.s32 @!p0 $0xFFFFFF80, s1;
	s10 =	simm.s32 @!p0 $0x80;
	s14 =	simm.s32 @!p0 $0xE500  }
0x127: {  	[tilespmem:s14], [sflag:$0x2] =	stream.indirect.gather @!p0 [hbm4b:s4+s10], $0x80, s9, s10, $0xb8;
	[tilespmem:$0x1B900] =	vst v63  }
0x128: {  	v5 =	vld [tilespmem:s0+$0xFFFFFF80];
	_ =	sdelay $0x7  }
0x129: {  	[spmem:s2] =	stream.indirect_vreg.scatter.add.f32 [tilespmem:s21], [sflag:$0x5], $0x80, v5, vm0, $0xb8;
	[tilespmem:$0x1B900] =	vst v63  }
0x12a: {  	_ =	swait.ge [sflag:s22], $0x800  }
0x12b: {  	[sflag:s22] =	ssyncset.done $0x0  }
0x12c: {  	[sflag:s22] =	ssyncadd.s32 $0xFFFFF800  }
0x12d: {  	v5 =	vld [tilespmem:s0+$0xFFFFFF90];
	_ =	sdelay $0x6  }
0x12e: {  	s10 =	rddreg [dreg:$0x4]  }
0x12f: {  	[spmem:s2] =	stream.indirect_vreg.scatter.add.f32 [tilespmem:s10], [sflag:$0x5], $0x80, v5, vm0, $0xb8;
	[tilespmem:$0x1B900] =	vst v63  }
0x130: {  	_ =	swait.ge [sflag:s22], $0x800  }
0x131: {  	[sflag:s22] =	ssyncset.done $0x0  }
0x132: {  	[sflag:s22] =	ssyncadd.s32 $0xFFFFF800  }
0x133: {  	v5 =	vld [tilespmem:s0+$0xFFFFFFA0];
	_ =	sdelay $0x6  }
0x134: {  	s10 =	rddreg [dreg:$0x5]  }
0x135: {  	[spmem:s2] =	stream.indirect_vreg.scatter.add.f32 [tilespmem:s10], [sflag:$0x5], $0x80, v5, vm0, $0xb8;
	[tilespmem:$0x1B900] =	vst v63  }
0x136: {  	_ =	swait.ge [sflag:s22], $0x800  }
0x137: {  	[sflag:s22] =	ssyncset.done $0x0  }
0x138: {  	[sflag:s22] =	ssyncadd.s32 $0xFFFFF800  }
0x139: {  	v5 =	vld [tilespmem:s0+$0xFFFFFFB0];
	_ =	sdelay $0x7  }
0x13a: {  	[spmem:s2] =	stream.indirect_vreg.scatter.add.f32 [tilespmem:s23], [sflag:$0x5], $0x80, v5, vm0, $0xb8;
	[tilespmem:$0x1B900] =	vst v63  }
0x13b: {  	_ =	swait.ge [sflag:s22], $0x800  }
0x13c: {  	[sflag:s22] =	ssyncset.done $0x0  }
0x13d: {  	[sflag:s22] =	ssyncadd.s32 $0xFFFFF800  }
0x13e: {  	v5 =	vld [tilespmem:s0+$0xFFFFFFC0];
	_ =	sdelay $0x7  }
0x13f: {  	[spmem:s2] =	stream.indirect_vreg.scatter.add.f32 [tilespmem:s24], [sflag:$0x5], $0x80, v5, vm0, $0xb8;
	[tilespmem:$0x1B900] =	vst v63  }
0x140: {  	_ =	swait.ge [sflag:s22], $0x800  }
0x141: {  	[sflag:s22] =	ssyncset.done $0x0  }
0x142: {  	[sflag:s22] =	ssyncadd.s32 $0xFFFFF800  }
0x143: {  	v5 =	vld [tilespmem:s0+$0xFFFFFFD0];
	_ =	sdelay $0x7  }
0x144: {  	[spmem:s2] =	stream.indirect_vreg.scatter.add.f32 [tilespmem:s25], [sflag:$0x5], $0x80, v5, vm0, $0xb8;
	[tilespmem:$0x1B900] =	vst v63  }
0x145: {  	_ =	swait.ge [sflag:s22], $0x800  }
0x146: {  	[sflag:s22] =	ssyncset.done $0x0  }
0x147: {  	[sflag:s22] =	ssyncadd.s32 $0xFFFFF800  }
0x148: {  	v5 =	vld [tilespmem:s0+$0xFFFFFFE0];
	_ =	sdelay $0x7  }
0x149: {  	[spmem:s2] =	stream.indirect_vreg.scatter.add.f32 [tilespmem:s26], [sflag:$0x5], $0x80, v5, vm0, $0xb8;
	[tilespmem:$0x1B900] =	vst v63  }
0x14a: {  	_ =	swait.ge [sflag:s22], $0x800  }
0x14b: {  	[sflag:s22] =	ssyncset.done $0x0  }
0x14c: {  	[sflag:s22] =	ssyncadd.s32 $0xFFFFF800  }
0x14d: {  	v5 =	vld [tilespmem:s0+$0xFFFFFFF0];
	_ =	sdelay $0x7  }
0x14e: {  	[spmem:s2] =	stream.indirect_vreg.scatter.add.f32 [tilespmem:s28], [sflag:$0x5], $0x80, v5, vm0, $0xb8;
	[tilespmem:$0x1B900] =	vst v63  }
0x14f: {  	s5 =	sadd.s32 $0x2, s5;
	_ =	swait.ge [sflag:s22], $0x800  }
0x150: {  	p1 =	sge.u32 s5, s11;
	[sflag:s22] =	ssyncset.done $0x0  }
0x151: {  	s9 =	simm.s32 @!p1 $0x80;
	s10 =	simm.s32 @!p1 $0xA500;
	[sflag:s22] =	ssyncadd.s32 $0xFFFFF800  }
0x152: {  	[tilespmem:s10], [sflag:$0x1] =	stream.indirect.gather @!p1 [hbm4b:s4+s9], $0x80, s1, s9, $0xb8;
	[tilespmem:$0x1B900] =	vst v63  }
0x153: {  	s9 =	simm.s32 @!p0 $0x2  }
0x154: {  	_ =	swait.ge @!p0 [sflag:s9], $0x4000  }
0x155: {  	[sflag:s9] =	ssyncset.done @!p0 $0x0  }
0x156: {  	[sflag:s9] =	ssyncadd.s32 @!p0 $0xFFFFC000  }
0x157: {  	v5 =	vld @!p0 [tilespmem:s0+$0x0];
	_ =	sdelay $0x6  }
0x158: {  	vm1 =	vmmov @!p0 $0xffff;
	s9 =	simm.s32 @!p0 $0x5  }
0x159: {  	[spmem:s2] =	stream.indirect_vreg.scatter.add.f32 @!p0 [tilespmem:s14], [sflag:$0x5], $0x80, v5, vm1, $0xb8;
	[tilespmem:$0x1B900] =	vst v63  }
0x15a: {  	_ =	swait.ge @!p0 [sflag:s9], $0x800  }
0x15b: {  	[sflag:s9] =	ssyncset.done @!p0 $0x0  }
0x15c: {  	[sflag:s9] =	ssyncadd.s32 @!p0 $0xFFFFF800  }
0x15d: {  	v5 =	vld @!p0 [tilespmem:s0+$0x10];
	_ =	sdelay $0x6  }
0x15e: {  	s10 =	simm.s32 @!p0 $0xED00  }
0x15f: {  	[spmem:s2] =	stream.indirect_vreg.scatter.add.f32 @!p0 [tilespmem:s10], [sflag:$0x5], $0x80, v5, vm1, $0xb8;
	[tilespmem:$0x1B900] =	vst v63  }
0x160: {  	_ =	swait.ge @!p0 [sflag:s9], $0x800  }
0x161: {  	[sflag:s9] =	ssyncset.done @!p0 $0x0  }
0x162: {  	[sflag:s9] =	ssyncadd.s32 @!p0 $0xFFFFF800  }
0x163: {  	v5 =	vld @!p0 [tilespmem:s0+$0x20];
	_ =	sdelay $0x6  }
0x164: {  	s10 =	simm.s32 @!p0 $0xF500  }
0x165: {  	[spmem:s2] =	stream.indirect_vreg.scatter.add.f32 @!p0 [tilespmem:s10], [sflag:$0x5], $0x80, v5, vm1, $0xb8;
	[tilespmem:$0x1B900] =	vst v63  }
0x166: {  	_ =	swait.ge @!p0 [sflag:s9], $0x800  }
0x167: {  	[sflag:s9] =	ssyncset.done @!p0 $0x0  }
0x168: {  	[sflag:s9] =	ssyncadd.s32 @!p0 $0xFFFFF800  }
0x169: {  	v5 =	vld @!p0 [tilespmem:s0+$0x30];
	_ =	sdelay $0x6  }
0x16a: {  	s10 =	simm.s32 @!p0 $0xFD00  }
0x16b: {  	[spmem:s2] =	stream.indirect_vreg.scatter.add.f32 @!p0 [tilespmem:s10], [sflag:$0x5], $0x80, v5, vm1, $0xb8;
	[tilespmem:$0x1B900] =	vst v63  }
0x16c: {  	_ =	swait.ge @!p0 [sflag:s9], $0x800  }
0x16d: {  	[sflag:s9] =	ssyncset.done @!p0 $0x0  }
0x16e: {  	[sflag:s9] =	ssyncadd.s32 @!p0 $0xFFFFF800  }
0x16f: {  	v5 =	vld @!p0 [tilespmem:s0+$0x40];
	_ =	sdelay $0x6  }
0x170: {  	s10 =	simm.s32 @!p0 $0x10500  }
0x171: {  	[spmem:s2] =	stream.indirect_vreg.scatter.add.f32 @!p0 [tilespmem:s10], [sflag:$0x5], $0x80, v5, vm1, $0xb8;
	[tilespmem:$0x1B900] =	vst v63  }
0x172: {  	_ =	swait.ge @!p0 [sflag:s9], $0x800  }
0x173: {  	[sflag:s9] =	ssyncset.done @!p0 $0x0  }
0x174: {  	[sflag:s9] =	ssyncadd.s32 @!p0 $0xFFFFF800  }
0x175: {  	v5 =	vld @!p0 [tilespmem:s0+$0x50];
	_ =	sdelay $0x6  }
0x176: {  	s10 =	simm.s32 @!p0 $0x10D00  }
0x177: {  	[spmem:s2] =	stream.indirect_vreg.scatter.add.f32 @!p0 [tilespmem:s10], [sflag:$0x5], $0x80, v5, vm1, $0xb8;
	[tilespmem:$0x1B900] =	vst v63  }
0x178: {  	_ =	swait.ge @!p0 [sflag:s9], $0x800  }
0x179: {  	[sflag:s9] =	ssyncset.done @!p0 $0x0  }
0x17a: {  	[sflag:s9] =	ssyncadd.s32 @!p0 $0xFFFFF800  }
0x17b: {  	v5 =	vld @!p0 [tilespmem:s0+$0x60];
	_ =	sdelay $0x6  }
0x17c: {  	s10 =	simm.s32 @!p0 $0x11500  }
0x17d: {  	[spmem:s2] =	stream.indirect_vreg.scatter.add.f32 @!p0 [tilespmem:s10], [sflag:$0x5], $0x80, v5, vm1, $0xb8;
	[tilespmem:$0x1B900] =	vst v63  }
0x17e: {  	_ =	swait.ge @!p0 [sflag:s9], $0x800  }
0x17f: {  	[sflag:s9] =	ssyncset.done @!p0 $0x0  }
0x180: {  	[sflag:s9] =	ssyncadd.s32 @!p0 $0xFFFFF800  }
0x181: {  	v5 =	vld @!p0 [tilespmem:s0+$0x70];
	_ =	sdelay $0x6  }
0x182: {  	p1 =	sne.s32 s29, s5;
	s9 =	simm.s32 @!p0 $0x11D00  }
0x183: {  	[spmem:s2] =	stream.indirect_vreg.scatter.add.f32 @!p0 [tilespmem:s9], [sflag:$0x4], $0x80, v5, vm1, $0xb8;
	[tilespmem:$0x1B900] =	vst v63  }
.Ltmp3:
0x184: {  	_ = 	snop;
	(pc) =	sbr.rel @p1 .LBB2_9-.Ltmp3, $4  }
0x185: {  	s9 =	simm.s32 @!p0 $0x4  }
0x186: {  	_ =	swait.ge @!p0 [sflag:s9], $0x800  }
0x187: {  	[sflag:s9] =	ssyncset.done @!p0 $0x0  }
0x188: {  	s1 =	sadd.s32 $0x100, s1;
	s0 =	sadd.s32 $0x100, s0;
	[sflag:s9] =	ssyncadd.s32 @!p0 $0xFFFFF800  }
0x189: {  	s0 =	smul.u32 $0x54000, s7  }
0x18a: {  	s1 =	rddreg [dreg:$0xa];
	[bflag:$0x0] =	sbarrier.arrive $0xFFFF;
	s11 =	sshll.u32 s19, $0x6  }
0x18b: {  	s14 =	sshrl.u32 s8, $0x3;
	s29 =	simm.s32 $0x4;
	s0 =	sadd.s32 s0, s1  }
0x18c: {  	s7 =	sadd.s32 $0x1, s7;
	s5 =	rddreg [dreg:$0x6];
	s0 =	sshrl.u32 s0, $0x3  }
0x18d: {  	p0 =	sne.s32 s7, $0x4;
	s1 =	sor.u32 $0x1C04, s11;
	s0 =	sadd.s32 s5, s0  }
0x18e: {  	[hbm:s0], [sflag:s1] =	dma.local [spmem:s14], $0xA80  }
.Ltmp4:
0x18f: {  	_ =	swait.ge [sflag:s29], $0xA80;
	(pc) =	sbr.rel @p0 .LBB2_8-.Ltmp4, $3  }
0x190: {  	[sflag:s29] =	ssyncset.done $0x0  }
0x191: {  	[sflag:s29] =	ssyncadd.s32 $0xFFFFF580  }
0x192: {  	[bflag:$0x0] =	sbarrier.arrive $0xFFFF;
	_ =	sdelay $0x1  }
0x193: {  	s1 =	rddreg [dreg:$0xc]  }
0x194: {  	s0 =	rddreg [dreg:$0xb];
	s1 =	sadd.s32 $0x1, s1  }
0x195: {  	p0 =	sne.s32 s1, s0  }
.Ltmp5:
0x196: {  	_ = 	snop;
	(pc) =	sbr.rel @p0 .LBB2_1-.Ltmp5, $1  }
0x197: {  	_ =	sdelay $0x3  }
0x198: {  	_ =	sfence.sel $0x180000  }
0x199: {  	[bflag:$0x0] =	sbarrier.arrive $0xFFFF  }
0x19a: {  	_ =	strace $0x90000047  }
0x19b: {  	[bflag:$0x2] =	sbarrier.arrive $0xFFFF  }
0x19c: {  	p0 =	sne.s32 s19, $0x0;
	s0 =	rddreg [dreg:$0x3]  }
0x19d: {  	s0 =	sadd.s32 @!p0 $0x100000, s0  }
0x19e: {  	[sflag:s0] =	ssyncadd.tile.s32 @!p0 $0x1;
	_ =	shalt  }
.Lfunc_end2:
_tile_overlayer_lowered:
.L_overlay_start_2:
0x19f: {  	(tag) =	ssettag $0x2  }
0x1a0: {  	s0 =	rddreg [dreg:$0x0];
	s2 =	stileid.u32  }
0x1a1: {  	s1 =	rddreg [dreg:$0x1];
	p0 =	sne.s32 s2, $0x0  }
0x1a2: {  	s3 =	rddreg [dreg:$0x2];
	[bflag:$0x3] =	sbarrier.arrive $0xFFFF;
	s2 =	simm.s32 @!p0 $0x1C04  }
0x1a3: {  	[timem:s3], [sflag:s2] =	dma.local @!p0 [hbm:s0], s1  }
0x1a4: {  	s0 =	simm.s32 @!p0 $0x4  }
0x1a5: {  	_ =	swait.ge @!p0 [sflag:s0], s1  }
0x1a6: {  	s1 =	ssub.s32 @!p0 $0x0, s1;
	[sflag:s0] =	ssyncset.done @!p0 $0x0  }
0x1a7: {  	[sflag:s0] =	ssyncadd.s32 @!p0 s1  }
0x1a8: {  	[bflag:$0x3] =	sbarrier.arrive $0xFFFF  }
0x1a9: {  	_ =	shalt  }

</sc_bundles>
